<compile_context>
chip_gen: v7x
topology: tpu7x:2x2x1
jax: 0.10.2.dev20260603
libtpu: 0.0.44.dev20260713+nightly
codegen_flags: <defaults>
</compile_context>

<pallas_src>
import jax
import jax.numpy as jnp
from jax import lax
from jax.experimental import pallas as pl
from jax.experimental.pallas import tpu as pltpu
from jax.experimental.pallas import tpu_sc as plsc

N = 100000
F = 1600000
B = 16

NUM_CORES = 2
NUM_SUBCORES = 16
L = 16

FACES_PER_TILE = F // NUM_SUBCORES
T = 2000
NCHUNK = FACES_PER_TILE // T
TI = T // L


def _rsqrt_newton(q):
  qi = lax.bitcast_convert_type(q, jnp.int32)
  yi = jnp.int32(0x5F3759DF) - lax.shift_right_logical(qi, 1)
  y = lax.bitcast_convert_type(yi, jnp.float32)
  for _ in range(3):
    y = y * (1.5 - 0.5 * q * y * y)
  return y


def _body(t1x, t1y, t1z, t1b, t2x, t2y, t2z, t2b,
          fa0, fa1, fa2, fb0, fb1, fb2, out,
          tx, ty, tz, tb, partials,
          idxA0, idxA1, idxA2, idxB0, idxB1, idxB2,
          dA0x, dA0y, dA0z, dA0b, dA1x, dA1y, dA1z, dA2x, dA2y, dA2z,
          dB0x, dB0y, dB0z, dB0b, dB1x, dB1y, dB1z, dB2x, dB2y, dB2z,
          acc0, acc1, acc2, acc3, acc4, acc5, acc6, res, bigbuf,
          semIA, semIB, semGA, semGB):
  accs = [acc0, acc1, acc2, acc3, acc4, acc5, acc6]
  bufA = (idxA0, idxA1, idxA2,
          dA0x, dA0y, dA0z, dA0b, dA1x, dA1y, dA1z, dA2x, dA2y, dA2z)
  bufB = (idxB0, idxB1, idxB2,
          dB0x, dB0y, dB0z, dB0b, dB1x, dB1y, dB1z, dB2x, dB2y, dB2z)
  c = lax.axis_index("c")
  s = lax.axis_index("s")

  @pl.when(jnp.logical_and(c == 0, s == 0))
  def _():
    pltpu.sync_copy(t1x, tx)
    pltpu.sync_copy(t1y, ty)
    pltpu.sync_copy(t1z, tz)
    pltpu.sync_copy(t1b, tb)

  @pl.when(jnp.logical_and(c == 1, s == 0))
  def _():
    pltpu.sync_copy(t2x, tx)
    pltpu.sync_copy(t2y, ty)
    pltpu.sync_copy(t2z, tz)
    pltpu.sync_copy(t2b, tb)

  plsc.subcore_barrier()

  zeros = jnp.zeros((L,), jnp.float32)
  for a in accs:
    for r in range(L):
      a[pl.ds(r * L, L)] = zeros

  lanes = lax.iota(jnp.int32, L)
  loff = lanes * L
  ones = jnp.ones((L,), jnp.float32)

  def fire_idx(k, buf, sem):
    base = s * FACES_PER_TILE + k * T

    @pl.when(c == 0)
    def _():
      for src, dst in ((fa0, buf[0]), (fa1, buf[1]), (fa2, buf[2])):
        pltpu.async_copy(src.at[pl.ds(base, T)], dst, sem)

    @pl.when(c == 1)
    def _():
      for src, dst in ((fb0, buf[0]), (fb1, buf[1]), (fb2, buf[2])):
        pltpu.async_copy(src.at[pl.ds(base, T)], dst, sem)

  def wait_idx(buf, sem):
    for dst in buf[:3]:
      pltpu.make_async_copy(fa0.at[pl.ds(0, T)], dst, sem).wait()

  def fire_gathers(buf, sem):
    idx0, idx1, idx2 = buf[:3]
    gathers = [
        (tx, idx0, buf[3]), (ty, idx0, buf[4]), (tz, idx0, buf[5]),
        (tb, idx0, buf[6]),
        (tx, idx1, buf[7]), (ty, idx1, buf[8]), (tz, idx1, buf[9]),
        (tx, idx2, buf[10]), (ty, idx2, buf[11]), (tz, idx2, buf[12]),
    ]
    return [pltpu.async_copy(t.at[i], d, sem) for (t, i, d) in gathers]

  def wait_gathers(buf, sem):
    for d in buf[3:]:
      pltpu.make_async_copy(tx.at[buf[0]], d, sem).wait()

  def compute_chunk(buf):
    (_, _, _, d0x, d0y, d0z, d0b,
     d1x, d1y, d1z, d2x, d2y, d2z) = buf

    def vec_body(i, carry2):
      sl = pl.ds(i * L, L)
      v0x, v0y, v0z = d0x[sl], d0y[sl], d0z[sl]
      v1x, v1y, v1z = d1x[sl], d1y[sl], d1z[sl]
      v2x, v2y, v2z = d2x[sl], d2y[sl], d2z[sl]

      s1x = v1x - v0x
      s1y = v1y - v0y
      s1z = v1z - v0z
      s2x = v2x - v0x
      s2y = v2y - v0y
      s2z = v2z - v0z

      nx = s1y * s2z - s1z * s2y
      ny = s1z * s2x - s1x * s2z
      nz = s1x * s2y - s1y * s2x

      qq = nx * nx + ny * ny + nz * nz
      y = _rsqrt_newton(qq)
      inv = 1.0 / (qq * y + 1e-8)
      ux = nx * inv
      uy = ny * inv
      uz = nz * inv

      slot = loff + d0b[sl].astype(jnp.int32)
      plsc.addupdate_scatter(acc0, [slot], ones)
      plsc.addupdate_scatter(acc1, [slot], ux)
      plsc.addupdate_scatter(acc2, [slot], uy)
      plsc.addupdate_scatter(acc3, [slot], uz)
      plsc.addupdate_scatter(acc4, [slot], ux * ux)
      plsc.addupdate_scatter(acc5, [slot], uy * uy)
      plsc.addupdate_scatter(acc6, [slot], uz * uz)
      return carry2

    lax.fori_loop(0, TI, vec_body, 0)

  NPAIR = NCHUNK // 2
  fire_idx(0, bufA, semIA)
  wait_idx(bufA, semIA)
  fire_gathers(bufA, semGA)
  fire_idx(1, bufB, semIB)

  def pair_body(j, carry):
    not_last = j < NPAIR - 1
    wait_idx(bufB, semIB)
    fire_gathers(bufB, semGB)
    wait_gathers(bufA, semGA)

    @pl.when(not_last)
    def _():
      fire_idx(2 * j + 2, bufA, semIA)

    compute_chunk(bufA)

    @pl.when(not_last)
    def _():
      wait_idx(bufA, semIA)
      fire_gathers(bufA, semGA)

    wait_gathers(bufB, semGB)

    @pl.when(not_last)
    def _():
      fire_idx(2 * j + 3, bufB, semIB)

    compute_chunk(bufB)
    return carry

  lax.fori_loop(0, NPAIR, pair_body, 0)

  for q, a in enumerate(accs):
    tot = a[pl.ds(0, L)]
    for r in range(1, L):
      tot = tot + a[pl.ds(r * L, L)]
    res[pl.ds(q * L, L)] = tot
  res[pl.ds(7 * L, L)] = zeros
  pltpu.sync_copy(res, partials.at[pl.ds(s * 8 * B, 8 * B)])
  plsc.subcore_barrier()

  @pl.when(s == 0)
  def _():
    pltpu.sync_copy(partials, bigbuf)
    for q in range(8):
      tot = bigbuf[pl.ds(q * L, L)]
      for t in range(1, NUM_SUBCORES):
        tot = tot + bigbuf[pl.ds(t * 8 * B + q * L, L)]
      res[pl.ds(q * L, L)] = tot
    pltpu.sync_copy(res, out.at[pl.ds(c * 8 * B, 8 * B)])


@jax.jit
def kernel(x1, x2, b1, b2, f1, f2):
  t1b = b1.astype(jnp.float32)
  t2b = b2.astype(jnp.float32)
  f1i = f1.astype(jnp.int32)
  f2i = f2.astype(jnp.int32)

  mesh = plsc.VectorSubcoreMesh(
      core_axis_name="c", subcore_axis_name="s",
      num_cores=NUM_CORES, num_subcores=NUM_SUBCORES)
  run = pl.kernel(
      _body,
      out_type=jax.ShapeDtypeStruct((2 * 8 * B,), jnp.float32),
      mesh=mesh,
      compiler_params=pltpu.CompilerParams(needs_layout_passes=False),
      scratch_types=[
          pltpu.VMEM_SHARED((N,), jnp.float32),
          pltpu.VMEM_SHARED((N,), jnp.float32),
          pltpu.VMEM_SHARED((N,), jnp.float32),
          pltpu.VMEM_SHARED((N,), jnp.float32),
          pltpu.VMEM_SHARED((NUM_SUBCORES * 8 * B,), jnp.float32),
          pltpu.VMEM((T,), jnp.int32),
          pltpu.VMEM((T,), jnp.int32),
          pltpu.VMEM((T,), jnp.int32),
          pltpu.VMEM((T,), jnp.int32),
          pltpu.VMEM((T,), jnp.int32),
          pltpu.VMEM((T,), jnp.int32),
          pltpu.VMEM((T,), jnp.float32),
          pltpu.VMEM((T,), jnp.float32),
          pltpu.VMEM((T,), jnp.float32),
          pltpu.VMEM((T,), jnp.float32),
          pltpu.VMEM((T,), jnp.float32),
          pltpu.VMEM((T,), jnp.float32),
          pltpu.VMEM((T,), jnp.float32),
          pltpu.VMEM((T,), jnp.float32),
          pltpu.VMEM((T,), jnp.float32),
          pltpu.VMEM((T,), jnp.float32),
          pltpu.VMEM((T,), jnp.float32),
          pltpu.VMEM((T,), jnp.float32),
          pltpu.VMEM((T,), jnp.float32),
          pltpu.VMEM((T,), jnp.float32),
          pltpu.VMEM((T,), jnp.float32),
          pltpu.VMEM((T,), jnp.float32),
          pltpu.VMEM((T,), jnp.float32),
          pltpu.VMEM((T,), jnp.float32),
          pltpu.VMEM((T,), jnp.float32),
          pltpu.VMEM((T,), jnp.float32),
          pltpu.VMEM((L * B,), jnp.float32),
          pltpu.VMEM((L * B,), jnp.float32),
          pltpu.VMEM((L * B,), jnp.float32),
          pltpu.VMEM((L * B,), jnp.float32),
          pltpu.VMEM((L * B,), jnp.float32),
          pltpu.VMEM((L * B,), jnp.float32),
          pltpu.VMEM((L * B,), jnp.float32),
          pltpu.VMEM((8 * B,), jnp.float32),
          pltpu.VMEM((NUM_SUBCORES * 8 * B,), jnp.float32),
          pltpu.SemaphoreType.DMA,
          pltpu.SemaphoreType.DMA,
          pltpu.SemaphoreType.DMA,
          pltpu.SemaphoreType.DMA,
      ],
  )
  stats = run(x1[:, 0], x1[:, 1], x1[:, 2], t1b,
              x2[:, 0], x2[:, 1], x2[:, 2], t2b,
              f1i[0], f1i[1], f1i[2], f2i[0], f2i[1], f2i[2])
  stats = stats.reshape(2, 8, B)

  cnt1 = stats[0, 0]
  sum1 = stats[0, 1:4]
  cnt2 = stats[1, 0]
  sum2 = stats[1, 1:4]
  ssq2 = stats[1, 4:7]
  mean1 = sum1 / cnt1
  mean2 = sum2 / cnt2
  var2 = (ssq2 - cnt2 * mean2 * mean2) / (cnt2 - 1.0)
  std2 = jnp.sqrt(jnp.maximum(var2, 0.0))
  consistency = jnp.sum(jnp.sqrt(jnp.sum(std2 * std2, axis=0)))
  similarity = jnp.sum(jnp.sqrt(jnp.sum((mean1 - mean2) ** 2, axis=0)))
  return jnp.reshape(consistency + similarity, (1,))

# --- scband reference (transcript-rebuilt; emitter-appended) ---
"""Pipeline reference for scband-face-normal-loss-12060268167280 (READ-ONLY COPY).

The authoritative reference and input builder live on the scoring server;
editing this copy changes nothing except your own understanding.
"""

import jax, jax.numpy as jnp
import numpy as np

N = 100000
F = 1600000
B = 16


def setup_inputs(seed: int = 0) -> dict:
    key = jax.random.key(seed)
    k1, k2, k3, k4, k5, k6 = jax.random.split(key, 6)
    x1 = jax.random.normal(k1, (N, 3), dtype=jnp.float32)
    x2 = jax.random.normal(k2, (N, 3), dtype=jnp.float32)
    b1 = jnp.sort(jax.random.randint(k3, (N,), 0, B)).astype(jnp.int64)
    b2 = jnp.sort(jax.random.randint(k4, (N,), 0, B)).astype(jnp.int64)
    f1 = jax.random.randint(k5, (3, F), 0, N).astype(jnp.int64)
    f2 = jax.random.randint(k6, (3, F), 0, N).astype(jnp.int64)
    return {"x1": x1, "x2": x2, "b1": b1, "b2": b2, "f1": f1, "f2": f2}


def _face_norm(face_verts):
    # face_verts: [3, F, 3]
    side1 = face_verts[1] - face_verts[0]
    side2 = face_verts[2] - face_verts[0]
    norm_vec = jnp.cross(side1, side2)
    unit_norm = norm_vec / (jnp.linalg.norm(norm_vec, axis=-1, keepdims=True) + 1e-08)
    return unit_norm


def reference(x1, x2, b1, b2, f1, f2):
    norm1 = _face_norm(x1[f1, :])  # [F, 3]
    norm2 = _face_norm(x2[f2, :])  # [F, 3]
    batch1 = b1[f1[0]]  # [F]
    batch2 = b2[f2[0]]  # [F]
    ones = jnp.ones((F,), dtype=norm1.dtype)
    cnt1 = jax.ops.segment_sum(ones, batch1, num_segments=B)  # [B]
    cnt2 = jax.ops.segment_sum(ones, batch2, num_segments=B)  # [B]
    sum1 = jax.ops.segment_sum(norm1, batch1, num_segments=B)  # [B, 3]
    sum2 = jax.ops.segment_sum(norm2, batch2, num_segments=B)  # [B, 3]
    sumsq2 = jax.ops.segment_sum(norm2 * norm2, batch2, num_segments=B)  # [B, 3]
    mean1 = sum1 / cnt1[:, None]
    mean2 = sum2 / cnt2[:, None]
    # unbiased (ddof=1) per-component std, matching torch .std(0)
    var2 = (sumsq2 - cnt2[:, None] * mean2 * mean2) / (cnt2[:, None] - 1.0)
    std2 = jnp.sqrt(jnp.maximum(var2, 0.0))
    consistency = jnp.sum(jnp.linalg.norm(std2, axis=-1))
    similarity = jnp.sum(jnp.linalg.norm(mean1 - mean2, axis=-1))
    return jnp.reshape(consistency + similarity, (1,))

if __name__ == "__main__":
    import jax
    _d = setup_inputs()
    print(jax.jit(kernel)(*tuple(_d.values())))

</pallas_src>

<mosaic_0001>
#map = affine_map<(d0, d1) -> (0)>
module attributes {stable_mosaic.version = 14 : i64} {
  func.func @_body(%arg0: i32, %arg1: i32, %arg2: memref<100000xf32, #tpu.memory_space<hbm>>, %arg3: memref<100000xf32, #tpu.memory_space<hbm>>, %arg4: memref<100000xf32, #tpu.memory_space<hbm>>, %arg5: memref<100000xf32, #tpu.memory_space<hbm>>, %arg6: memref<100000xf32, #tpu.memory_space<hbm>>, %arg7: memref<100000xf32, #tpu.memory_space<hbm>>, %arg8: memref<100000xf32, #tpu.memory_space<hbm>>, %arg9: memref<100000xf32, #tpu.memory_space<hbm>>, %arg10: memref<1600000xi32, #tpu.memory_space<hbm>>, %arg11: memref<1600000xi32, #tpu.memory_space<hbm>>, %arg12: memref<1600000xi32, #tpu.memory_space<hbm>>, %arg13: memref<1600000xi32, #tpu.memory_space<hbm>>, %arg14: memref<1600000xi32, #tpu.memory_space<hbm>>, %arg15: memref<1600000xi32, #tpu.memory_space<hbm>>, %arg16: memref<256xf32, #tpu.memory_space<hbm>>, %arg17: memref<100000xf32, #tpu.memory_space<vmem_shared>>, %arg18: memref<100000xf32, #tpu.memory_space<vmem_shared>>, %arg19: memref<100000xf32, #tpu.memory_space<vmem_shared>>, %arg20: memref<100000xf32, #tpu.memory_space<vmem_shared>>, %arg21: memref<2048xf32, #tpu.memory_space<vmem_shared>>, %arg22: memref<2000xi32, #tpu.memory_space<vmem>>, %arg23: memref<2000xi32, #tpu.memory_space<vmem>>, %arg24: memref<2000xi32, #tpu.memory_space<vmem>>, %arg25: memref<2000xi32, #tpu.memory_space<vmem>>, %arg26: memref<2000xi32, #tpu.memory_space<vmem>>, %arg27: memref<2000xi32, #tpu.memory_space<vmem>>, %arg28: memref<2000xf32, #tpu.memory_space<vmem>>, %arg29: memref<2000xf32, #tpu.memory_space<vmem>>, %arg30: memref<2000xf32, #tpu.memory_space<vmem>>, %arg31: memref<2000xf32, #tpu.memory_space<vmem>>, %arg32: memref<2000xf32, #tpu.memory_space<vmem>>, %arg33: memref<2000xf32, #tpu.memory_space<vmem>>, %arg34: memref<2000xf32, #tpu.memory_space<vmem>>, %arg35: memref<2000xf32, #tpu.memory_space<vmem>>, %arg36: memref<2000xf32, #tpu.memory_space<vmem>>, %arg37: memref<2000xf32, #tpu.memory_space<vmem>>, %arg38: memref<2000xf32, #tpu.memory_space<vmem>>, %arg39: memref<2000xf32, #tpu.memory_space<vmem>>, %arg40: memref<2000xf32, #tpu.memory_space<vmem>>, %arg41: memref<2000xf32, #tpu.memory_space<vmem>>, %arg42: memref<2000xf32, #tpu.memory_space<vmem>>, %arg43: memref<2000xf32, #tpu.memory_space<vmem>>, %arg44: memref<2000xf32, #tpu.memory_space<vmem>>, %arg45: memref<2000xf32, #tpu.memory_space<vmem>>, %arg46: memref<2000xf32, #tpu.memory_space<vmem>>, %arg47: memref<2000xf32, #tpu.memory_space<vmem>>, %arg48: memref<256xf32, #tpu.memory_space<vmem>>, %arg49: memref<256xf32, #tpu.memory_space<vmem>>, %arg50: memref<256xf32, #tpu.memory_space<vmem>>, %arg51: memref<256xf32, #tpu.memory_space<vmem>>, %arg52: memref<256xf32, #tpu.memory_space<vmem>>, %arg53: memref<256xf32, #tpu.memory_space<vmem>>, %arg54: memref<256xf32, #tpu.memory_space<vmem>>, %arg55: memref<128xf32, #tpu.memory_space<vmem>>, %arg56: memref<2048xf32, #tpu.memory_space<vmem>>, %arg57: memref<!tpu.dma_semaphore, #tpu.memory_space<semaphore_mem>>, %arg58: memref<!tpu.dma_semaphore, #tpu.memory_space<semaphore_mem>>, %arg59: memref<!tpu.dma_semaphore, #tpu.memory_space<semaphore_mem>>, %arg60: memref<!tpu.dma_semaphore, #tpu.memory_space<semaphore_mem>>) attributes {dimension_semantics = [#tpu.dimension_semantics<core_parallel>, #tpu.dimension_semantics<subcore_parallel>], iteration_bounds = array<i64: 2, 16>, scalar_prefetch = 0 : i64, scratch_operands = 44 : i64, tpu.core_type = #tpu.core_type<sc_vector_subcore>, window_params = [{transform_indices = #map}, {transform_indices = #map}, {transform_indices = #map}, {transform_indices = #map}, {transform_indices = #map}, {transform_indices = #map}, {transform_indices = #map}, {transform_indices = #map}, {transform_indices = #map}, {transform_indices = #map}, {transform_indices = #map}, {transform_indices = #map}, {transform_indices = #map}, {transform_indices = #map}, {transform_indices = #map}]} {
    %eq3A = arith.constant 0 : i32
    %eq3A_0 = arith.cmpi eq, %arg0, %eq3A : i32
    %eq3A_1 = arith.constant 0 : i32
    %eq3A_2 = arith.cmpi eq, %arg1, %eq3A_1 : i32
    %and3A = arith.andi %eq3A_0, %eq3A_2 : i1
    %convert_element_type3A = arith.extui %and3A : i1 to i32
    %cond3A = arith.constant 0 : i32
    %cond3A_3 = arith.cmpi ne, %convert_element_type3A, %cond3A : i32
    scf.if %cond3A_3 {
      "tpu.region"() ({
        %run_scoped3A = tpu.sem_alloc : memref<!tpu.dma_semaphore, #tpu.memory_space<semaphore_mem>>
        tpu.enqueue_dma source(%arg2 : memref<100000xf32, #tpu.memory_space<hbm>>) target(%arg17 : memref<100000xf32, #tpu.memory_space<vmem_shared>>) target_semaphore(%run_scoped3A : memref<!tpu.dma_semaphore, #tpu.memory_space<semaphore_mem>>)
        tpu.wait_dma2 semaphore(%run_scoped3A : memref<!tpu.dma_semaphore, #tpu.memory_space<semaphore_mem>>) src(%arg2 : memref<100000xf32, #tpu.memory_space<hbm>>) dst(%arg17 : memref<100000xf32, #tpu.memory_space<vmem_shared>>)
        tpu.yield
      }) : () -> ()
      "tpu.region"() ({
        %run_scoped3A = tpu.sem_alloc : memref<!tpu.dma_semaphore, #tpu.memory_space<semaphore_mem>>
        tpu.enqueue_dma source(%arg3 : memref<100000xf32, #tpu.memory_space<hbm>>) target(%arg18 : memref<100000xf32, #tpu.memory_space<vmem_shared>>) target_semaphore(%run_scoped3A : memref<!tpu.dma_semaphore, #tpu.memory_space<semaphore_mem>>)
        tpu.wait_dma2 semaphore(%run_scoped3A : memref<!tpu.dma_semaphore, #tpu.memory_space<semaphore_mem>>) src(%arg3 : memref<100000xf32, #tpu.memory_space<hbm>>) dst(%arg18 : memref<100000xf32, #tpu.memory_space<vmem_shared>>)
        tpu.yield
      }) : () -> ()
      "tpu.region"() ({
        %run_scoped3A = tpu.sem_alloc : memref<!tpu.dma_semaphore, #tpu.memory_space<semaphore_mem>>
        tpu.enqueue_dma source(%arg4 : memref<100000xf32, #tpu.memory_space<hbm>>) target(%arg19 : memref<100000xf32, #tpu.memory_space<vmem_shared>>) target_semaphore(%run_scoped3A : memref<!tpu.dma_semaphore, #tpu.memory_space<semaphore_mem>>)
        tpu.wait_dma2 semaphore(%run_scoped3A : memref<!tpu.dma_semaphore, #tpu.memory_space<semaphore_mem>>) src(%arg4 : memref<100000xf32, #tpu.memory_space<hbm>>) dst(%arg19 : memref<100000xf32, #tpu.memory_space<vmem_shared>>)
        tpu.yield
      }) : () -> ()
      "tpu.region"() ({
        %run_scoped3A = tpu.sem_alloc : memref<!tpu.dma_semaphore, #tpu.memory_space<semaphore_mem>>
        tpu.enqueue_dma source(%arg5 : memref<100000xf32, #tpu.memory_space<hbm>>) target(%arg20 : memref<100000xf32, #tpu.memory_space<vmem_shared>>) target_semaphore(%run_scoped3A : memref<!tpu.dma_semaphore, #tpu.memory_space<semaphore_mem>>)
        tpu.wait_dma2 semaphore(%run_scoped3A : memref<!tpu.dma_semaphore, #tpu.memory_space<semaphore_mem>>) src(%arg5 : memref<100000xf32, #tpu.memory_space<hbm>>) dst(%arg20 : memref<100000xf32, #tpu.memory_space<vmem_shared>>)
        tpu.yield
      }) : () -> ()
    } else {
    }
    %eq3A_4 = arith.constant 1 : i32
    %eq3A_5 = arith.cmpi eq, %arg0, %eq3A_4 : i32
    %eq3A_6 = arith.constant 0 : i32
    %eq3A_7 = arith.cmpi eq, %arg1, %eq3A_6 : i32
    %and3A_8 = arith.andi %eq3A_5, %eq3A_7 : i1
    %convert_element_type3A_9 = arith.extui %and3A_8 : i1 to i32
    %cond3A_10 = arith.constant 0 : i32
    %cond3A_11 = arith.cmpi ne, %convert_element_type3A_9, %cond3A_10 : i32
    scf.if %cond3A_11 {
      "tpu.region"() ({
        %run_scoped3A = tpu.sem_alloc : memref<!tpu.dma_semaphore, #tpu.memory_space<semaphore_mem>>
        tpu.enqueue_dma source(%arg6 : memref<100000xf32, #tpu.memory_space<hbm>>) target(%arg17 : memref<100000xf32, #tpu.memory_space<vmem_shared>>) target_semaphore(%run_scoped3A : memref<!tpu.dma_semaphore, #tpu.memory_space<semaphore_mem>>)
        tpu.wait_dma2 semaphore(%run_scoped3A : memref<!tpu.dma_semaphore, #tpu.memory_space<semaphore_mem>>) src(%arg6 : memref<100000xf32, #tpu.memory_space<hbm>>) dst(%arg17 : memref<100000xf32, #tpu.memory_space<vmem_shared>>)
        tpu.yield
      }) : () -> ()
      "tpu.region"() ({
        %run_scoped3A = tpu.sem_alloc : memref<!tpu.dma_semaphore, #tpu.memory_space<semaphore_mem>>
        tpu.enqueue_dma source(%arg7 : memref<100000xf32, #tpu.memory_space<hbm>>) target(%arg18 : memref<100000xf32, #tpu.memory_space<vmem_shared>>) target_semaphore(%run_scoped3A : memref<!tpu.dma_semaphore, #tpu.memory_space<semaphore_mem>>)
        tpu.wait_dma2 semaphore(%run_scoped3A : memref<!tpu.dma_semaphore, #tpu.memory_space<semaphore_mem>>) src(%arg7 : memref<100000xf32, #tpu.memory_space<hbm>>) dst(%arg18 : memref<100000xf32, #tpu.memory_space<vmem_shared>>)
        tpu.yield
      }) : () -> ()
      "tpu.region"() ({
        %run_scoped3A = tpu.sem_alloc : memref<!tpu.dma_semaphore, #tpu.memory_space<semaphore_mem>>
        tpu.enqueue_dma source(%arg8 : memref<100000xf32, #tpu.memory_space<hbm>>) target(%arg19 : memref<100000xf32, #tpu.memory_space<vmem_shared>>) target_semaphore(%run_scoped3A : memref<!tpu.dma_semaphore, #tpu.memory_space<semaphore_mem>>)
        tpu.wait_dma2 semaphore(%run_scoped3A : memref<!tpu.dma_semaphore, #tpu.memory_space<semaphore_mem>>) src(%arg8 : memref<100000xf32, #tpu.memory_space<hbm>>) dst(%arg19 : memref<100000xf32, #tpu.memory_space<vmem_shared>>)
        tpu.yield
      }) : () -> ()
      "tpu.region"() ({
        %run_scoped3A = tpu.sem_alloc : memref<!tpu.dma_semaphore, #tpu.memory_space<semaphore_mem>>
        tpu.enqueue_dma source(%arg9 : memref<100000xf32, #tpu.memory_space<hbm>>) target(%arg20 : memref<100000xf32, #tpu.memory_space<vmem_shared>>) target_semaphore(%run_scoped3A : memref<!tpu.dma_semaphore, #tpu.memory_space<semaphore_mem>>)
        tpu.wait_dma2 semaphore(%run_scoped3A : memref<!tpu.dma_semaphore, #tpu.memory_space<semaphore_mem>>) src(%arg9 : memref<100000xf32, #tpu.memory_space<hbm>>) dst(%arg20 : memref<100000xf32, #tpu.memory_space<vmem_shared>>)
        tpu.yield
      }) : () -> ()
    } else {
    }
    %barrier3A = arith.constant 0 : index
    tpu.barrier barrier_id(%barrier3A)
    %broadcast_in_dim3A = arith.constant 0.000000e+00 : f32
    %broadcast_in_dim3A_12 = vector.broadcast %broadcast_in_dim3A : f32 to vector<16xf32>
    %swap3A = arith.constant 0 : index
    %swap3A_13 = tpu.vector_load %arg48[%swap3A] {strides = array<i32>} : memref<256xf32, #tpu.memory_space<vmem>>, vector<16xf32>,
    tpu.vector_store %arg48[%swap3A], %broadcast_in_dim3A_12 {strides = array<i32>} : memref<256xf32, #tpu.memory_space<vmem>>, vector<16xf32>,
    %swap3A_14 = arith.constant 16 : index
    %swap3A_15 = tpu.vector_load %arg48[%swap3A_14] {strides = array<i32>} : memref<256xf32, #tpu.memory_space<vmem>>, vector<16xf32>,
    tpu.vector_store %arg48[%swap3A_14], %broadcast_in_dim3A_12 {strides = array<i32>} : memref<256xf32, #tpu.memory_space<vmem>>, vector<16xf32>,
    %swap3A_16 = arith.constant 32 : index
    %swap3A_17 = tpu.vector_load %arg48[%swap3A_16] {strides = array<i32>} : memref<256xf32, #tpu.memory_space<vmem>>, vector<16xf32>,
    tpu.vector_store %arg48[%swap3A_16], %broadcast_in_dim3A_12 {strides = array<i32>} : memref<256xf32, #tpu.memory_space<vmem>>, vector<16xf32>,
    %swap3A_18 = arith.constant 48 : index
    %swap3A_19 = tpu.vector_load %arg48[%swap3A_18] {strides = array<i32>} : memref<256xf32, #tpu.memory_space<vmem>>, vector<16xf32>,
    tpu.vector_store %arg48[%swap3A_18], %broadcast_in_dim3A_12 {strides = array<i32>} : memref<256xf32, #tpu.memory_space<vmem>>, vector<16xf32>,
    %swap3A_20 = arith.constant 64 : index
    %swap3A_21 = tpu.vector_load %arg48[%swap3A_20] {strides = array<i32>} : memref<256xf32, #tpu.memory_space<vmem>>, vector<16xf32>,
    tpu.vector_store %arg48[%swap3A_20], %broadcast_in_dim3A_12 {strides = array<i32>} : memref<256xf32, #tpu.memory_space<vmem>>, vector<16xf32>,
    %swap3A_22 = arith.constant 80 : index
    %swap3A_23 = tpu.vector_load %arg48[%swap3A_22] {strides = array<i32>} : memref<256xf32, #tpu.memory_space<vmem>>, vector<16xf32>,
    tpu.vector_store %arg48[%swap3A_22], %broadcast_in_dim3A_12 {strides = array<i32>} : memref<256xf32, #tpu.memory_space<vmem>>, vector<16xf32>,
    %swap3A_24 = arith.constant 96 : index
    %swap3A_25 = tpu.vector_load %arg48[%swap3A_24] {strides = array<i32>} : memref<256xf32, #tpu.memory_space<vmem>>, vector<16xf32>,
    tpu.vector_store %arg48[%swap3A_24], %broadcast_in_dim3A_12 {strides = array<i32>} : memref<256xf32, #tpu.memory_space<vmem>>, vector<16xf32>,
    %swap3A_26 = arith.constant 112 : index
    %swap3A_27 = tpu.vector_load %arg48[%swap3A_26] {strides = array<i32>} : memref<256xf32, #tpu.memory_space<vmem>>, vector<16xf32>,
    tpu.vector_store %arg48[%swap3A_26], %broadcast_in_dim3A_12 {strides = array<i32>} : memref<256xf32, #tpu.memory_space<vmem>>, vector<16xf32>,
    %swap3A_28 = arith.constant 128 : index
    %swap3A_29 = tpu.vector_load %arg48[%swap3A_28] {strides = array<i32>} : memref<256xf32, #tpu.memory_space<vmem>>, vector<16xf32>,
    tpu.vector_store %arg48[%swap3A_28], %broadcast_in_dim3A_12 {strides = array<i32>} : memref<256xf32, #tpu.memory_space<vmem>>, vector<16xf32>,
    %swap3A_30 = arith.constant 144 : index
    %swap3A_31 = tpu.vector_load %arg48[%swap3A_30] {strides = array<i32>} : memref<256xf32, #tpu.memory_space<vmem>>, vector<16xf32>,
    tpu.vector_store %arg48[%swap3A_30], %broadcast_in_dim3A_12 {strides = array<i32>} : memref<256xf32, #tpu.memory_space<vmem>>, vector<16xf32>,
    %swap3A_32 = arith.constant 160 : index
    %swap3A_33 = tpu.vector_load %arg48[%swap3A_32] {strides = array<i32>} : memref<256xf32, #tpu.memory_space<vmem>>, vector<16xf32>,
    tpu.vector_store %arg48[%swap3A_32], %broadcast_in_dim3A_12 {strides = array<i32>} : memref<256xf32, #tpu.memory_space<vmem>>, vector<16xf32>,
    %swap3A_34 = arith.constant 176 : index
    %swap3A_35 = tpu.vector_load %arg48[%swap3A_34] {strides = array<i32>} : memref<256xf32, #tpu.memory_space<vmem>>, vector<16xf32>,
    tpu.vector_store %arg48[%swap3A_34], %broadcast_in_dim3A_12 {strides = array<i32>} : memref<256xf32, #tpu.memory_space<vmem>>, vector<16xf32>,
    %swap3A_36 = arith.constant 192 : index
    %swap3A_37 = tpu.vector_load %arg48[%swap3A_36] {strides = array<i32>} : memref<256xf32, #tpu.memory_space<vmem>>, vector<16xf32>,
    tpu.vector_store %arg48[%swap3A_36], %broadcast_in_dim3A_12 {strides = array<i32>} : memref<256xf32, #tpu.memory_space<vmem>>, vector<16xf32>,
    %swap3A_38 = arith.constant 208 : index
    %swap3A_39 = tpu.vector_load %arg48[%swap3A_38] {strides = array<i32>} : memref<256xf32, #tpu.memory_space<vmem>>, vector<16xf32>,
    tpu.vector_store %arg48[%swap3A_38], %broadcast_in_dim3A_12 {strides = array<i32>} : memref<256xf32, #tpu.memory_space<vmem>>, vector<16xf32>,
    %swap3A_40 = arith.constant 224 : index
    %swap3A_41 = tpu.vector_load %arg48[%swap3A_40] {strides = array<i32>} : memref<256xf32, #tpu.memory_space<vmem>>, vector<16xf32>,
    tpu.vector_store %arg48[%swap3A_40], %broadcast_in_dim3A_12 {strides = array<i32>} : memref<256xf32, #tpu.memory_space<vmem>>, vector<16xf32>,
    %swap3A_42 = arith.constant 240 : index
    %swap3A_43 = tpu.vector_load %arg48[%swap3A_42] {strides = array<i32>} : memref<256xf32, #tpu.memory_space<vmem>>, vector<16xf32>,
    tpu.vector_store %arg48[%swap3A_42], %broadcast_in_dim3A_12 {strides = array<i32>} : memref<256xf32, #tpu.memory_space<vmem>>, vector<16xf32>,
    %swap3A_44 = arith.constant 0 : index
    %swap3A_45 = tpu.vector_load %arg49[%swap3A_44] {strides = array<i32>} : memref<256xf32, #tpu.memory_space<vmem>>, vector<16xf32>,
    tpu.vector_store %arg49[%swap3A_44], %broadcast_in_dim3A_12 {strides = array<i32>} : memref<256xf32, #tpu.memory_space<vmem>>, vector<16xf32>,
    %swap3A_46 = arith.constant 16 : index
    %swap3A_47 = tpu.vector_load %arg49[%swap3A_46] {strides = array<i32>} : memref<256xf32, #tpu.memory_space<vmem>>, vector<16xf32>,
    tpu.vector_store %arg49[%swap3A_46], %broadcast_in_dim3A_12 {strides = array<i32>} : memref<256xf32, #tpu.memory_space<vmem>>, vector<16xf32>,
    %swap3A_48 = arith.constant 32 : index
    %swap3A_49 = tpu.vector_load %arg49[%swap3A_48] {strides = array<i32>} : memref<256xf32, #tpu.memory_space<vmem>>, vector<16xf32>,
    tpu.vector_store %arg49[%swap3A_48], %broadcast_in_dim3A_12 {strides = array<i32>} : memref<256xf32, #tpu.memory_space<vmem>>, vector<16xf32>,
    %swap3A_50 = arith.constant 48 : index
    %swap3A_51 = tpu.vector_load %arg49[%swap3A_50] {strides = array<i32>} : memref<256xf32, #tpu.memory_space<vmem>>, vector<16xf32>,
    tpu.vector_store %arg49[%swap3A_50], %broadcast_in_dim3A_12 {strides = array<i32>} : memref<256xf32, #tpu.memory_space<vmem>>, vector<16xf32>,
    %swap3A_52 = arith.constant 64 : index
    %swap3A_53 = tpu.vector_load %arg49[%swap3A_52] {strides = array<i32>} : memref<256xf32, #tpu.memory_space<vmem>>, vector<16xf32>,
    tpu.vector_store %arg49[%swap3A_52], %broadcast_in_dim3A_12 {strides = array<i32>} : memref<256xf32, #tpu.memory_space<vmem>>, vector<16xf32>,
    %swap3A_54 = arith.constant 80 : index
    %swap3A_55 = tpu.vector_load %arg49[%swap3A_54] {strides = array<i32>} : memref<256xf32, #tpu.memory_space<vmem>>, vector<16xf32>,
    tpu.vector_store %arg49[%swap3A_54], %broadcast_in_dim3A_12 {strides = array<i32>} : memref<256xf32, #tpu.memory_space<vmem>>, vector<16xf32>,
    %swap3A_56 = arith.constant 96 : index
    %swap3A_57 = tpu.vector_load %arg49[%swap3A_56] {strides = array<i32>} : memref<256xf32, #tpu.memory_space<vmem>>, vector<16xf32>,
    tpu.vector_store %arg49[%swap3A_56], %broadcast_in_dim3A_12 {strides = array<i32>} : memref<256xf32, #tpu.memory_space<vmem>>, vector<16xf32>,
    %swap3A_58 = arith.constant 112 : index
    %swap3A_59 = tpu.vector_load %arg49[%swap3A_58] {strides = array<i32>} : memref<256xf32, #tpu.memory_space<vmem>>, vector<16xf32>,
    tpu.vector_store %arg49[%swap3A_58], %broadcast_in_dim3A_12 {strides = array<i32>} : memref<256xf32, #tpu.memory_space<vmem>>, vector<16xf32>,
    %swap3A_60 = arith.constant 128 : index
    %swap3A_61 = tpu.vector_load %arg49[%swap3A_60] {strides = array<i32>} : memref<256xf32, #tpu.memory_space<vmem>>, vector<16xf32>,
    tpu.vector_store %arg49[%swap3A_60], %broadcast_in_dim3A_12 {strides = array<i32>} : memref<256xf32, #tpu.memory_space<vmem>>, vector<16xf32>,
    %swap3A_62 = arith.constant 144 : index
    %swap3A_63 = tpu.vector_load %arg49[%swap3A_62] {strides = array<i32>} : memref<256xf32, #tpu.memory_space<vmem>>, vector<16xf32>,
    tpu.vector_store %arg49[%swap3A_62], %broadcast_in_dim3A_12 {strides = array<i32>} : memref<256xf32, #tpu.memory_space<vmem>>, vector<16xf32>,
    %swap3A_64 = arith.constant 160 : index
    %swap3A_65 = tpu.vector_load %arg49[%swap3A_64] {strides = array<i32>} : memref<256xf32, #tpu.memory_space<vmem>>, vector<16xf32>,
    tpu.vector_store %arg49[%swap3A_64], %broadcast_in_dim3A_12 {strides = array<i32>} : memref<256xf32, #tpu.memory_space<vmem>>, vector<16xf32>,
    %swap3A_66 = arith.constant 176 : index
    %swap3A_67 = tpu.vector_load %arg49[%swap3A_66] {strides = array<i32>} : memref<256xf32, #tpu.memory_space<vmem>>, vector<16xf32>,
    tpu.vector_store %arg49[%swap3A_66], %broadcast_in_dim3A_12 {strides = array<i32>} : memref<256xf32, #tpu.memory_space<vmem>>, vector<16xf32>,
    %swap3A_68 = arith.constant 192 : index
    %swap3A_69 = tpu.vector_load %arg49[%swap3A_68] {strides = array<i32>} : memref<256xf32, #tpu.memory_space<vmem>>, vector<16xf32>,
    tpu.vector_store %arg49[%swap3A_68], %broadcast_in_dim3A_12 {strides = array<i32>} : memref<256xf32, #tpu.memory_space<vmem>>, vector<16xf32>,
    %swap3A_70 = arith.constant 208 : index
    %swap3A_71 = tpu.vector_load %arg49[%swap3A_70] {strides = array<i32>} : memref<256xf32, #tpu.memory_space<vmem>>, vector<16xf32>,
    tpu.vector_store %arg49[%swap3A_70], %broadcast_in_dim3A_12 {strides = array<i32>} : memref<256xf32, #tpu.memory_space<vmem>>, vector<16xf32>,
    %swap3A_72 = arith.constant 224 : index
    %swap3A_73 = tpu.vector_load %arg49[%swap3A_72] {strides = array<i32>} : memref<256xf32, #tpu.memory_space<vmem>>, vector<16xf32>,
    tpu.vector_store %arg49[%swap3A_72], %broadcast_in_dim3A_12 {strides = array<i32>} : memref<256xf32, #tpu.memory_space<vmem>>, vector<16xf32>,
    %swap3A_74 = arith.constant 240 : index
    %swap3A_75 = tpu.vector_load %arg49[%swap3A_74] {strides = array<i32>} : memref<256xf32, #tpu.memory_space<vmem>>, vector<16xf32>,
    tpu.vector_store %arg49[%swap3A_74], %broadcast_in_dim3A_12 {strides = array<i32>} : memref<256xf32, #tpu.memory_space<vmem>>, vector<16xf32>,
    %swap3A_76 = arith.constant 0 : index
    %swap3A_77 = tpu.vector_load %arg50[%swap3A_76] {strides = array<i32>} : memref<256xf32, #tpu.memory_space<vmem>>, vector<16xf32>,
    tpu.vector_store %arg50[%swap3A_76], %broadcast_in_dim3A_12 {strides = array<i32>} : memref<256xf32, #tpu.memory_space<vmem>>, vector<16xf32>,
    %swap3A_78 = arith.constant 16 : index
    %swap3A_79 = tpu.vector_load %arg50[%swap3A_78] {strides = array<i32>} : memref<256xf32, #tpu.memory_space<vmem>>, vector<16xf32>,
    tpu.vector_store %arg50[%swap3A_78], %broadcast_in_dim3A_12 {strides = array<i32>} : memref<256xf32, #tpu.memory_space<vmem>>, vector<16xf32>,
    %swap3A_80 = arith.constant 32 : index
    %swap3A_81 = tpu.vector_load %arg50[%swap3A_80] {strides = array<i32>} : memref<256xf32, #tpu.memory_space<vmem>>, vector<16xf32>,
    tpu.vector_store %arg50[%swap3A_80], %broadcast_in_dim3A_12 {strides = array<i32>} : memref<256xf32, #tpu.memory_space<vmem>>, vector<16xf32>,
    %swap3A_82 = arith.constant 48 : index
    %swap3A_83 = tpu.vector_load %arg50[%swap3A_82] {strides = array<i32>} : memref<256xf32, #tpu.memory_space<vmem>>, vector<16xf32>,
    tpu.vector_store %arg50[%swap3A_82], %broadcast_in_dim3A_12 {strides = array<i32>} : memref<256xf32, #tpu.memory_space<vmem>>, vector<16xf32>,
    %swap3A_84 = arith.constant 64 : index
    %swap3A_85 = tpu.vector_load %arg50[%swap3A_84] {strides = array<i32>} : memref<256xf32, #tpu.memory_space<vmem>>, vector<16xf32>,
    tpu.vector_store %arg50[%swap3A_84], %broadcast_in_dim3A_12 {strides = array<i32>} : memref<256xf32, #tpu.memory_space<vmem>>, vector<16xf32>,
    %swap3A_86 = arith.constant 80 : index
    %swap3A_87 = tpu.vector_load %arg50[%swap3A_86] {strides = array<i32>} : memref<256xf32, #tpu.memory_space<vmem>>, vector<16xf32>,
    tpu.vector_store %arg50[%swap3A_86], %broadcast_in_dim3A_12 {strides = array<i32>} : memref<256xf32, #tpu.memory_space<vmem>>, vector<16xf32>,
    %swap3A_88 = arith.constant 96 : index
    %swap3A_89 = tpu.vector_load %arg50[%swap3A_88] {strides = array<i32>} : memref<256xf32, #tpu.memory_space<vmem>>, vector<16xf32>,
    tpu.vector_store %arg50[%swap3A_88], %broadcast_in_dim3A_12 {strides = array<i32>} : memref<256xf32, #tpu.memory_space<vmem>>, vector<16xf32>,
    %swap3A_90 = arith.constant 112 : index
    %swap3A_91 = tpu.vector_load %arg50[%swap3A_90] {strides = array<i32>} : memref<256xf32, #tpu.memory_space<vmem>>, vector<16xf32>,
    tpu.vector_store %arg50[%swap3A_90], %broadcast_in_dim3A_12 {strides = array<i32>} : memref<256xf32, #tpu.memory_space<vmem>>, vector<16xf32>,
    %swap3A_92 = arith.constant 128 : index
    %swap3A_93 = tpu.vector_load %arg50[%swap3A_92] {strides = array<i32>} : memref<256xf32, #tpu.memory_space<vmem>>, vector<16xf32>,
    tpu.vector_store %arg50[%swap3A_92], %broadcast_in_dim3A_12 {strides = array<i32>} : memref<256xf32, #tpu.memory_space<vmem>>, vector<16xf32>,
    %swap3A_94 = arith.constant 144 : index
    %swap3A_95 = tpu.vector_load %arg50[%swap3A_94] {strides = array<i32>} : memref<256xf32, #tpu.memory_space<vmem>>, vector<16xf32>,
    tpu.vector_store %arg50[%swap3A_94], %broadcast_in_dim3A_12 {strides = array<i32>} : memref<256xf32, #tpu.memory_space<vmem>>, vector<16xf32>,
    %swap3A_96 = arith.constant 160 : index
    %swap3A_97 = tpu.vector_load %arg50[%swap3A_96] {strides = array<i32>} : memref<256xf32, #tpu.memory_space<vmem>>, vector<16xf32>,
    tpu.vector_store %arg50[%swap3A_96], %broadcast_in_dim3A_12 {strides = array<i32>} : memref<256xf32, #tpu.memory_space<vmem>>, vector<16xf32>,
    %swap3A_98 = arith.constant 176 : index
    %swap3A_99 = tpu.vector_load %arg50[%swap3A_98] {strides = array<i32>} : memref<256xf32, #tpu.memory_space<vmem>>, vector<16xf32>,
    tpu.vector_store %arg50[%swap3A_98], %broadcast_in_dim3A_12 {strides = array<i32>} : memref<256xf32, #tpu.memory_space<vmem>>, vector<16xf32>,
    %swap3A_100 = arith.constant 192 : index
    %swap3A_101 = tpu.vector_load %arg50[%swap3A_100] {strides = array<i32>} : memref<256xf32, #tpu.memory_space<vmem>>, vector<16xf32>,
    tpu.vector_store %arg50[%swap3A_100], %broadcast_in_dim3A_12 {strides = array<i32>} : memref<256xf32, #tpu.memory_space<vmem>>, vector<16xf32>,
    %swap3A_102 = arith.constant 208 : index
    %swap3A_103 = tpu.vector_load %arg50[%swap3A_102] {strides = array<i32>} : memref<256xf32, #tpu.memory_space<vmem>>, vector<16xf32>,
    tpu.vector_store %arg50[%swap3A_102], %broadcast_in_dim3A_12 {strides = array<i32>} : memref<256xf32, #tpu.memory_space<vmem>>, vector<16xf32>,
    %swap3A_104 = arith.constant 224 : index
    %swap3A_105 = tpu.vector_load %arg50[%swap3A_104] {strides = array<i32>} : memref<256xf32, #tpu.memory_space<vmem>>, vector<16xf32>,
    tpu.vector_store %arg50[%swap3A_104], %broadcast_in_dim3A_12 {strides = array<i32>} : memref<256xf32, #tpu.memory_space<vmem>>, vector<16xf32>,
    %swap3A_106 = arith.constant 240 : index
    %swap3A_107 = tpu.vector_load %arg50[%swap3A_106] {strides = array<i32>} : memref<256xf32, #tpu.memory_space<vmem>>, vector<16xf32>,
    tpu.vector_store %arg50[%swap3A_106], %broadcast_in_dim3A_12 {strides = array<i32>} : memref<256xf32, #tpu.memory_space<vmem>>, vector<16xf32>,
    %swap3A_108 = arith.constant 0 : index
    %swap3A_109 = tpu.vector_load %arg51[%swap3A_108] {strides = array<i32>} : memref<256xf32, #tpu.memory_space<vmem>>, vector<16xf32>,
    tpu.vector_store %arg51[%swap3A_108], %broadcast_in_dim3A_12 {strides = array<i32>} : memref<256xf32, #tpu.memory_space<vmem>>, vector<16xf32>,
    %swap3A_110 = arith.constant 16 : index
    %swap3A_111 = tpu.vector_load %arg51[%swap3A_110] {strides = array<i32>} : memref<256xf32, #tpu.memory_space<vmem>>, vector<16xf32>,
    tpu.vector_store %arg51[%swap3A_110], %broadcast_in_dim3A_12 {strides = array<i32>} : memref<256xf32, #tpu.memory_space<vmem>>, vector<16xf32>,
    %swap3A_112 = arith.constant 32 : index
    %swap3A_113 = tpu.vector_load %arg51[%swap3A_112] {strides = array<i32>} : memref<256xf32, #tpu.memory_space<vmem>>, vector<16xf32>,
    tpu.vector_store %arg51[%swap3A_112], %broadcast_in_dim3A_12 {strides = array<i32>} : memref<256xf32, #tpu.memory_space<vmem>>, vector<16xf32>,
    %swap3A_114 = arith.constant 48 : index
    %swap3A_115 = tpu.vector_load %arg51[%swap3A_114] {strides = array<i32>} : memref<256xf32, #tpu.memory_space<vmem>>, vector<16xf32>,
    tpu.vector_store %arg51[%swap3A_114], %broadcast_in_dim3A_12 {strides = array<i32>} : memref<256xf32, #tpu.memory_space<vmem>>, vector<16xf32>,
    %swap3A_116 = arith.constant 64 : index
    %swap3A_117 = tpu.vector_load %arg51[%swap3A_116] {strides = array<i32>} : memref<256xf32, #tpu.memory_space<vmem>>, vector<16xf32>,
    tpu.vector_store %arg51[%swap3A_116], %broadcast_in_dim3A_12 {strides = array<i32>} : memref<256xf32, #tpu.memory_space<vmem>>, vector<16xf32>,
    %swap3A_118 = arith.constant 80 : index
    %swap3A_119 = tpu.vector_load %arg51[%swap3A_118] {strides = array<i32>} : memref<256xf32, #tpu.memory_space<vmem>>, vector<16xf32>,
    tpu.vector_store %arg51[%swap3A_118], %broadcast_in_dim3A_12 {strides = array<i32>} : memref<256xf32, #tpu.memory_space<vmem>>, vector<16xf32>,
    %swap3A_120 = arith.constant 96 : index
    %swap3A_121 = tpu.vector_load %arg51[%swap3A_120] {strides = array<i32>} : memref<256xf32, #tpu.memory_space<vmem>>, vector<16xf32>,
    tpu.vector_store %arg51[%swap3A_120], %broadcast_in_dim3A_12 {strides = array<i32>} : memref<256xf32, #tpu.memory_space<vmem>>, vector<16xf32>,
    %swap3A_122 = arith.constant 112 : index
    %swap3A_123 = tpu.vector_load %arg51[%swap3A_122] {strides = array<i32>} : memref<256xf32, #tpu.memory_space<vmem>>, vector<16xf32>,
    tpu.vector_store %arg51[%swap3A_122], %broadcast_in_dim3A_12 {strides = array<i32>} : memref<256xf32, #tpu.memory_space<vmem>>, vector<16xf32>,
    %swap3A_124 = arith.constant 128 : index
    %swap3A_125 = tpu.vector_load %arg51[%swap3A_124] {strides = array<i32>} : memref<256xf32, #tpu.memory_space<vmem>>, vector<16xf32>,
    tpu.vector_store %arg51[%swap3A_124], %broadcast_in_dim3A_12 {strides = array<i32>} : memref<256xf32, #tpu.memory_space<vmem>>, vector<16xf32>,
    %swap3A_126 = arith.constant 144 : index
    %swap3A_127 = tpu.vector_load %arg51[%swap3A_126] {strides = array<i32>} : memref<256xf32, #tpu.memory_space<vmem>>, vector<16xf32>,
    tpu.vector_store %arg51[%swap3A_126], %broadcast_in_dim3A_12 {strides = array<i32>} : memref<256xf32, #tpu.memory_space<vmem>>, vector<16xf32>,
    %swap3A_128 = arith.constant 160 : index
    %swap3A_129 = tpu.vector_load %arg51[%swap3A_128] {strides = array<i32>} : memref<256xf32, #tpu.memory_space<vmem>>, vector<16xf32>,
    tpu.vector_store %arg51[%swap3A_128], %broadcast_in_dim3A_12 {strides = array<i32>} : memref<256xf32, #tpu.memory_space<vmem>>, vector<16xf32>,
    %swap3A_130 = arith.constant 176 : index
    %swap3A_131 = tpu.vector_load %arg51[%swap3A_130] {strides = array<i32>} : memref<256xf32, #tpu.memory_space<vmem>>, vector<16xf32>,
    tpu.vector_store %arg51[%swap3A_130], %broadcast_in_dim3A_12 {strides = array<i32>} : memref<256xf32, #tpu.memory_space<vmem>>, vector<16xf32>,
    %swap3A_132 = arith.constant 192 : index
    %swap3A_133 = tpu.vector_load %arg51[%swap3A_132] {strides = array<i32>} : memref<256xf32, #tpu.memory_space<vmem>>, vector<16xf32>,
    tpu.vector_store %arg51[%swap3A_132], %broadcast_in_dim3A_12 {strides = array<i32>} : memref<256xf32, #tpu.memory_space<vmem>>, vector<16xf32>,
    %swap3A_134 = arith.constant 208 : index
    %swap3A_135 = tpu.vector_load %arg51[%swap3A_134] {strides = array<i32>} : memref<256xf32, #tpu.memory_space<vmem>>, vector<16xf32>,
    tpu.vector_store %arg51[%swap3A_134], %broadcast_in_dim3A_12 {strides = array<i32>} : memref<256xf32, #tpu.memory_space<vmem>>, vector<16xf32>,
    %swap3A_136 = arith.constant 224 : index
    %swap3A_137 = tpu.vector_load %arg51[%swap3A_136] {strides = array<i32>} : memref<256xf32, #tpu.memory_space<vmem>>, vector<16xf32>,
    tpu.vector_store %arg51[%swap3A_136], %broadcast_in_dim3A_12 {strides = array<i32>} : memref<256xf32, #tpu.memory_space<vmem>>, vector<16xf32>,
    %swap3A_138 = arith.constant 240 : index
    %swap3A_139 = tpu.vector_load %arg51[%swap3A_138] {strides = array<i32>} : memref<256xf32, #tpu.memory_space<vmem>>, vector<16xf32>,
    tpu.vector_store %arg51[%swap3A_138], %broadcast_in_dim3A_12 {strides = array<i32>} : memref<256xf32, #tpu.memory_space<vmem>>, vector<16xf32>,
    %swap3A_140 = arith.constant 0 : index
    %swap3A_141 = tpu.vector_load %arg52[%swap3A_140] {strides = array<i32>} : memref<256xf32, #tpu.memory_space<vmem>>, vector<16xf32>,
    tpu.vector_store %arg52[%swap3A_140], %broadcast_in_dim3A_12 {strides = array<i32>} : memref<256xf32, #tpu.memory_space<vmem>>, vector<16xf32>,
    %swap3A_142 = arith.constant 16 : index
    %swap3A_143 = tpu.vector_load %arg52[%swap3A_142] {strides = array<i32>} : memref<256xf32, #tpu.memory_space<vmem>>, vector<16xf32>,
    tpu.vector_store %arg52[%swap3A_142], %broadcast_in_dim3A_12 {strides = array<i32>} : memref<256xf32, #tpu.memory_space<vmem>>, vector<16xf32>,
    %swap3A_144 = arith.constant 32 : index
    %swap3A_145 = tpu.vector_load %arg52[%swap3A_144] {strides = array<i32>} : memref<256xf32, #tpu.memory_space<vmem>>, vector<16xf32>,
    tpu.vector_store %arg52[%swap3A_144], %broadcast_in_dim3A_12 {strides = array<i32>} : memref<256xf32, #tpu.memory_space<vmem>>, vector<16xf32>,
    %swap3A_146 = arith.constant 48 : index
    %swap3A_147 = tpu.vector_load %arg52[%swap3A_146] {strides = array<i32>} : memref<256xf32, #tpu.memory_space<vmem>>, vector<16xf32>,
    tpu.vector_store %arg52[%swap3A_146], %broadcast_in_dim3A_12 {strides = array<i32>} : memref<256xf32, #tpu.memory_space<vmem>>, vector<16xf32>,
    %swap3A_148 = arith.constant 64 : index
    %swap3A_149 = tpu.vector_load %arg52[%swap3A_148] {strides = array<i32>} : memref<256xf32, #tpu.memory_space<vmem>>, vector<16xf32>,
    tpu.vector_store %arg52[%swap3A_148], %broadcast_in_dim3A_12 {strides = array<i32>} : memref<256xf32, #tpu.memory_space<vmem>>, vector<16xf32>,
    %swap3A_150 = arith.constant 80 : index
    %swap3A_151 = tpu.vector_load %arg52[%swap3A_150] {strides = array<i32>} : memref<256xf32, #tpu.memory_space<vmem>>, vector<16xf32>,
    tpu.vector_store %arg52[%swap3A_150], %broadcast_in_dim3A_12 {strides = array<i32>} : memref<256xf32, #tpu.memory_space<vmem>>, vector<16xf32>,
    %swap3A_152 = arith.constant 96 : index
    %swap3A_153 = tpu.vector_load %arg52[%swap3A_152] {strides = array<i32>} : memref<256xf32, #tpu.memory_space<vmem>>, vector<16xf32>,
    tpu.vector_store %arg52[%swap3A_152], %broadcast_in_dim3A_12 {strides = array<i32>} : memref<256xf32, #tpu.memory_space<vmem>>, vector<16xf32>,
    %swap3A_154 = arith.constant 112 : index
    %swap3A_155 = tpu.vector_load %arg52[%swap3A_154] {strides = array<i32>} : memref<256xf32, #tpu.memory_space<vmem>>, vector<16xf32>,
    tpu.vector_store %arg52[%swap3A_154], %broadcast_in_dim3A_12 {strides = array<i32>} : memref<256xf32, #tpu.memory_space<vmem>>, vector<16xf32>,
    %swap3A_156 = arith.constant 128 : index
    %swap3A_157 = tpu.vector_load %arg52[%swap3A_156] {strides = array<i32>} : memref<256xf32, #tpu.memory_space<vmem>>, vector<16xf32>,
    tpu.vector_store %arg52[%swap3A_156], %broadcast_in_dim3A_12 {strides = array<i32>} : memref<256xf32, #tpu.memory_space<vmem>>, vector<16xf32>,
    %swap3A_158 = arith.constant 144 : index
    %swap3A_159 = tpu.vector_load %arg52[%swap3A_158] {strides = array<i32>} : memref<256xf32, #tpu.memory_space<vmem>>, vector<16xf32>,
    tpu.vector_store %arg52[%swap3A_158], %broadcast_in_dim3A_12 {strides = array<i32>} : memref<256xf32, #tpu.memory_space<vmem>>, vector<16xf32>,
    %swap3A_160 = arith.constant 160 : index
    %swap3A_161 = tpu.vector_load %arg52[%swap3A_160] {strides = array<i32>} : memref<256xf32, #tpu.memory_space<vmem>>, vector<16xf32>,
    tpu.vector_store %arg52[%swap3A_160], %broadcast_in_dim3A_12 {strides = array<i32>} : memref<256xf32, #tpu.memory_space<vmem>>, vector<16xf32>,
    %swap3A_162 = arith.constant 176 : index
    %swap3A_163 = tpu.vector_load %arg52[%swap3A_162] {strides = array<i32>} : memref<256xf32, #tpu.memory_space<vmem>>, vector<16xf32>,
    tpu.vector_store %arg52[%swap3A_162], %broadcast_in_dim3A_12 {strides = array<i32>} : memref<256xf32, #tpu.memory_space<vmem>>, vector<16xf32>,
    %swap3A_164 = arith.constant 192 : index
    %swap3A_165 = tpu.vector_load %arg52[%swap3A_164] {strides = array<i32>} : memref<256xf32, #tpu.memory_space<vmem>>, vector<16xf32>,
    tpu.vector_store %arg52[%swap3A_164], %broadcast_in_dim3A_12 {strides = array<i32>} : memref<256xf32, #tpu.memory_space<vmem>>, vector<16xf32>,
    %swap3A_166 = arith.constant 208 : index
    %swap3A_167 = tpu.vector_load %arg52[%swap3A_166] {strides = array<i32>} : memref<256xf32, #tpu.memory_space<vmem>>, vector<16xf32>,
    tpu.vector_store %arg52[%swap3A_166], %broadcast_in_dim3A_12 {strides = array<i32>} : memref<256xf32, #tpu.memory_space<vmem>>, vector<16xf32>,
    %swap3A_168 = arith.constant 224 : index
    %swap3A_169 = tpu.vector_load %arg52[%swap3A_168] {strides = array<i32>} : memref<256xf32, #tpu.memory_space<vmem>>, vector<16xf32>,
    tpu.vector_store %arg52[%swap3A_168], %broadcast_in_dim3A_12 {strides = array<i32>} : memref<256xf32, #tpu.memory_space<vmem>>, vector<16xf32>,
    %swap3A_170 = arith.constant 240 : index
    %swap3A_171 = tpu.vector_load %arg52[%swap3A_170] {strides = array<i32>} : memref<256xf32, #tpu.memory_space<vmem>>, vector<16xf32>,
    tpu.vector_store %arg52[%swap3A_170], %broadcast_in_dim3A_12 {strides = array<i32>} : memref<256xf32, #tpu.memory_space<vmem>>, vector<16xf32>,
    %swap3A_172 = arith.constant 0 : index
    %swap3A_173 = tpu.vector_load %arg53[%swap3A_172] {strides = array<i32>} : memref<256xf32, #tpu.memory_space<vmem>>, vector<16xf32>,
    tpu.vector_store %arg53[%swap3A_172], %broadcast_in_dim3A_12 {strides = array<i32>} : memref<256xf32, #tpu.memory_space<vmem>>, vector<16xf32>,
    %swap3A_174 = arith.constant 16 : index
    %swap3A_175 = tpu.vector_load %arg53[%swap3A_174] {strides = array<i32>} : memref<256xf32, #tpu.memory_space<vmem>>, vector<16xf32>,
    tpu.vector_store %arg53[%swap3A_174], %broadcast_in_dim3A_12 {strides = array<i32>} : memref<256xf32, #tpu.memory_space<vmem>>, vector<16xf32>,
    %swap3A_176 = arith.constant 32 : index
    %swap3A_177 = tpu.vector_load %arg53[%swap3A_176] {strides = array<i32>} : memref<256xf32, #tpu.memory_space<vmem>>, vector<16xf32>,
    tpu.vector_store %arg53[%swap3A_176], %broadcast_in_dim3A_12 {strides = array<i32>} : memref<256xf32, #tpu.memory_space<vmem>>, vector<16xf32>,
    %swap3A_178 = arith.constant 48 : index
    %swap3A_179 = tpu.vector_load %arg53[%swap3A_178] {strides = array<i32>} : memref<256xf32, #tpu.memory_space<vmem>>, vector<16xf32>,
    tpu.vector_store %arg53[%swap3A_178], %broadcast_in_dim3A_12 {strides = array<i32>} : memref<256xf32, #tpu.memory_space<vmem>>, vector<16xf32>,
    %swap3A_180 = arith.constant 64 : index
    %swap3A_181 = tpu.vector_load %arg53[%swap3A_180] {strides = array<i32>} : memref<256xf32, #tpu.memory_space<vmem>>, vector<16xf32>,
    tpu.vector_store %arg53[%swap3A_180], %broadcast_in_dim3A_12 {strides = array<i32>} : memref<256xf32, #tpu.memory_space<vmem>>, vector<16xf32>,
    %swap3A_182 = arith.constant 80 : index
    %swap3A_183 = tpu.vector_load %arg53[%swap3A_182] {strides = array<i32>} : memref<256xf32, #tpu.memory_space<vmem>>, vector<16xf32>,
    tpu.vector_store %arg53[%swap3A_182], %broadcast_in_dim3A_12 {strides = array<i32>} : memref<256xf32, #tpu.memory_space<vmem>>, vector<16xf32>,
    %swap3A_184 = arith.constant 96 : index
    %swap3A_185 = tpu.vector_load %arg53[%swap3A_184] {strides = array<i32>} : memref<256xf32, #tpu.memory_space<vmem>>, vector<16xf32>,
    tpu.vector_store %arg53[%swap3A_184], %broadcast_in_dim3A_12 {strides = array<i32>} : memref<256xf32, #tpu.memory_space<vmem>>, vector<16xf32>,
    %swap3A_186 = arith.constant 112 : index
    %swap3A_187 = tpu.vector_load %arg53[%swap3A_186] {strides = array<i32>} : memref<256xf32, #tpu.memory_space<vmem>>, vector<16xf32>,
    tpu.vector_store %arg53[%swap3A_186], %broadcast_in_dim3A_12 {strides = array<i32>} : memref<256xf32, #tpu.memory_space<vmem>>, vector<16xf32>,
    %swap3A_188 = arith.constant 128 : index
    %swap3A_189 = tpu.vector_load %arg53[%swap3A_188] {strides = array<i32>} : memref<256xf32, #tpu.memory_space<vmem>>, vector<16xf32>,
    tpu.vector_store %arg53[%swap3A_188], %broadcast_in_dim3A_12 {strides = array<i32>} : memref<256xf32, #tpu.memory_space<vmem>>, vector<16xf32>,
    %swap3A_190 = arith.constant 144 : index
    %swap3A_191 = tpu.vector_load %arg53[%swap3A_190] {strides = array<i32>} : memref<256xf32, #tpu.memory_space<vmem>>, vector<16xf32>,
    tpu.vector_store %arg53[%swap3A_190], %broadcast_in_dim3A_12 {strides = array<i32>} : memref<256xf32, #tpu.memory_space<vmem>>, vector<16xf32>,
    %swap3A_192 = arith.constant 160 : index
    %swap3A_193 = tpu.vector_load %arg53[%swap3A_192] {strides = array<i32>} : memref<256xf32, #tpu.memory_space<vmem>>, vector<16xf32>,
    tpu.vector_store %arg53[%swap3A_192], %broadcast_in_dim3A_12 {strides = array<i32>} : memref<256xf32, #tpu.memory_space<vmem>>, vector<16xf32>,
    %swap3A_194 = arith.constant 176 : index
    %swap3A_195 = tpu.vector_load %arg53[%swap3A_194] {strides = array<i32>} : memref<256xf32, #tpu.memory_space<vmem>>, vector<16xf32>,
    tpu.vector_store %arg53[%swap3A_194], %broadcast_in_dim3A_12 {strides = array<i32>} : memref<256xf32, #tpu.memory_space<vmem>>, vector<16xf32>,
    %swap3A_196 = arith.constant 192 : index
    %swap3A_197 = tpu.vector_load %arg53[%swap3A_196] {strides = array<i32>} : memref<256xf32, #tpu.memory_space<vmem>>, vector<16xf32>,
    tpu.vector_store %arg53[%swap3A_196], %broadcast_in_dim3A_12 {strides = array<i32>} : memref<256xf32, #tpu.memory_space<vmem>>, vector<16xf32>,
    %swap3A_198 = arith.constant 208 : index
    %swap3A_199 = tpu.vector_load %arg53[%swap3A_198] {strides = array<i32>} : memref<256xf32, #tpu.memory_space<vmem>>, vector<16xf32>,
    tpu.vector_store %arg53[%swap3A_198], %broadcast_in_dim3A_12 {strides = array<i32>} : memref<256xf32, #tpu.memory_space<vmem>>, vector<16xf32>,
    %swap3A_200 = arith.constant 224 : index
    %swap3A_201 = tpu.vector_load %arg53[%swap3A_200] {strides = array<i32>} : memref<256xf32, #tpu.memory_space<vmem>>, vector<16xf32>,
    tpu.vector_store %arg53[%swap3A_200], %broadcast_in_dim3A_12 {strides = array<i32>} : memref<256xf32, #tpu.memory_space<vmem>>, vector<16xf32>,
    %swap3A_202 = arith.constant 240 : index
    %swap3A_203 = tpu.vector_load %arg53[%swap3A_202] {strides = array<i32>} : memref<256xf32, #tpu.memory_space<vmem>>, vector<16xf32>,
    tpu.vector_store %arg53[%swap3A_202], %broadcast_in_dim3A_12 {strides = array<i32>} : memref<256xf32, #tpu.memory_space<vmem>>, vector<16xf32>,
    %swap3A_204 = arith.constant 0 : index
    %swap3A_205 = tpu.vector_load %arg54[%swap3A_204] {strides = array<i32>} : memref<256xf32, #tpu.memory_space<vmem>>, vector<16xf32>,
    tpu.vector_store %arg54[%swap3A_204], %broadcast_in_dim3A_12 {strides = array<i32>} : memref<256xf32, #tpu.memory_space<vmem>>, vector<16xf32>,
    %swap3A_206 = arith.constant 16 : index
    %swap3A_207 = tpu.vector_load %arg54[%swap3A_206] {strides = array<i32>} : memref<256xf32, #tpu.memory_space<vmem>>, vector<16xf32>,
    tpu.vector_store %arg54[%swap3A_206], %broadcast_in_dim3A_12 {strides = array<i32>} : memref<256xf32, #tpu.memory_space<vmem>>, vector<16xf32>,
    %swap3A_208 = arith.constant 32 : index
    %swap3A_209 = tpu.vector_load %arg54[%swap3A_208] {strides = array<i32>} : memref<256xf32, #tpu.memory_space<vmem>>, vector<16xf32>,
    tpu.vector_store %arg54[%swap3A_208], %broadcast_in_dim3A_12 {strides = array<i32>} : memref<256xf32, #tpu.memory_space<vmem>>, vector<16xf32>,
    %swap3A_210 = arith.constant 48 : index
    %swap3A_211 = tpu.vector_load %arg54[%swap3A_210] {strides = array<i32>} : memref<256xf32, #tpu.memory_space<vmem>>, vector<16xf32>,
    tpu.vector_store %arg54[%swap3A_210], %broadcast_in_dim3A_12 {strides = array<i32>} : memref<256xf32, #tpu.memory_space<vmem>>, vector<16xf32>,
    %swap3A_212 = arith.constant 64 : index
    %swap3A_213 = tpu.vector_load %arg54[%swap3A_212] {strides = array<i32>} : memref<256xf32, #tpu.memory_space<vmem>>, vector<16xf32>,
    tpu.vector_store %arg54[%swap3A_212], %broadcast_in_dim3A_12 {strides = array<i32>} : memref<256xf32, #tpu.memory_space<vmem>>, vector<16xf32>,
    %swap3A_214 = arith.constant 80 : index
    %swap3A_215 = tpu.vector_load %arg54[%swap3A_214] {strides = array<i32>} : memref<256xf32, #tpu.memory_space<vmem>>, vector<16xf32>,
    tpu.vector_store %arg54[%swap3A_214], %broadcast_in_dim3A_12 {strides = array<i32>} : memref<256xf32, #tpu.memory_space<vmem>>, vector<16xf32>,
    %swap3A_216 = arith.constant 96 : index
    %swap3A_217 = tpu.vector_load %arg54[%swap3A_216] {strides = array<i32>} : memref<256xf32, #tpu.memory_space<vmem>>, vector<16xf32>,
    tpu.vector_store %arg54[%swap3A_216], %broadcast_in_dim3A_12 {strides = array<i32>} : memref<256xf32, #tpu.memory_space<vmem>>, vector<16xf32>,
    %swap3A_218 = arith.constant 112 : index
    %swap3A_219 = tpu.vector_load %arg54[%swap3A_218] {strides = array<i32>} : memref<256xf32, #tpu.memory_space<vmem>>, vector<16xf32>,
    tpu.vector_store %arg54[%swap3A_218], %broadcast_in_dim3A_12 {strides = array<i32>} : memref<256xf32, #tpu.memory_space<vmem>>, vector<16xf32>,
    %swap3A_220 = arith.constant 128 : index
    %swap3A_221 = tpu.vector_load %arg54[%swap3A_220] {strides = array<i32>} : memref<256xf32, #tpu.memory_space<vmem>>, vector<16xf32>,
    tpu.vector_store %arg54[%swap3A_220], %broadcast_in_dim3A_12 {strides = array<i32>} : memref<256xf32, #tpu.memory_space<vmem>>, vector<16xf32>,
    %swap3A_222 = arith.constant 144 : index
    %swap3A_223 = tpu.vector_load %arg54[%swap3A_222] {strides = array<i32>} : memref<256xf32, #tpu.memory_space<vmem>>, vector<16xf32>,
    tpu.vector_store %arg54[%swap3A_222], %broadcast_in_dim3A_12 {strides = array<i32>} : memref<256xf32, #tpu.memory_space<vmem>>, vector<16xf32>,
    %swap3A_224 = arith.constant 160 : index
    %swap3A_225 = tpu.vector_load %arg54[%swap3A_224] {strides = array<i32>} : memref<256xf32, #tpu.memory_space<vmem>>, vector<16xf32>,
    tpu.vector_store %arg54[%swap3A_224], %broadcast_in_dim3A_12 {strides = array<i32>} : memref<256xf32, #tpu.memory_space<vmem>>, vector<16xf32>,
    %swap3A_226 = arith.constant 176 : index
    %swap3A_227 = tpu.vector_load %arg54[%swap3A_226] {strides = array<i32>} : memref<256xf32, #tpu.memory_space<vmem>>, vector<16xf32>,
    tpu.vector_store %arg54[%swap3A_226], %broadcast_in_dim3A_12 {strides = array<i32>} : memref<256xf32, #tpu.memory_space<vmem>>, vector<16xf32>,
    %swap3A_228 = arith.constant 192 : index
    %swap3A_229 = tpu.vector_load %arg54[%swap3A_228] {strides = array<i32>} : memref<256xf32, #tpu.memory_space<vmem>>, vector<16xf32>,
    tpu.vector_store %arg54[%swap3A_228], %broadcast_in_dim3A_12 {strides = array<i32>} : memref<256xf32, #tpu.memory_space<vmem>>, vector<16xf32>,
    %swap3A_230 = arith.constant 208 : index
    %swap3A_231 = tpu.vector_load %arg54[%swap3A_230] {strides = array<i32>} : memref<256xf32, #tpu.memory_space<vmem>>, vector<16xf32>,
    tpu.vector_store %arg54[%swap3A_230], %broadcast_in_dim3A_12 {strides = array<i32>} : memref<256xf32, #tpu.memory_space<vmem>>, vector<16xf32>,
    %swap3A_232 = arith.constant 224 : index
    %swap3A_233 = tpu.vector_load %arg54[%swap3A_232] {strides = array<i32>} : memref<256xf32, #tpu.memory_space<vmem>>, vector<16xf32>,
    tpu.vector_store %arg54[%swap3A_232], %broadcast_in_dim3A_12 {strides = array<i32>} : memref<256xf32, #tpu.memory_space<vmem>>, vector<16xf32>,
    %swap3A_234 = arith.constant 240 : index
    %swap3A_235 = tpu.vector_load %arg54[%swap3A_234] {strides = array<i32>} : memref<256xf32, #tpu.memory_space<vmem>>, vector<16xf32>,
    tpu.vector_store %arg54[%swap3A_234], %broadcast_in_dim3A_12 {strides = array<i32>} : memref<256xf32, #tpu.memory_space<vmem>>, vector<16xf32>,
    %iota3A = tpu.iota {dimensions = array<i32: 0>} : vector<16xi32>
    %mul3A = arith.constant 16 : i32
    %mul3A_236 = vector.broadcast %mul3A : i32 to vector<16xi32>
    %mul3A_237 = arith.muli %iota3A, %mul3A_236 : vector<16xi32>
    %broadcast_in_dim3A_238 = arith.constant 1.000000e+00 : f32
    %broadcast_in_dim3A_239 = vector.broadcast %broadcast_in_dim3A_238 : f32 to vector<16xf32>
    %mul3A_240 = arith.constant 100000 : i32
    %mul3A_241 = arith.muli %arg1, %mul3A_240 : i32
    %add3A = arith.constant 0 : i32
    %add3A_242 = arith.addi %mul3A_241, %add3A : i32
    %eq3A_243 = arith.constant 0 : i32
    %eq3A_244 = arith.cmpi eq, %arg0, %eq3A_243 : i32
    %convert_element_type3A_245 = arith.extui %eq3A_244 : i1 to i32
    %cond3A_246 = arith.constant 0 : i32
    %cond3A_247 = arith.cmpi ne, %convert_element_type3A_245, %cond3A_246 : i32
    scf.if %cond3A_247 {
      %dma_start3A_656 = tpu.memref_slice %arg10[%add3A_242] : memref<1600000xi32, #tpu.memory_space<hbm>> -> memref<2000xi32, #tpu.memory_space<hbm>>
      %dma_start3A_657 = tpu.memref_slice %arg10[%add3A_242] : memref<1600000xi32, #tpu.memory_space<hbm>> -> memref<2000xi32, #tpu.memory_space<hbm>>
      tpu.enqueue_dma source(%dma_start3A_657 : memref<2000xi32, #tpu.memory_space<hbm>>) target(%arg22 : memref<2000xi32, #tpu.memory_space<vmem>>) target_semaphore(%arg57 : memref<!tpu.dma_semaphore, #tpu.memory_space<semaphore_mem>>)
      %dma_start3A_658 = tpu.memref_slice %arg11[%add3A_242] : memref<1600000xi32, #tpu.memory_space<hbm>> -> memref<2000xi32, #tpu.memory_space<hbm>>
      %dma_start3A_659 = tpu.memref_slice %arg11[%add3A_242] : memref<1600000xi32, #tpu.memory_space<hbm>> -> memref<2000xi32, #tpu.memory_space<hbm>>
      tpu.enqueue_dma source(%dma_start3A_659 : memref<2000xi32, #tpu.memory_space<hbm>>) target(%arg23 : memref<2000xi32, #tpu.memory_space<vmem>>) target_semaphore(%arg57 : memref<!tpu.dma_semaphore, #tpu.memory_space<semaphore_mem>>)
      %dma_start3A_660 = tpu.memref_slice %arg12[%add3A_242] : memref<1600000xi32, #tpu.memory_space<hbm>> -> memref<2000xi32, #tpu.memory_space<hbm>>
      %dma_start3A_661 = tpu.memref_slice %arg12[%add3A_242] : memref<1600000xi32, #tpu.memory_space<hbm>> -> memref<2000xi32, #tpu.memory_space<hbm>>
      tpu.enqueue_dma source(%dma_start3A_661 : memref<2000xi32, #tpu.memory_space<hbm>>) target(%arg24 : memref<2000xi32, #tpu.memory_space<vmem>>) target_semaphore(%arg57 : memref<!tpu.dma_semaphore, #tpu.memory_space<semaphore_mem>>)
    } else {
    }
    %eq3A_248 = arith.constant 1 : i32
    %eq3A_249 = arith.cmpi eq, %arg0, %eq3A_248 : i32
    %convert_element_type3A_250 = arith.extui %eq3A_249 : i1 to i32
    %cond3A_251 = arith.constant 0 : i32
    %cond3A_252 = arith.cmpi ne, %convert_element_type3A_250, %cond3A_251 : i32
    scf.if %cond3A_252 {
      %dma_start3A_656 = tpu.memref_slice %arg13[%add3A_242] : memref<1600000xi32, #tpu.memory_space<hbm>> -> memref<2000xi32, #tpu.memory_space<hbm>>
      %dma_start3A_657 = tpu.memref_slice %arg13[%add3A_242] : memref<1600000xi32, #tpu.memory_space<hbm>> -> memref<2000xi32, #tpu.memory_space<hbm>>
      tpu.enqueue_dma source(%dma_start3A_657 : memref<2000xi32, #tpu.memory_space<hbm>>) target(%arg22 : memref<2000xi32, #tpu.memory_space<vmem>>) target_semaphore(%arg57 : memref<!tpu.dma_semaphore, #tpu.memory_space<semaphore_mem>>)
      %dma_start3A_658 = tpu.memref_slice %arg14[%add3A_242] : memref<1600000xi32, #tpu.memory_space<hbm>> -> memref<2000xi32, #tpu.memory_space<hbm>>
      %dma_start3A_659 = tpu.memref_slice %arg14[%add3A_242] : memref<1600000xi32, #tpu.memory_space<hbm>> -> memref<2000xi32, #tpu.memory_space<hbm>>
      tpu.enqueue_dma source(%dma_start3A_659 : memref<2000xi32, #tpu.memory_space<hbm>>) target(%arg23 : memref<2000xi32, #tpu.memory_space<vmem>>) target_semaphore(%arg57 : memref<!tpu.dma_semaphore, #tpu.memory_space<semaphore_mem>>)
      %dma_start3A_660 = tpu.memref_slice %arg15[%add3A_242] : memref<1600000xi32, #tpu.memory_space<hbm>> -> memref<2000xi32, #tpu.memory_space<hbm>>
      %dma_start3A_661 = tpu.memref_slice %arg15[%add3A_242] : memref<1600000xi32, #tpu.memory_space<hbm>> -> memref<2000xi32, #tpu.memory_space<hbm>>
      tpu.enqueue_dma source(%dma_start3A_661 : memref<2000xi32, #tpu.memory_space<hbm>>) target(%arg24 : memref<2000xi32, #tpu.memory_space<vmem>>) target_semaphore(%arg57 : memref<!tpu.dma_semaphore, #tpu.memory_space<semaphore_mem>>)
    } else {
    }
    %dma_wait3A = arith.constant 0 : i32
    %dma_wait3A_253 = tpu.memref_slice %arg10[%dma_wait3A] : memref<1600000xi32, #tpu.memory_space<hbm>> -> memref<2000xi32, #tpu.memory_space<hbm>>
    %dma_wait3A_254 = arith.constant 0 : i32
    %dma_wait3A_255 = tpu.memref_slice %arg10[%dma_wait3A_254] : memref<1600000xi32, #tpu.memory_space<hbm>> -> memref<2000xi32, #tpu.memory_space<hbm>>
    tpu.wait_dma2 semaphore(%arg57 : memref<!tpu.dma_semaphore, #tpu.memory_space<semaphore_mem>>) src(%dma_wait3A_255 : memref<2000xi32, #tpu.memory_space<hbm>>) dst(%arg22 : memref<2000xi32, #tpu.memory_space<vmem>>)
    %dma_wait3A_256 = arith.constant 0 : i32
    %dma_wait3A_257 = tpu.memref_slice %arg10[%dma_wait3A_256] : memref<1600000xi32, #tpu.memory_space<hbm>> -> memref<2000xi32, #tpu.memory_space<hbm>>
    %dma_wait3A_258 = arith.constant 0 : i32
    %dma_wait3A_259 = tpu.memref_slice %arg10[%dma_wait3A_258] : memref<1600000xi32, #tpu.memory_space<hbm>> -> memref<2000xi32, #tpu.memory_space<hbm>>
    tpu.wait_dma2 semaphore(%arg57 : memref<!tpu.dma_semaphore, #tpu.memory_space<semaphore_mem>>) src(%dma_wait3A_259 : memref<2000xi32, #tpu.memory_space<hbm>>) dst(%arg23 : memref<2000xi32, #tpu.memory_space<vmem>>)
    %dma_wait3A_260 = arith.constant 0 : i32
    %dma_wait3A_261 = tpu.memref_slice %arg10[%dma_wait3A_260] : memref<1600000xi32, #tpu.memory_space<hbm>> -> memref<2000xi32, #tpu.memory_space<hbm>>
    %dma_wait3A_262 = arith.constant 0 : i32
    %dma_wait3A_263 = tpu.memref_slice %arg10[%dma_wait3A_262] : memref<1600000xi32, #tpu.memory_space<hbm>> -> memref<2000xi32, #tpu.memory_space<hbm>>
    tpu.wait_dma2 semaphore(%arg57 : memref<!tpu.dma_semaphore, #tpu.memory_space<semaphore_mem>>) src(%dma_wait3A_263 : memref<2000xi32, #tpu.memory_space<hbm>>) dst(%arg24 : memref<2000xi32, #tpu.memory_space<vmem>>)
    %dma_start3A = arith.constant 0 : i32
    %dma_start3A_264 = tpu.memref_slice %arg17[%dma_start3A] : memref<100000xf32, #tpu.memory_space<vmem_shared>> -> memref<100000xf32, #tpu.memory_space<vmem_shared>>
    tpu.enqueue_indirect_dma source(%dma_start3A_264 : memref<100000xf32, #tpu.memory_space<vmem_shared>>) target(%arg28 : memref<2000xf32, #tpu.memory_space<vmem>>) offsets(%arg22 : memref<2000xi32, #tpu.memory_space<vmem>>) semaphore(%arg59 : memref<!tpu.dma_semaphore, #tpu.memory_space<semaphore_mem>>)
    %dma_start3A_265 = arith.constant 0 : i32
    %dma_start3A_266 = tpu.memref_slice %arg18[%dma_start3A_265] : memref<100000xf32, #tpu.memory_space<vmem_shared>> -> memref<100000xf32, #tpu.memory_space<vmem_shared>>
    tpu.enqueue_indirect_dma source(%dma_start3A_266 : memref<100000xf32, #tpu.memory_space<vmem_shared>>) target(%arg29 : memref<2000xf32, #tpu.memory_space<vmem>>) offsets(%arg22 : memref<2000xi32, #tpu.memory_space<vmem>>) semaphore(%arg59 : memref<!tpu.dma_semaphore, #tpu.memory_space<semaphore_mem>>)
    %dma_start3A_267 = arith.constant 0 : i32
    %dma_start3A_268 = tpu.memref_slice %arg19[%dma_start3A_267] : memref<100000xf32, #tpu.memory_space<vmem_shared>> -> memref<100000xf32, #tpu.memory_space<vmem_shared>>
    tpu.enqueue_indirect_dma source(%dma_start3A_268 : memref<100000xf32, #tpu.memory_space<vmem_shared>>) target(%arg30 : memref<2000xf32, #tpu.memory_space<vmem>>) offsets(%arg22 : memref<2000xi32, #tpu.memory_space<vmem>>) semaphore(%arg59 : memref<!tpu.dma_semaphore, #tpu.memory_space<semaphore_mem>>)
    %dma_start3A_269 = arith.constant 0 : i32
    %dma_start3A_270 = tpu.memref_slice %arg20[%dma_start3A_269] : memref<100000xf32, #tpu.memory_space<vmem_shared>> -> memref<100000xf32, #tpu.memory_space<vmem_shared>>
    tpu.enqueue_indirect_dma source(%dma_start3A_270 : memref<100000xf32, #tpu.memory_space<vmem_shared>>) target(%arg31 : memref<2000xf32, #tpu.memory_space<vmem>>) offsets(%arg22 : memref<2000xi32, #tpu.memory_space<vmem>>) semaphore(%arg59 : memref<!tpu.dma_semaphore, #tpu.memory_space<semaphore_mem>>)
    %dma_start3A_271 = arith.constant 0 : i32
    %dma_start3A_272 = tpu.memref_slice %arg17[%dma_start3A_271] : memref<100000xf32, #tpu.memory_space<vmem_shared>> -> memref<100000xf32, #tpu.memory_space<vmem_shared>>
    tpu.enqueue_indirect_dma source(%dma_start3A_272 : memref<100000xf32, #tpu.memory_space<vmem_shared>>) target(%arg32 : memref<2000xf32, #tpu.memory_space<vmem>>) offsets(%arg23 : memref<2000xi32, #tpu.memory_space<vmem>>) semaphore(%arg59 : memref<!tpu.dma_semaphore, #tpu.memory_space<semaphore_mem>>)
    %dma_start3A_273 = arith.constant 0 : i32
    %dma_start3A_274 = tpu.memref_slice %arg18[%dma_start3A_273] : memref<100000xf32, #tpu.memory_space<vmem_shared>> -> memref<100000xf32, #tpu.memory_space<vmem_shared>>
    tpu.enqueue_indirect_dma source(%dma_start3A_274 : memref<100000xf32, #tpu.memory_space<vmem_shared>>) target(%arg33 : memref<2000xf32, #tpu.memory_space<vmem>>) offsets(%arg23 : memref<2000xi32, #tpu.memory_space<vmem>>) semaphore(%arg59 : memref<!tpu.dma_semaphore, #tpu.memory_space<semaphore_mem>>)
    %dma_start3A_275 = arith.constant 0 : i32
    %dma_start3A_276 = tpu.memref_slice %arg19[%dma_start3A_275] : memref<100000xf32, #tpu.memory_space<vmem_shared>> -> memref<100000xf32, #tpu.memory_space<vmem_shared>>
    tpu.enqueue_indirect_dma source(%dma_start3A_276 : memref<100000xf32, #tpu.memory_space<vmem_shared>>) target(%arg34 : memref<2000xf32, #tpu.memory_space<vmem>>) offsets(%arg23 : memref<2000xi32, #tpu.memory_space<vmem>>) semaphore(%arg59 : memref<!tpu.dma_semaphore, #tpu.memory_space<semaphore_mem>>)
    %dma_start3A_277 = arith.constant 0 : i32
    %dma_start3A_278 = tpu.memref_slice %arg17[%dma_start3A_277] : memref<100000xf32, #tpu.memory_space<vmem_shared>> -> memref<100000xf32, #tpu.memory_space<vmem_shared>>
    tpu.enqueue_indirect_dma source(%dma_start3A_278 : memref<100000xf32, #tpu.memory_space<vmem_shared>>) target(%arg35 : memref<2000xf32, #tpu.memory_space<vmem>>) offsets(%arg24 : memref<2000xi32, #tpu.memory_space<vmem>>) semaphore(%arg59 : memref<!tpu.dma_semaphore, #tpu.memory_space<semaphore_mem>>)
    %dma_start3A_279 = arith.constant 0 : i32
    %dma_start3A_280 = tpu.memref_slice %arg18[%dma_start3A_279] : memref<100000xf32, #tpu.memory_space<vmem_shared>> -> memref<100000xf32, #tpu.memory_space<vmem_shared>>
    tpu.enqueue_indirect_dma source(%dma_start3A_280 : memref<100000xf32, #tpu.memory_space<vmem_shared>>) target(%arg36 : memref<2000xf32, #tpu.memory_space<vmem>>) offsets(%arg24 : memref<2000xi32, #tpu.memory_space<vmem>>) semaphore(%arg59 : memref<!tpu.dma_semaphore, #tpu.memory_space<semaphore_mem>>)
    %dma_start3A_281 = arith.constant 0 : i32
    %dma_start3A_282 = tpu.memref_slice %arg19[%dma_start3A_281] : memref<100000xf32, #tpu.memory_space<vmem_shared>> -> memref<100000xf32, #tpu.memory_space<vmem_shared>>
    tpu.enqueue_indirect_dma source(%dma_start3A_282 : memref<100000xf32, #tpu.memory_space<vmem_shared>>) target(%arg37 : memref<2000xf32, #tpu.memory_space<vmem>>) offsets(%arg24 : memref<2000xi32, #tpu.memory_space<vmem>>) semaphore(%arg59 : memref<!tpu.dma_semaphore, #tpu.memory_space<semaphore_mem>>)
    %mul3A_283 = arith.constant 100000 : i32
    %mul3A_284 = arith.muli %arg1, %mul3A_283 : i32
    %add3A_285 = arith.constant 2000 : i32
    %add3A_286 = arith.addi %mul3A_284, %add3A_285 : i32
    %eq3A_287 = arith.constant 0 : i32
    %eq3A_288 = arith.cmpi eq, %arg0, %eq3A_287 : i32
    %convert_element_type3A_289 = arith.extui %eq3A_288 : i1 to i32
    %cond3A_290 = arith.constant 0 : i32
    %cond3A_291 = arith.cmpi ne, %convert_element_type3A_289, %cond3A_290 : i32
    scf.if %cond3A_291 {
      %dma_start3A_656 = tpu.memref_slice %arg10[%add3A_286] : memref<1600000xi32, #tpu.memory_space<hbm>> -> memref<2000xi32, #tpu.memory_space<hbm>>
      %dma_start3A_657 = tpu.memref_slice %arg10[%add3A_286] : memref<1600000xi32, #tpu.memory_space<hbm>> -> memref<2000xi32, #tpu.memory_space<hbm>>
      tpu.enqueue_dma source(%dma_start3A_657 : memref<2000xi32, #tpu.memory_space<hbm>>) target(%arg25 : memref<2000xi32, #tpu.memory_space<vmem>>) target_semaphore(%arg58 : memref<!tpu.dma_semaphore, #tpu.memory_space<semaphore_mem>>)
      %dma_start3A_658 = tpu.memref_slice %arg11[%add3A_286] : memref<1600000xi32, #tpu.memory_space<hbm>> -> memref<2000xi32, #tpu.memory_space<hbm>>
      %dma_start3A_659 = tpu.memref_slice %arg11[%add3A_286] : memref<1600000xi32, #tpu.memory_space<hbm>> -> memref<2000xi32, #tpu.memory_space<hbm>>
      tpu.enqueue_dma source(%dma_start3A_659 : memref<2000xi32, #tpu.memory_space<hbm>>) target(%arg26 : memref<2000xi32, #tpu.memory_space<vmem>>) target_semaphore(%arg58 : memref<!tpu.dma_semaphore, #tpu.memory_space<semaphore_mem>>)
      %dma_start3A_660 = tpu.memref_slice %arg12[%add3A_286] : memref<1600000xi32, #tpu.memory_space<hbm>> -> memref<2000xi32, #tpu.memory_space<hbm>>
      %dma_start3A_661 = tpu.memref_slice %arg12[%add3A_286] : memref<1600000xi32, #tpu.memory_space<hbm>> -> memref<2000xi32, #tpu.memory_space<hbm>>
      tpu.enqueue_dma source(%dma_start3A_661 : memref<2000xi32, #tpu.memory_space<hbm>>) target(%arg27 : memref<2000xi32, #tpu.memory_space<vmem>>) target_semaphore(%arg58 : memref<!tpu.dma_semaphore, #tpu.memory_space<semaphore_mem>>)
    } else {
    }
    %eq3A_292 = arith.constant 1 : i32
    %eq3A_293 = arith.cmpi eq, %arg0, %eq3A_292 : i32
    %convert_element_type3A_294 = arith.extui %eq3A_293 : i1 to i32
    %cond3A_295 = arith.constant 0 : i32
    %cond3A_296 = arith.cmpi ne, %convert_element_type3A_294, %cond3A_295 : i32
    scf.if %cond3A_296 {
      %dma_start3A_656 = tpu.memref_slice %arg13[%add3A_286] : memref<1600000xi32, #tpu.memory_space<hbm>> -> memref<2000xi32, #tpu.memory_space<hbm>>
      %dma_start3A_657 = tpu.memref_slice %arg13[%add3A_286] : memref<1600000xi32, #tpu.memory_space<hbm>> -> memref<2000xi32, #tpu.memory_space<hbm>>
      tpu.enqueue_dma source(%dma_start3A_657 : memref<2000xi32, #tpu.memory_space<hbm>>) target(%arg25 : memref<2000xi32, #tpu.memory_space<vmem>>) target_semaphore(%arg58 : memref<!tpu.dma_semaphore, #tpu.memory_space<semaphore_mem>>)
      %dma_start3A_658 = tpu.memref_slice %arg14[%add3A_286] : memref<1600000xi32, #tpu.memory_space<hbm>> -> memref<2000xi32, #tpu.memory_space<hbm>>
      %dma_start3A_659 = tpu.memref_slice %arg14[%add3A_286] : memref<1600000xi32, #tpu.memory_space<hbm>> -> memref<2000xi32, #tpu.memory_space<hbm>>
      tpu.enqueue_dma source(%dma_start3A_659 : memref<2000xi32, #tpu.memory_space<hbm>>) target(%arg26 : memref<2000xi32, #tpu.memory_space<vmem>>) target_semaphore(%arg58 : memref<!tpu.dma_semaphore, #tpu.memory_space<semaphore_mem>>)
      %dma_start3A_660 = tpu.memref_slice %arg15[%add3A_286] : memref<1600000xi32, #tpu.memory_space<hbm>> -> memref<2000xi32, #tpu.memory_space<hbm>>
      %dma_start3A_661 = tpu.memref_slice %arg15[%add3A_286] : memref<1600000xi32, #tpu.memory_space<hbm>> -> memref<2000xi32, #tpu.memory_space<hbm>>
      tpu.enqueue_dma source(%dma_start3A_661 : memref<2000xi32, #tpu.memory_space<hbm>>) target(%arg27 : memref<2000xi32, #tpu.memory_space<vmem>>) target_semaphore(%arg58 : memref<!tpu.dma_semaphore, #tpu.memory_space<semaphore_mem>>)
    } else {
    }
    %scan3A = arith.constant 0 : i32
    %scan3A_297 = arith.constant 0 : i32
    %scan3A_298 = arith.constant 25 : i32
    %scan3A_299 = arith.addi %scan3A_297, %scan3A_298 : i32
    %scan3A_300 = arith.constant 1 : i32
    scf.for %scan3A_656 = %scan3A_297 to %scan3A_299 step %scan3A_300  : i32 {
      %lt3A = arith.constant 24 : i32
      %lt3A_657 = arith.cmpi slt, %scan3A_656, %lt3A : i32
      %dma_wait3A_658 = arith.constant 0 : i32
      %dma_wait3A_659 = tpu.memref_slice %arg10[%dma_wait3A_658] : memref<1600000xi32, #tpu.memory_space<hbm>> -> memref<2000xi32, #tpu.memory_space<hbm>>
      %dma_wait3A_660 = arith.constant 0 : i32
      %dma_wait3A_661 = tpu.memref_slice %arg10[%dma_wait3A_660] : memref<1600000xi32, #tpu.memory_space<hbm>> -> memref<2000xi32, #tpu.memory_space<hbm>>
      tpu.wait_dma2 semaphore(%arg58 : memref<!tpu.dma_semaphore, #tpu.memory_space<semaphore_mem>>) src(%dma_wait3A_661 : memref<2000xi32, #tpu.memory_space<hbm>>) dst(%arg25 : memref<2000xi32, #tpu.memory_space<vmem>>)
      %dma_wait3A_662 = arith.constant 0 : i32
      %dma_wait3A_663 = tpu.memref_slice %arg10[%dma_wait3A_662] : memref<1600000xi32, #tpu.memory_space<hbm>> -> memref<2000xi32, #tpu.memory_space<hbm>>
      %dma_wait3A_664 = arith.constant 0 : i32
      %dma_wait3A_665 = tpu.memref_slice %arg10[%dma_wait3A_664] : memref<1600000xi32, #tpu.memory_space<hbm>> -> memref<2000xi32, #tpu.memory_space<hbm>>
      tpu.wait_dma2 semaphore(%arg58 : memref<!tpu.dma_semaphore, #tpu.memory_space<semaphore_mem>>) src(%dma_wait3A_665 : memref<2000xi32, #tpu.memory_space<hbm>>) dst(%arg26 : memref<2000xi32, #tpu.memory_space<vmem>>)
      %dma_wait3A_666 = arith.constant 0 : i32
      %dma_wait3A_667 = tpu.memref_slice %arg10[%dma_wait3A_666] : memref<1600000xi32, #tpu.memory_space<hbm>> -> memref<2000xi32, #tpu.memory_space<hbm>>
      %dma_wait3A_668 = arith.constant 0 : i32
      %dma_wait3A_669 = tpu.memref_slice %arg10[%dma_wait3A_668] : memref<1600000xi32, #tpu.memory_space<hbm>> -> memref<2000xi32, #tpu.memory_space<hbm>>
      tpu.wait_dma2 semaphore(%arg58 : memref<!tpu.dma_semaphore, #tpu.memory_space<semaphore_mem>>) src(%dma_wait3A_669 : memref<2000xi32, #tpu.memory_space<hbm>>) dst(%arg27 : memref<2000xi32, #tpu.memory_space<vmem>>)
      %dma_start3A_670 = arith.constant 0 : i32
      %dma_start3A_671 = tpu.memref_slice %arg17[%dma_start3A_670] : memref<100000xf32, #tpu.memory_space<vmem_shared>> -> memref<100000xf32, #tpu.memory_space<vmem_shared>>
      tpu.enqueue_indirect_dma source(%dma_start3A_671 : memref<100000xf32, #tpu.memory_space<vmem_shared>>) target(%arg38 : memref<2000xf32, #tpu.memory_space<vmem>>) offsets(%arg25 : memref<2000xi32, #tpu.memory_space<vmem>>) semaphore(%arg60 : memref<!tpu.dma_semaphore, #tpu.memory_space<semaphore_mem>>)
      %dma_start3A_672 = arith.constant 0 : i32
      %dma_start3A_673 = tpu.memref_slice %arg18[%dma_start3A_672] : memref<100000xf32, #tpu.memory_space<vmem_shared>> -> memref<100000xf32, #tpu.memory_space<vmem_shared>>
      tpu.enqueue_indirect_dma source(%dma_start3A_673 : memref<100000xf32, #tpu.memory_space<vmem_shared>>) target(%arg39 : memref<2000xf32, #tpu.memory_space<vmem>>) offsets(%arg25 : memref<2000xi32, #tpu.memory_space<vmem>>) semaphore(%arg60 : memref<!tpu.dma_semaphore, #tpu.memory_space<semaphore_mem>>)
      %dma_start3A_674 = arith.constant 0 : i32
      %dma_start3A_675 = tpu.memref_slice %arg19[%dma_start3A_674] : memref<100000xf32, #tpu.memory_space<vmem_shared>> -> memref<100000xf32, #tpu.memory_space<vmem_shared>>
      tpu.enqueue_indirect_dma source(%dma_start3A_675 : memref<100000xf32, #tpu.memory_space<vmem_shared>>) target(%arg40 : memref<2000xf32, #tpu.memory_space<vmem>>) offsets(%arg25 : memref<2000xi32, #tpu.memory_space<vmem>>) semaphore(%arg60 : memref<!tpu.dma_semaphore, #tpu.memory_space<semaphore_mem>>)
      %dma_start3A_676 = arith.constant 0 : i32
      %dma_start3A_677 = tpu.memref_slice %arg20[%dma_start3A_676] : memref<100000xf32, #tpu.memory_space<vmem_shared>> -> memref<100000xf32, #tpu.memory_space<vmem_shared>>
      tpu.enqueue_indirect_dma source(%dma_start3A_677 : memref<100000xf32, #tpu.memory_space<vmem_shared>>) target(%arg41 : memref<2000xf32, #tpu.memory_space<vmem>>) offsets(%arg25 : memref<2000xi32, #tpu.memory_space<vmem>>) semaphore(%arg60 : memref<!tpu.dma_semaphore, #tpu.memory_space<semaphore_mem>>)
      %dma_start3A_678 = arith.constant 0 : i32
      %dma_start3A_679 = tpu.memref_slice %arg17[%dma_start3A_678] : memref<100000xf32, #tpu.memory_space<vmem_shared>> -> memref<100000xf32, #tpu.memory_space<vmem_shared>>
      tpu.enqueue_indirect_dma source(%dma_start3A_679 : memref<100000xf32, #tpu.memory_space<vmem_shared>>) target(%arg42 : memref<2000xf32, #tpu.memory_space<vmem>>) offsets(%arg26 : memref<2000xi32, #tpu.memory_space<vmem>>) semaphore(%arg60 : memref<!tpu.dma_semaphore, #tpu.memory_space<semaphore_mem>>)
      %dma_start3A_680 = arith.constant 0 : i32
      %dma_start3A_681 = tpu.memref_slice %arg18[%dma_start3A_680] : memref<100000xf32, #tpu.memory_space<vmem_shared>> -> memref<100000xf32, #tpu.memory_space<vmem_shared>>
      tpu.enqueue_indirect_dma source(%dma_start3A_681 : memref<100000xf32, #tpu.memory_space<vmem_shared>>) target(%arg43 : memref<2000xf32, #tpu.memory_space<vmem>>) offsets(%arg26 : memref<2000xi32, #tpu.memory_space<vmem>>) semaphore(%arg60 : memref<!tpu.dma_semaphore, #tpu.memory_space<semaphore_mem>>)
      %dma_start3A_682 = arith.constant 0 : i32
      %dma_start3A_683 = tpu.memref_slice %arg19[%dma_start3A_682] : memref<100000xf32, #tpu.memory_space<vmem_shared>> -> memref<100000xf32, #tpu.memory_space<vmem_shared>>
      tpu.enqueue_indirect_dma source(%dma_start3A_683 : memref<100000xf32, #tpu.memory_space<vmem_shared>>) target(%arg44 : memref<2000xf32, #tpu.memory_space<vmem>>) offsets(%arg26 : memref<2000xi32, #tpu.memory_space<vmem>>) semaphore(%arg60 : memref<!tpu.dma_semaphore, #tpu.memory_space<semaphore_mem>>)
      %dma_start3A_684 = arith.constant 0 : i32
      %dma_start3A_685 = tpu.memref_slice %arg17[%dma_start3A_684] : memref<100000xf32, #tpu.memory_space<vmem_shared>> -> memref<100000xf32, #tpu.memory_space<vmem_shared>>
      tpu.enqueue_indirect_dma source(%dma_start3A_685 : memref<100000xf32, #tpu.memory_space<vmem_shared>>) target(%arg45 : memref<2000xf32, #tpu.memory_space<vmem>>) offsets(%arg27 : memref<2000xi32, #tpu.memory_space<vmem>>) semaphore(%arg60 : memref<!tpu.dma_semaphore, #tpu.memory_space<semaphore_mem>>)
      %dma_start3A_686 = arith.constant 0 : i32
      %dma_start3A_687 = tpu.memref_slice %arg18[%dma_start3A_686] : memref<100000xf32, #tpu.memory_space<vmem_shared>> -> memref<100000xf32, #tpu.memory_space<vmem_shared>>
      tpu.enqueue_indirect_dma source(%dma_start3A_687 : memref<100000xf32, #tpu.memory_space<vmem_shared>>) target(%arg46 : memref<2000xf32, #tpu.memory_space<vmem>>) offsets(%arg27 : memref<2000xi32, #tpu.memory_space<vmem>>) semaphore(%arg60 : memref<!tpu.dma_semaphore, #tpu.memory_space<semaphore_mem>>)
      %dma_start3A_688 = arith.constant 0 : i32
      %dma_start3A_689 = tpu.memref_slice %arg19[%dma_start3A_688] : memref<100000xf32, #tpu.memory_space<vmem_shared>> -> memref<100000xf32, #tpu.memory_space<vmem_shared>>
      tpu.enqueue_indirect_dma source(%dma_start3A_689 : memref<100000xf32, #tpu.memory_space<vmem_shared>>) target(%arg47 : memref<2000xf32, #tpu.memory_space<vmem>>) offsets(%arg27 : memref<2000xi32, #tpu.memory_space<vmem>>) semaphore(%arg60 : memref<!tpu.dma_semaphore, #tpu.memory_space<semaphore_mem>>)
      %dma_wait3A_690 = arith.constant 0 : i32
      %dma_wait3A_691 = tpu.memref_slice %arg17[%dma_wait3A_690] : memref<100000xf32, #tpu.memory_space<vmem_shared>> -> memref<100000xf32, #tpu.memory_space<vmem_shared>>
      tpu.wait_indirect_dma semaphore(%arg59 : memref<!tpu.dma_semaphore, #tpu.memory_space<semaphore_mem>>) src(%dma_wait3A_691 : memref<100000xf32, #tpu.memory_space<vmem_shared>>) dst(%arg28 : memref<2000xf32, #tpu.memory_space<vmem>>)
      %dma_wait3A_692 = arith.constant 0 : i32
      %dma_wait3A_693 = tpu.memref_slice %arg17[%dma_wait3A_692] : memref<100000xf32, #tpu.memory_space<vmem_shared>> -> memref<100000xf32, #tpu.memory_space<vmem_shared>>
      tpu.wait_indirect_dma semaphore(%arg59 : memref<!tpu.dma_semaphore, #tpu.memory_space<semaphore_mem>>) src(%dma_wait3A_693 : memref<100000xf32, #tpu.memory_space<vmem_shared>>) dst(%arg29 : memref<2000xf32, #tpu.memory_space<vmem>>)
      %dma_wait3A_694 = arith.constant 0 : i32
      %dma_wait3A_695 = tpu.memref_slice %arg17[%dma_wait3A_694] : memref<100000xf32, #tpu.memory_space<vmem_shared>> -> memref<100000xf32, #tpu.memory_space<vmem_shared>>
      tpu.wait_indirect_dma semaphore(%arg59 : memref<!tpu.dma_semaphore, #tpu.memory_space<semaphore_mem>>) src(%dma_wait3A_695 : memref<100000xf32, #tpu.memory_space<vmem_shared>>) dst(%arg30 : memref<2000xf32, #tpu.memory_space<vmem>>)
      %dma_wait3A_696 = arith.constant 0 : i32
      %dma_wait3A_697 = tpu.memref_slice %arg17[%dma_wait3A_696] : memref<100000xf32, #tpu.memory_space<vmem_shared>> -> memref<100000xf32, #tpu.memory_space<vmem_shared>>
      tpu.wait_indirect_dma semaphore(%arg59 : memref<!tpu.dma_semaphore, #tpu.memory_space<semaphore_mem>>) src(%dma_wait3A_697 : memref<100000xf32, #tpu.memory_space<vmem_shared>>) dst(%arg31 : memref<2000xf32, #tpu.memory_space<vmem>>)
      %dma_wait3A_698 = arith.constant 0 : i32
      %dma_wait3A_699 = tpu.memref_slice %arg17[%dma_wait3A_698] : memref<100000xf32, #tpu.memory_space<vmem_shared>> -> memref<100000xf32, #tpu.memory_space<vmem_shared>>
      tpu.wait_indirect_dma semaphore(%arg59 : memref<!tpu.dma_semaphore, #tpu.memory_space<semaphore_mem>>) src(%dma_wait3A_699 : memref<100000xf32, #tpu.memory_space<vmem_shared>>) dst(%arg32 : memref<2000xf32, #tpu.memory_space<vmem>>)
      %dma_wait3A_700 = arith.constant 0 : i32
      %dma_wait3A_701 = tpu.memref_slice %arg17[%dma_wait3A_700] : memref<100000xf32, #tpu.memory_space<vmem_shared>> -> memref<100000xf32, #tpu.memory_space<vmem_shared>>
      tpu.wait_indirect_dma semaphore(%arg59 : memref<!tpu.dma_semaphore, #tpu.memory_space<semaphore_mem>>) src(%dma_wait3A_701 : memref<100000xf32, #tpu.memory_space<vmem_shared>>) dst(%arg33 : memref<2000xf32, #tpu.memory_space<vmem>>)
      %dma_wait3A_702 = arith.constant 0 : i32
      %dma_wait3A_703 = tpu.memref_slice %arg17[%dma_wait3A_702] : memref<100000xf32, #tpu.memory_space<vmem_shared>> -> memref<100000xf32, #tpu.memory_space<vmem_shared>>
      tpu.wait_indirect_dma semaphore(%arg59 : memref<!tpu.dma_semaphore, #tpu.memory_space<semaphore_mem>>) src(%dma_wait3A_703 : memref<100000xf32, #tpu.memory_space<vmem_shared>>) dst(%arg34 : memref<2000xf32, #tpu.memory_space<vmem>>)
      %dma_wait3A_704 = arith.constant 0 : i32
      %dma_wait3A_705 = tpu.memref_slice %arg17[%dma_wait3A_704] : memref<100000xf32, #tpu.memory_space<vmem_shared>> -> memref<100000xf32, #tpu.memory_space<vmem_shared>>
      tpu.wait_indirect_dma semaphore(%arg59 : memref<!tpu.dma_semaphore, #tpu.memory_space<semaphore_mem>>) src(%dma_wait3A_705 : memref<100000xf32, #tpu.memory_space<vmem_shared>>) dst(%arg35 : memref<2000xf32, #tpu.memory_space<vmem>>)
      %dma_wait3A_706 = arith.constant 0 : i32
      %dma_wait3A_707 = tpu.memref_slice %arg17[%dma_wait3A_706] : memref<100000xf32, #tpu.memory_space<vmem_shared>> -> memref<100000xf32, #tpu.memory_space<vmem_shared>>
      tpu.wait_indirect_dma semaphore(%arg59 : memref<!tpu.dma_semaphore, #tpu.memory_space<semaphore_mem>>) src(%dma_wait3A_707 : memref<100000xf32, #tpu.memory_space<vmem_shared>>) dst(%arg36 : memref<2000xf32, #tpu.memory_space<vmem>>)
      %dma_wait3A_708 = arith.constant 0 : i32
      %dma_wait3A_709 = tpu.memref_slice %arg17[%dma_wait3A_708] : memref<100000xf32, #tpu.memory_space<vmem_shared>> -> memref<100000xf32, #tpu.memory_space<vmem_shared>>
      tpu.wait_indirect_dma semaphore(%arg59 : memref<!tpu.dma_semaphore, #tpu.memory_space<semaphore_mem>>) src(%dma_wait3A_709 : memref<100000xf32, #tpu.memory_space<vmem_shared>>) dst(%arg37 : memref<2000xf32, #tpu.memory_space<vmem>>)
      %convert_element_type3A_710 = arith.extui %lt3A_657 : i1 to i32
      %cond3A_711 = arith.constant 0 : i32
      %cond3A_712 = arith.cmpi ne, %convert_element_type3A_710, %cond3A_711 : i32
      scf.if %cond3A_712 {
        %mul3A_751 = arith.constant 2 : i32
        %mul3A_752 = arith.muli %mul3A_751, %scan3A_656 : i32
        %add3A_753 = arith.constant 2 : i32
        %add3A_754 = arith.addi %mul3A_752, %add3A_753 : i32
        %mul3A_755 = arith.constant 100000 : i32
        %mul3A_756 = arith.muli %arg1, %mul3A_755 : i32
        %mul3A_757 = arith.constant 2000 : i32
        %mul3A_758 = arith.muli %add3A_754, %mul3A_757 : i32
        %add3A_759 = arith.addi %mul3A_756, %mul3A_758 : i32
        %eq3A_760 = arith.constant 0 : i32
        %eq3A_761 = arith.cmpi eq, %arg0, %eq3A_760 : i32
        %convert_element_type3A_762 = arith.extui %eq3A_761 : i1 to i32
        %cond3A_763 = arith.constant 0 : i32
        %cond3A_764 = arith.cmpi ne, %convert_element_type3A_762, %cond3A_763 : i32
        scf.if %cond3A_764 {
          %dma_start3A_770 = tpu.memref_slice %arg10[%add3A_759] : memref<1600000xi32, #tpu.memory_space<hbm>> -> memref<2000xi32, #tpu.memory_space<hbm>>
          %dma_start3A_771 = tpu.memref_slice %arg10[%add3A_759] : memref<1600000xi32, #tpu.memory_space<hbm>> -> memref<2000xi32, #tpu.memory_space<hbm>>
          tpu.enqueue_dma source(%dma_start3A_771 : memref<2000xi32, #tpu.memory_space<hbm>>) target(%arg22 : memref<2000xi32, #tpu.memory_space<vmem>>) target_semaphore(%arg57 : memref<!tpu.dma_semaphore, #tpu.memory_space<semaphore_mem>>)
          %dma_start3A_772 = tpu.memref_slice %arg11[%add3A_759] : memref<1600000xi32, #tpu.memory_space<hbm>> -> memref<2000xi32, #tpu.memory_space<hbm>>
          %dma_start3A_773 = tpu.memref_slice %arg11[%add3A_759] : memref<1600000xi32, #tpu.memory_space<hbm>> -> memref<2000xi32, #tpu.memory_space<hbm>>
          tpu.enqueue_dma source(%dma_start3A_773 : memref<2000xi32, #tpu.memory_space<hbm>>) target(%arg23 : memref<2000xi32, #tpu.memory_space<vmem>>) target_semaphore(%arg57 : memref<!tpu.dma_semaphore, #tpu.memory_space<semaphore_mem>>)
          %dma_start3A_774 = tpu.memref_slice %arg12[%add3A_759] : memref<1600000xi32, #tpu.memory_space<hbm>> -> memref<2000xi32, #tpu.memory_space<hbm>>
          %dma_start3A_775 = tpu.memref_slice %arg12[%add3A_759] : memref<1600000xi32, #tpu.memory_space<hbm>> -> memref<2000xi32, #tpu.memory_space<hbm>>
          tpu.enqueue_dma source(%dma_start3A_775 : memref<2000xi32, #tpu.memory_space<hbm>>) target(%arg24 : memref<2000xi32, #tpu.memory_space<vmem>>) target_semaphore(%arg57 : memref<!tpu.dma_semaphore, #tpu.memory_space<semaphore_mem>>)
        } else {
        }
        %eq3A_765 = arith.constant 1 : i32
        %eq3A_766 = arith.cmpi eq, %arg0, %eq3A_765 : i32
        %convert_element_type3A_767 = arith.extui %eq3A_766 : i1 to i32
        %cond3A_768 = arith.constant 0 : i32
        %cond3A_769 = arith.cmpi ne, %convert_element_type3A_767, %cond3A_768 : i32
        scf.if %cond3A_769 {
          %dma_start3A_770 = tpu.memref_slice %arg13[%add3A_759] : memref<1600000xi32, #tpu.memory_space<hbm>> -> memref<2000xi32, #tpu.memory_space<hbm>>
          %dma_start3A_771 = tpu.memref_slice %arg13[%add3A_759] : memref<1600000xi32, #tpu.memory_space<hbm>> -> memref<2000xi32, #tpu.memory_space<hbm>>
          tpu.enqueue_dma source(%dma_start3A_771 : memref<2000xi32, #tpu.memory_space<hbm>>) target(%arg22 : memref<2000xi32, #tpu.memory_space<vmem>>) target_semaphore(%arg57 : memref<!tpu.dma_semaphore, #tpu.memory_space<semaphore_mem>>)
          %dma_start3A_772 = tpu.memref_slice %arg14[%add3A_759] : memref<1600000xi32, #tpu.memory_space<hbm>> -> memref<2000xi32, #tpu.memory_space<hbm>>
          %dma_start3A_773 = tpu.memref_slice %arg14[%add3A_759] : memref<1600000xi32, #tpu.memory_space<hbm>> -> memref<2000xi32, #tpu.memory_space<hbm>>
          tpu.enqueue_dma source(%dma_start3A_773 : memref<2000xi32, #tpu.memory_space<hbm>>) target(%arg23 : memref<2000xi32, #tpu.memory_space<vmem>>) target_semaphore(%arg57 : memref<!tpu.dma_semaphore, #tpu.memory_space<semaphore_mem>>)
          %dma_start3A_774 = tpu.memref_slice %arg15[%add3A_759] : memref<1600000xi32, #tpu.memory_space<hbm>> -> memref<2000xi32, #tpu.memory_space<hbm>>
          %dma_start3A_775 = tpu.memref_slice %arg15[%add3A_759] : memref<1600000xi32, #tpu.memory_space<hbm>> -> memref<2000xi32, #tpu.memory_space<hbm>>
          tpu.enqueue_dma source(%dma_start3A_775 : memref<2000xi32, #tpu.memory_space<hbm>>) target(%arg24 : memref<2000xi32, #tpu.memory_space<vmem>>) target_semaphore(%arg57 : memref<!tpu.dma_semaphore, #tpu.memory_space<semaphore_mem>>)
        } else {
        }
      } else {
      }
      %scan3A_713 = arith.constant 0 : i32
      %scan3A_714 = arith.constant 0 : i32
      %scan3A_715 = arith.constant 125 : i32
      %scan3A_716 = arith.addi %scan3A_714, %scan3A_715 : i32
      %scan3A_717 = arith.constant 1 : i32
      scf.for %scan3A_751 = %scan3A_714 to %scan3A_716 step %scan3A_717  : i32 {
        %mul3A_752 = arith.constant 16 : i32
        %mul3A_753 = arith.muli %scan3A_751, %mul3A_752 : i32
        %get3A_754 = arith.index_cast %mul3A_753 : i32 to index
        %get3A_755 = tpu.vector_load %arg28[%get3A_754] {strides = array<i32>} : memref<2000xf32, #tpu.memory_space<vmem>>, vector<16xf32>,
        %get3A_756 = arith.index_cast %mul3A_753 : i32 to index
        %get3A_757 = tpu.vector_load %arg29[%get3A_756] {strides = array<i32>} : memref<2000xf32, #tpu.memory_space<vmem>>, vector<16xf32>,
        %get3A_758 = arith.index_cast %mul3A_753 : i32 to index
        %get3A_759 = tpu.vector_load %arg30[%get3A_758] {strides = array<i32>} : memref<2000xf32, #tpu.memory_space<vmem>>, vector<16xf32>,
        %get3A_760 = arith.index_cast %mul3A_753 : i32 to index
        %get3A_761 = tpu.vector_load %arg32[%get3A_760] {strides = array<i32>} : memref<2000xf32, #tpu.memory_space<vmem>>, vector<16xf32>,
        %get3A_762 = arith.index_cast %mul3A_753 : i32 to index
        %get3A_763 = tpu.vector_load %arg33[%get3A_762] {strides = array<i32>} : memref<2000xf32, #tpu.memory_space<vmem>>, vector<16xf32>,
        %get3A_764 = arith.index_cast %mul3A_753 : i32 to index
        %get3A_765 = tpu.vector_load %arg34[%get3A_764] {strides = array<i32>} : memref<2000xf32, #tpu.memory_space<vmem>>, vector<16xf32>,
        %get3A_766 = arith.index_cast %mul3A_753 : i32 to index
        %get3A_767 = tpu.vector_load %arg35[%get3A_766] {strides = array<i32>} : memref<2000xf32, #tpu.memory_space<vmem>>, vector<16xf32>,
        %get3A_768 = arith.index_cast %mul3A_753 : i32 to index
        %get3A_769 = tpu.vector_load %arg36[%get3A_768] {strides = array<i32>} : memref<2000xf32, #tpu.memory_space<vmem>>, vector<16xf32>,
        %get3A_770 = arith.index_cast %mul3A_753 : i32 to index
        %get3A_771 = tpu.vector_load %arg37[%get3A_770] {strides = array<i32>} : memref<2000xf32, #tpu.memory_space<vmem>>, vector<16xf32>,
        %sub3A = arith.subf %get3A_761, %get3A_755 : vector<16xf32>
        %sub3A_772 = arith.subf %get3A_763, %get3A_757 : vector<16xf32>
        %sub3A_773 = arith.subf %get3A_765, %get3A_759 : vector<16xf32>
        %sub3A_774 = arith.subf %get3A_767, %get3A_755 : vector<16xf32>
        %sub3A_775 = arith.subf %get3A_769, %get3A_757 : vector<16xf32>
        %sub3A_776 = arith.subf %get3A_771, %get3A_759 : vector<16xf32>
        %mul3A_777 = arith.mulf %sub3A_772, %sub3A_776 : vector<16xf32>
        %mul3A_778 = arith.mulf %sub3A_773, %sub3A_775 : vector<16xf32>
        %sub3A_779 = arith.subf %mul3A_777, %mul3A_778 : vector<16xf32>
        %mul3A_780 = arith.mulf %sub3A_773, %sub3A_774 : vector<16xf32>
        %mul3A_781 = arith.mulf %sub3A, %sub3A_776 : vector<16xf32>
        %sub3A_782 = arith.subf %mul3A_780, %mul3A_781 : vector<16xf32>
        %mul3A_783 = arith.mulf %sub3A, %sub3A_775 : vector<16xf32>
        %mul3A_784 = arith.mulf %sub3A_772, %sub3A_774 : vector<16xf32>
        %sub3A_785 = arith.subf %mul3A_783, %mul3A_784 : vector<16xf32>
        %mul3A_786 = arith.mulf %sub3A_779, %sub3A_779 : vector<16xf32>
        %mul3A_787 = arith.mulf %sub3A_782, %sub3A_782 : vector<16xf32>
        %add3A_788 = arith.addf %mul3A_786, %mul3A_787 : vector<16xf32>
        %mul3A_789 = arith.mulf %sub3A_785, %sub3A_785 : vector<16xf32>
        %add3A_790 = arith.addf %add3A_788, %mul3A_789 : vector<16xf32>
        %bitcast_convert_type3A = tpu.bitcast %add3A_790 : vector<16xf32> -> vector<16xi32>
        %shift_right_logical3A = arith.constant 1 : i32
        %shift_right_logical3A_791 = vector.broadcast %shift_right_logical3A : i32 to vector<16xi32>
        %shift_right_logical3A_792 = arith.shrui %bitcast_convert_type3A, %shift_right_logical3A_791 : vector<16xi32>
        %sub3A_793 = arith.constant 1597463007 : i32
        %sub3A_794 = vector.broadcast %sub3A_793 : i32 to vector<16xi32>
        %sub3A_795 = arith.subi %sub3A_794, %shift_right_logical3A_792 : vector<16xi32>
        %bitcast_convert_type3A_796 = tpu.bitcast %sub3A_795 : vector<16xi32> -> vector<16xf32>
        %mul3A_797 = arith.constant 5.000000e-01 : f32
        %mul3A_798 = vector.broadcast %mul3A_797 : f32 to vector<16xf32>
        %mul3A_799 = arith.mulf %mul3A_798, %add3A_790 : vector<16xf32>
        %mul3A_800 = arith.mulf %mul3A_799, %bitcast_convert_type3A_796 : vector<16xf32>
        %mul3A_801 = arith.mulf %mul3A_800, %bitcast_convert_type3A_796 : vector<16xf32>
        %sub3A_802 = arith.constant 1.500000e+00 : f32
        %sub3A_803 = vector.broadcast %sub3A_802 : f32 to vector<16xf32>
        %sub3A_804 = arith.subf %sub3A_803, %mul3A_801 : vector<16xf32>
        %mul3A_805 = arith.mulf %bitcast_convert_type3A_796, %sub3A_804 : vector<16xf32>
        %mul3A_806 = arith.constant 5.000000e-01 : f32
        %mul3A_807 = vector.broadcast %mul3A_806 : f32 to vector<16xf32>
        %mul3A_808 = arith.mulf %mul3A_807, %add3A_790 : vector<16xf32>
        %mul3A_809 = arith.mulf %mul3A_808, %mul3A_805 : vector<16xf32>
        %mul3A_810 = arith.mulf %mul3A_809, %mul3A_805 : vector<16xf32>
        %sub3A_811 = arith.constant 1.500000e+00 : f32
        %sub3A_812 = vector.broadcast %sub3A_811 : f32 to vector<16xf32>
        %sub3A_813 = arith.subf %sub3A_812, %mul3A_810 : vector<16xf32>
        %mul3A_814 = arith.mulf %mul3A_805, %sub3A_813 : vector<16xf32>
        %mul3A_815 = arith.constant 5.000000e-01 : f32
        %mul3A_816 = vector.broadcast %mul3A_815 : f32 to vector<16xf32>
        %mul3A_817 = arith.mulf %mul3A_816, %add3A_790 : vector<16xf32>
        %mul3A_818 = arith.mulf %mul3A_817, %mul3A_814 : vector<16xf32>
        %mul3A_819 = arith.mulf %mul3A_818, %mul3A_814 : vector<16xf32>
        %sub3A_820 = arith.constant 1.500000e+00 : f32
        %sub3A_821 = vector.broadcast %sub3A_820 : f32 to vector<16xf32>
        %sub3A_822 = arith.subf %sub3A_821, %mul3A_819 : vector<16xf32>
        %mul3A_823 = arith.mulf %mul3A_814, %sub3A_822 : vector<16xf32>
        %mul3A_824 = arith.mulf %add3A_790, %mul3A_823 : vector<16xf32>
        %add3A_825 = arith.constant 9.99999993E-9 : f32
        %add3A_826 = vector.broadcast %add3A_825 : f32 to vector<16xf32>
        %add3A_827 = arith.addf %mul3A_824, %add3A_826 : vector<16xf32>
        %div3A = arith.constant 1.000000e+00 : f32
        %div3A_828 = vector.broadcast %div3A : f32 to vector<16xf32>
        %div3A_829 = arith.divf %div3A_828, %add3A_827 : vector<16xf32>
        %mul3A_830 = arith.mulf %sub3A_779, %div3A_829 : vector<16xf32>
        %mul3A_831 = arith.mulf %sub3A_782, %div3A_829 : vector<16xf32>
        %mul3A_832 = arith.mulf %sub3A_785, %div3A_829 : vector<16xf32>
        %get3A_833 = arith.index_cast %mul3A_753 : i32 to index
        %get3A_834 = tpu.vector_load %arg31[%get3A_833] {strides = array<i32>} : memref<2000xf32, #tpu.memory_space<vmem>>, vector<16xf32>,
        %convert_element_type3A_835 = arith.fptosi %get3A_834 : vector<16xf32> to vector<16xi32>
        %add3A_836 = arith.addi %mul3A_237, %convert_element_type3A_835 : vector<16xi32>
        tpu.vector_store_idx %arg48[%add3A_836], %broadcast_in_dim3A_239 {add = true} : memref<256xf32, #tpu.memory_space<vmem>>[vector<16xi32>], vector<16xf32>,
        tpu.vector_store_idx %arg49[%add3A_836], %mul3A_830 {add = true} : memref<256xf32, #tpu.memory_space<vmem>>[vector<16xi32>], vector<16xf32>,
        tpu.vector_store_idx %arg50[%add3A_836], %mul3A_831 {add = true} : memref<256xf32, #tpu.memory_space<vmem>>[vector<16xi32>], vector<16xf32>,
        tpu.vector_store_idx %arg51[%add3A_836], %mul3A_832 {add = true} : memref<256xf32, #tpu.memory_space<vmem>>[vector<16xi32>], vector<16xf32>,
        %mul3A_837 = arith.mulf %mul3A_830, %mul3A_830 : vector<16xf32>
        tpu.vector_store_idx %arg52[%add3A_836], %mul3A_837 {add = true} : memref<256xf32, #tpu.memory_space<vmem>>[vector<16xi32>], vector<16xf32>,
        %mul3A_838 = arith.mulf %mul3A_831, %mul3A_831 : vector<16xf32>
        tpu.vector_store_idx %arg53[%add3A_836], %mul3A_838 {add = true} : memref<256xf32, #tpu.memory_space<vmem>>[vector<16xi32>], vector<16xf32>,
        %mul3A_839 = arith.mulf %mul3A_832, %mul3A_832 : vector<16xf32>
        tpu.vector_store_idx %arg54[%add3A_836], %mul3A_839 {add = true} : memref<256xf32, #tpu.memory_space<vmem>>[vector<16xi32>], vector<16xf32>,
      }
      %scan3A_718 = arith.constant 125 : i32
      %convert_element_type3A_719 = arith.extui %lt3A_657 : i1 to i32
      %cond3A_720 = arith.constant 0 : i32
      %cond3A_721 = arith.cmpi ne, %convert_element_type3A_719, %cond3A_720 : i32
      scf.if %cond3A_721 {
        %dma_wait3A_751 = arith.constant 0 : i32
        %dma_wait3A_752 = tpu.memref_slice %arg10[%dma_wait3A_751] : memref<1600000xi32, #tpu.memory_space<hbm>> -> memref<2000xi32, #tpu.memory_space<hbm>>
        %dma_wait3A_753 = arith.constant 0 : i32
        %dma_wait3A_754 = tpu.memref_slice %arg10[%dma_wait3A_753] : memref<1600000xi32, #tpu.memory_space<hbm>> -> memref<2000xi32, #tpu.memory_space<hbm>>
        tpu.wait_dma2 semaphore(%arg57 : memref<!tpu.dma_semaphore, #tpu.memory_space<semaphore_mem>>) src(%dma_wait3A_754 : memref<2000xi32, #tpu.memory_space<hbm>>) dst(%arg22 : memref<2000xi32, #tpu.memory_space<vmem>>)
        %dma_wait3A_755 = arith.constant 0 : i32
        %dma_wait3A_756 = tpu.memref_slice %arg10[%dma_wait3A_755] : memref<1600000xi32, #tpu.memory_space<hbm>> -> memref<2000xi32, #tpu.memory_space<hbm>>
        %dma_wait3A_757 = arith.constant 0 : i32
        %dma_wait3A_758 = tpu.memref_slice %arg10[%dma_wait3A_757] : memref<1600000xi32, #tpu.memory_space<hbm>> -> memref<2000xi32, #tpu.memory_space<hbm>>
        tpu.wait_dma2 semaphore(%arg57 : memref<!tpu.dma_semaphore, #tpu.memory_space<semaphore_mem>>) src(%dma_wait3A_758 : memref<2000xi32, #tpu.memory_space<hbm>>) dst(%arg23 : memref<2000xi32, #tpu.memory_space<vmem>>)
        %dma_wait3A_759 = arith.constant 0 : i32
        %dma_wait3A_760 = tpu.memref_slice %arg10[%dma_wait3A_759] : memref<1600000xi32, #tpu.memory_space<hbm>> -> memref<2000xi32, #tpu.memory_space<hbm>>
        %dma_wait3A_761 = arith.constant 0 : i32
        %dma_wait3A_762 = tpu.memref_slice %arg10[%dma_wait3A_761] : memref<1600000xi32, #tpu.memory_space<hbm>> -> memref<2000xi32, #tpu.memory_space<hbm>>
        tpu.wait_dma2 semaphore(%arg57 : memref<!tpu.dma_semaphore, #tpu.memory_space<semaphore_mem>>) src(%dma_wait3A_762 : memref<2000xi32, #tpu.memory_space<hbm>>) dst(%arg24 : memref<2000xi32, #tpu.memory_space<vmem>>)
        %dma_start3A_763 = arith.constant 0 : i32
        %dma_start3A_764 = tpu.memref_slice %arg17[%dma_start3A_763] : memref<100000xf32, #tpu.memory_space<vmem_shared>> -> memref<100000xf32, #tpu.memory_space<vmem_shared>>
        tpu.enqueue_indirect_dma source(%dma_start3A_764 : memref<100000xf32, #tpu.memory_space<vmem_shared>>) target(%arg28 : memref<2000xf32, #tpu.memory_space<vmem>>) offsets(%arg22 : memref<2000xi32, #tpu.memory_space<vmem>>) semaphore(%arg59 : memref<!tpu.dma_semaphore, #tpu.memory_space<semaphore_mem>>)
        %dma_start3A_765 = arith.constant 0 : i32
        %dma_start3A_766 = tpu.memref_slice %arg18[%dma_start3A_765] : memref<100000xf32, #tpu.memory_space<vmem_shared>> -> memref<100000xf32, #tpu.memory_space<vmem_shared>>
        tpu.enqueue_indirect_dma source(%dma_start3A_766 : memref<100000xf32, #tpu.memory_space<vmem_shared>>) target(%arg29 : memref<2000xf32, #tpu.memory_space<vmem>>) offsets(%arg22 : memref<2000xi32, #tpu.memory_space<vmem>>) semaphore(%arg59 : memref<!tpu.dma_semaphore, #tpu.memory_space<semaphore_mem>>)
        %dma_start3A_767 = arith.constant 0 : i32
        %dma_start3A_768 = tpu.memref_slice %arg19[%dma_start3A_767] : memref<100000xf32, #tpu.memory_space<vmem_shared>> -> memref<100000xf32, #tpu.memory_space<vmem_shared>>
        tpu.enqueue_indirect_dma source(%dma_start3A_768 : memref<100000xf32, #tpu.memory_space<vmem_shared>>) target(%arg30 : memref<2000xf32, #tpu.memory_space<vmem>>) offsets(%arg22 : memref<2000xi32, #tpu.memory_space<vmem>>) semaphore(%arg59 : memref<!tpu.dma_semaphore, #tpu.memory_space<semaphore_mem>>)
        %dma_start3A_769 = arith.constant 0 : i32
        %dma_start3A_770 = tpu.memref_slice %arg20[%dma_start3A_769] : memref<100000xf32, #tpu.memory_space<vmem_shared>> -> memref<100000xf32, #tpu.memory_space<vmem_shared>>
        tpu.enqueue_indirect_dma source(%dma_start3A_770 : memref<100000xf32, #tpu.memory_space<vmem_shared>>) target(%arg31 : memref<2000xf32, #tpu.memory_space<vmem>>) offsets(%arg22 : memref<2000xi32, #tpu.memory_space<vmem>>) semaphore(%arg59 : memref<!tpu.dma_semaphore, #tpu.memory_space<semaphore_mem>>)
        %dma_start3A_771 = arith.constant 0 : i32
        %dma_start3A_772 = tpu.memref_slice %arg17[%dma_start3A_771] : memref<100000xf32, #tpu.memory_space<vmem_shared>> -> memref<100000xf32, #tpu.memory_space<vmem_shared>>
        tpu.enqueue_indirect_dma source(%dma_start3A_772 : memref<100000xf32, #tpu.memory_space<vmem_shared>>) target(%arg32 : memref<2000xf32, #tpu.memory_space<vmem>>) offsets(%arg23 : memref<2000xi32, #tpu.memory_space<vmem>>) semaphore(%arg59 : memref<!tpu.dma_semaphore, #tpu.memory_space<semaphore_mem>>)
        %dma_start3A_773 = arith.constant 0 : i32
        %dma_start3A_774 = tpu.memref_slice %arg18[%dma_start3A_773] : memref<100000xf32, #tpu.memory_space<vmem_shared>> -> memref<100000xf32, #tpu.memory_space<vmem_shared>>
        tpu.enqueue_indirect_dma source(%dma_start3A_774 : memref<100000xf32, #tpu.memory_space<vmem_shared>>) target(%arg33 : memref<2000xf32, #tpu.memory_space<vmem>>) offsets(%arg23 : memref<2000xi32, #tpu.memory_space<vmem>>) semaphore(%arg59 : memref<!tpu.dma_semaphore, #tpu.memory_space<semaphore_mem>>)
        %dma_start3A_775 = arith.constant 0 : i32
        %dma_start3A_776 = tpu.memref_slice %arg19[%dma_start3A_775] : memref<100000xf32, #tpu.memory_space<vmem_shared>> -> memref<100000xf32, #tpu.memory_space<vmem_shared>>
        tpu.enqueue_indirect_dma source(%dma_start3A_776 : memref<100000xf32, #tpu.memory_space<vmem_shared>>) target(%arg34 : memref<2000xf32, #tpu.memory_space<vmem>>) offsets(%arg23 : memref<2000xi32, #tpu.memory_space<vmem>>) semaphore(%arg59 : memref<!tpu.dma_semaphore, #tpu.memory_space<semaphore_mem>>)
        %dma_start3A_777 = arith.constant 0 : i32
        %dma_start3A_778 = tpu.memref_slice %arg17[%dma_start3A_777] : memref<100000xf32, #tpu.memory_space<vmem_shared>> -> memref<100000xf32, #tpu.memory_space<vmem_shared>>
        tpu.enqueue_indirect_dma source(%dma_start3A_778 : memref<100000xf32, #tpu.memory_space<vmem_shared>>) target(%arg35 : memref<2000xf32, #tpu.memory_space<vmem>>) offsets(%arg24 : memref<2000xi32, #tpu.memory_space<vmem>>) semaphore(%arg59 : memref<!tpu.dma_semaphore, #tpu.memory_space<semaphore_mem>>)
        %dma_start3A_779 = arith.constant 0 : i32
        %dma_start3A_780 = tpu.memref_slice %arg18[%dma_start3A_779] : memref<100000xf32, #tpu.memory_space<vmem_shared>> -> memref<100000xf32, #tpu.memory_space<vmem_shared>>
        tpu.enqueue_indirect_dma source(%dma_start3A_780 : memref<100000xf32, #tpu.memory_space<vmem_shared>>) target(%arg36 : memref<2000xf32, #tpu.memory_space<vmem>>) offsets(%arg24 : memref<2000xi32, #tpu.memory_space<vmem>>) semaphore(%arg59 : memref<!tpu.dma_semaphore, #tpu.memory_space<semaphore_mem>>)
        %dma_start3A_781 = arith.constant 0 : i32
        %dma_start3A_782 = tpu.memref_slice %arg19[%dma_start3A_781] : memref<100000xf32, #tpu.memory_space<vmem_shared>> -> memref<100000xf32, #tpu.memory_space<vmem_shared>>
        tpu.enqueue_indirect_dma source(%dma_start3A_782 : memref<100000xf32, #tpu.memory_space<vmem_shared>>) target(%arg37 : memref<2000xf32, #tpu.memory_space<vmem>>) offsets(%arg24 : memref<2000xi32, #tpu.memory_space<vmem>>) semaphore(%arg59 : memref<!tpu.dma_semaphore, #tpu.memory_space<semaphore_mem>>)
      } else {
      }
      %dma_wait3A_722 = arith.constant 0 : i32
      %dma_wait3A_723 = tpu.memref_slice %arg17[%dma_wait3A_722] : memref<100000xf32, #tpu.memory_space<vmem_shared>> -> memref<100000xf32, #tpu.memory_space<vmem_shared>>
      tpu.wait_indirect_dma semaphore(%arg60 : memref<!tpu.dma_semaphore, #tpu.memory_space<semaphore_mem>>) src(%dma_wait3A_723 : memref<100000xf32, #tpu.memory_space<vmem_shared>>) dst(%arg38 : memref<2000xf32, #tpu.memory_space<vmem>>)
      %dma_wait3A_724 = arith.constant 0 : i32
      %dma_wait3A_725 = tpu.memref_slice %arg17[%dma_wait3A_724] : memref<100000xf32, #tpu.memory_space<vmem_shared>> -> memref<100000xf32, #tpu.memory_space<vmem_shared>>
      tpu.wait_indirect_dma semaphore(%arg60 : memref<!tpu.dma_semaphore, #tpu.memory_space<semaphore_mem>>) src(%dma_wait3A_725 : memref<100000xf32, #tpu.memory_space<vmem_shared>>) dst(%arg39 : memref<2000xf32, #tpu.memory_space<vmem>>)
      %dma_wait3A_726 = arith.constant 0 : i32
      %dma_wait3A_727 = tpu.memref_slice %arg17[%dma_wait3A_726] : memref<100000xf32, #tpu.memory_space<vmem_shared>> -> memref<100000xf32, #tpu.memory_space<vmem_shared>>
      tpu.wait_indirect_dma semaphore(%arg60 : memref<!tpu.dma_semaphore, #tpu.memory_space<semaphore_mem>>) src(%dma_wait3A_727 : memref<100000xf32, #tpu.memory_space<vmem_shared>>) dst(%arg40 : memref<2000xf32, #tpu.memory_space<vmem>>)
      %dma_wait3A_728 = arith.constant 0 : i32
      %dma_wait3A_729 = tpu.memref_slice %arg17[%dma_wait3A_728] : memref<100000xf32, #tpu.memory_space<vmem_shared>> -> memref<100000xf32, #tpu.memory_space<vmem_shared>>
      tpu.wait_indirect_dma semaphore(%arg60 : memref<!tpu.dma_semaphore, #tpu.memory_space<semaphore_mem>>) src(%dma_wait3A_729 : memref<100000xf32, #tpu.memory_space<vmem_shared>>) dst(%arg41 : memref<2000xf32, #tpu.memory_space<vmem>>)
      %dma_wait3A_730 = arith.constant 0 : i32
      %dma_wait3A_731 = tpu.memref_slice %arg17[%dma_wait3A_730] : memref<100000xf32, #tpu.memory_space<vmem_shared>> -> memref<100000xf32, #tpu.memory_space<vmem_shared>>
      tpu.wait_indirect_dma semaphore(%arg60 : memref<!tpu.dma_semaphore, #tpu.memory_space<semaphore_mem>>) src(%dma_wait3A_731 : memref<100000xf32, #tpu.memory_space<vmem_shared>>) dst(%arg42 : memref<2000xf32, #tpu.memory_space<vmem>>)
      %dma_wait3A_732 = arith.constant 0 : i32
      %dma_wait3A_733 = tpu.memref_slice %arg17[%dma_wait3A_732] : memref<100000xf32, #tpu.memory_space<vmem_shared>> -> memref<100000xf32, #tpu.memory_space<vmem_shared>>
      tpu.wait_indirect_dma semaphore(%arg60 : memref<!tpu.dma_semaphore, #tpu.memory_space<semaphore_mem>>) src(%dma_wait3A_733 : memref<100000xf32, #tpu.memory_space<vmem_shared>>) dst(%arg43 : memref<2000xf32, #tpu.memory_space<vmem>>)
      %dma_wait3A_734 = arith.constant 0 : i32
      %dma_wait3A_735 = tpu.memref_slice %arg17[%dma_wait3A_734] : memref<100000xf32, #tpu.memory_space<vmem_shared>> -> memref<100000xf32, #tpu.memory_space<vmem_shared>>
      tpu.wait_indirect_dma semaphore(%arg60 : memref<!tpu.dma_semaphore, #tpu.memory_space<semaphore_mem>>) src(%dma_wait3A_735 : memref<100000xf32, #tpu.memory_space<vmem_shared>>) dst(%arg44 : memref<2000xf32, #tpu.memory_space<vmem>>)
      %dma_wait3A_736 = arith.constant 0 : i32
      %dma_wait3A_737 = tpu.memref_slice %arg17[%dma_wait3A_736] : memref<100000xf32, #tpu.memory_space<vmem_shared>> -> memref<100000xf32, #tpu.memory_space<vmem_shared>>
      tpu.wait_indirect_dma semaphore(%arg60 : memref<!tpu.dma_semaphore, #tpu.memory_space<semaphore_mem>>) src(%dma_wait3A_737 : memref<100000xf32, #tpu.memory_space<vmem_shared>>) dst(%arg45 : memref<2000xf32, #tpu.memory_space<vmem>>)
      %dma_wait3A_738 = arith.constant 0 : i32
      %dma_wait3A_739 = tpu.memref_slice %arg17[%dma_wait3A_738] : memref<100000xf32, #tpu.memory_space<vmem_shared>> -> memref<100000xf32, #tpu.memory_space<vmem_shared>>
      tpu.wait_indirect_dma semaphore(%arg60 : memref<!tpu.dma_semaphore, #tpu.memory_space<semaphore_mem>>) src(%dma_wait3A_739 : memref<100000xf32, #tpu.memory_space<vmem_shared>>) dst(%arg46 : memref<2000xf32, #tpu.memory_space<vmem>>)
      %dma_wait3A_740 = arith.constant 0 : i32
      %dma_wait3A_741 = tpu.memref_slice %arg17[%dma_wait3A_740] : memref<100000xf32, #tpu.memory_space<vmem_shared>> -> memref<100000xf32, #tpu.memory_space<vmem_shared>>
      tpu.wait_indirect_dma semaphore(%arg60 : memref<!tpu.dma_semaphore, #tpu.memory_space<semaphore_mem>>) src(%dma_wait3A_741 : memref<100000xf32, #tpu.memory_space<vmem_shared>>) dst(%arg47 : memref<2000xf32, #tpu.memory_space<vmem>>)
      %convert_element_type3A_742 = arith.extui %lt3A_657 : i1 to i32
      %cond3A_743 = arith.constant 0 : i32
      %cond3A_744 = arith.cmpi ne, %convert_element_type3A_742, %cond3A_743 : i32
      scf.if %cond3A_744 {
        %mul3A_751 = arith.constant 2 : i32
        %mul3A_752 = arith.muli %mul3A_751, %scan3A_656 : i32
        %add3A_753 = arith.constant 3 : i32
        %add3A_754 = arith.addi %mul3A_752, %add3A_753 : i32
        %mul3A_755 = arith.constant 100000 : i32
        %mul3A_756 = arith.muli %arg1, %mul3A_755 : i32
        %mul3A_757 = arith.constant 2000 : i32
        %mul3A_758 = arith.muli %add3A_754, %mul3A_757 : i32
        %add3A_759 = arith.addi %mul3A_756, %mul3A_758 : i32
        %eq3A_760 = arith.constant 0 : i32
        %eq3A_761 = arith.cmpi eq, %arg0, %eq3A_760 : i32
        %convert_element_type3A_762 = arith.extui %eq3A_761 : i1 to i32
        %cond3A_763 = arith.constant 0 : i32
        %cond3A_764 = arith.cmpi ne, %convert_element_type3A_762, %cond3A_763 : i32
        scf.if %cond3A_764 {
          %dma_start3A_770 = tpu.memref_slice %arg10[%add3A_759] : memref<1600000xi32, #tpu.memory_space<hbm>> -> memref<2000xi32, #tpu.memory_space<hbm>>
          %dma_start3A_771 = tpu.memref_slice %arg10[%add3A_759] : memref<1600000xi32, #tpu.memory_space<hbm>> -> memref<2000xi32, #tpu.memory_space<hbm>>
          tpu.enqueue_dma source(%dma_start3A_771 : memref<2000xi32, #tpu.memory_space<hbm>>) target(%arg25 : memref<2000xi32, #tpu.memory_space<vmem>>) target_semaphore(%arg58 : memref<!tpu.dma_semaphore, #tpu.memory_space<semaphore_mem>>)
          %dma_start3A_772 = tpu.memref_slice %arg11[%add3A_759] : memref<1600000xi32, #tpu.memory_space<hbm>> -> memref<2000xi32, #tpu.memory_space<hbm>>
          %dma_start3A_773 = tpu.memref_slice %arg11[%add3A_759] : memref<1600000xi32, #tpu.memory_space<hbm>> -> memref<2000xi32, #tpu.memory_space<hbm>>
          tpu.enqueue_dma source(%dma_start3A_773 : memref<2000xi32, #tpu.memory_space<hbm>>) target(%arg26 : memref<2000xi32, #tpu.memory_space<vmem>>) target_semaphore(%arg58 : memref<!tpu.dma_semaphore, #tpu.memory_space<semaphore_mem>>)
          %dma_start3A_774 = tpu.memref_slice %arg12[%add3A_759] : memref<1600000xi32, #tpu.memory_space<hbm>> -> memref<2000xi32, #tpu.memory_space<hbm>>
          %dma_start3A_775 = tpu.memref_slice %arg12[%add3A_759] : memref<1600000xi32, #tpu.memory_space<hbm>> -> memref<2000xi32, #tpu.memory_space<hbm>>
          tpu.enqueue_dma source(%dma_start3A_775 : memref<2000xi32, #tpu.memory_space<hbm>>) target(%arg27 : memref<2000xi32, #tpu.memory_space<vmem>>) target_semaphore(%arg58 : memref<!tpu.dma_semaphore, #tpu.memory_space<semaphore_mem>>)
        } else {
        }
        %eq3A_765 = arith.constant 1 : i32
        %eq3A_766 = arith.cmpi eq, %arg0, %eq3A_765 : i32
        %convert_element_type3A_767 = arith.extui %eq3A_766 : i1 to i32
        %cond3A_768 = arith.constant 0 : i32
        %cond3A_769 = arith.cmpi ne, %convert_element_type3A_767, %cond3A_768 : i32
        scf.if %cond3A_769 {
          %dma_start3A_770 = tpu.memref_slice %arg13[%add3A_759] : memref<1600000xi32, #tpu.memory_space<hbm>> -> memref<2000xi32, #tpu.memory_space<hbm>>
          %dma_start3A_771 = tpu.memref_slice %arg13[%add3A_759] : memref<1600000xi32, #tpu.memory_space<hbm>> -> memref<2000xi32, #tpu.memory_space<hbm>>
          tpu.enqueue_dma source(%dma_start3A_771 : memref<2000xi32, #tpu.memory_space<hbm>>) target(%arg25 : memref<2000xi32, #tpu.memory_space<vmem>>) target_semaphore(%arg58 : memref<!tpu.dma_semaphore, #tpu.memory_space<semaphore_mem>>)
          %dma_start3A_772 = tpu.memref_slice %arg14[%add3A_759] : memref<1600000xi32, #tpu.memory_space<hbm>> -> memref<2000xi32, #tpu.memory_space<hbm>>
          %dma_start3A_773 = tpu.memref_slice %arg14[%add3A_759] : memref<1600000xi32, #tpu.memory_space<hbm>> -> memref<2000xi32, #tpu.memory_space<hbm>>
          tpu.enqueue_dma source(%dma_start3A_773 : memref<2000xi32, #tpu.memory_space<hbm>>) target(%arg26 : memref<2000xi32, #tpu.memory_space<vmem>>) target_semaphore(%arg58 : memref<!tpu.dma_semaphore, #tpu.memory_space<semaphore_mem>>)
          %dma_start3A_774 = tpu.memref_slice %arg15[%add3A_759] : memref<1600000xi32, #tpu.memory_space<hbm>> -> memref<2000xi32, #tpu.memory_space<hbm>>
          %dma_start3A_775 = tpu.memref_slice %arg15[%add3A_759] : memref<1600000xi32, #tpu.memory_space<hbm>> -> memref<2000xi32, #tpu.memory_space<hbm>>
          tpu.enqueue_dma source(%dma_start3A_775 : memref<2000xi32, #tpu.memory_space<hbm>>) target(%arg27 : memref<2000xi32, #tpu.memory_space<vmem>>) target_semaphore(%arg58 : memref<!tpu.dma_semaphore, #tpu.memory_space<semaphore_mem>>)
        } else {
        }
      } else {
      }
      %scan3A_745 = arith.constant 0 : i32
      %scan3A_746 = arith.constant 0 : i32
      %scan3A_747 = arith.constant 125 : i32
      %scan3A_748 = arith.addi %scan3A_746, %scan3A_747 : i32
      %scan3A_749 = arith.constant 1 : i32
      scf.for %scan3A_751 = %scan3A_746 to %scan3A_748 step %scan3A_749  : i32 {
        %mul3A_752 = arith.constant 16 : i32
        %mul3A_753 = arith.muli %scan3A_751, %mul3A_752 : i32
        %get3A_754 = arith.index_cast %mul3A_753 : i32 to index
        %get3A_755 = tpu.vector_load %arg38[%get3A_754] {strides = array<i32>} : memref<2000xf32, #tpu.memory_space<vmem>>, vector<16xf32>,
        %get3A_756 = arith.index_cast %mul3A_753 : i32 to index
        %get3A_757 = tpu.vector_load %arg39[%get3A_756] {strides = array<i32>} : memref<2000xf32, #tpu.memory_space<vmem>>, vector<16xf32>,
        %get3A_758 = arith.index_cast %mul3A_753 : i32 to index
        %get3A_759 = tpu.vector_load %arg40[%get3A_758] {strides = array<i32>} : memref<2000xf32, #tpu.memory_space<vmem>>, vector<16xf32>,
        %get3A_760 = arith.index_cast %mul3A_753 : i32 to index
        %get3A_761 = tpu.vector_load %arg42[%get3A_760] {strides = array<i32>} : memref<2000xf32, #tpu.memory_space<vmem>>, vector<16xf32>,
        %get3A_762 = arith.index_cast %mul3A_753 : i32 to index
        %get3A_763 = tpu.vector_load %arg43[%get3A_762] {strides = array<i32>} : memref<2000xf32, #tpu.memory_space<vmem>>, vector<16xf32>,
        %get3A_764 = arith.index_cast %mul3A_753 : i32 to index
        %get3A_765 = tpu.vector_load %arg44[%get3A_764] {strides = array<i32>} : memref<2000xf32, #tpu.memory_space<vmem>>, vector<16xf32>,
        %get3A_766 = arith.index_cast %mul3A_753 : i32 to index
        %get3A_767 = tpu.vector_load %arg45[%get3A_766] {strides = array<i32>} : memref<2000xf32, #tpu.memory_space<vmem>>, vector<16xf32>,
        %get3A_768 = arith.index_cast %mul3A_753 : i32 to index
        %get3A_769 = tpu.vector_load %arg46[%get3A_768] {strides = array<i32>} : memref<2000xf32, #tpu.memory_space<vmem>>, vector<16xf32>,
        %get3A_770 = arith.index_cast %mul3A_753 : i32 to index
        %get3A_771 = tpu.vector_load %arg47[%get3A_770] {strides = array<i32>} : memref<2000xf32, #tpu.memory_space<vmem>>, vector<16xf32>,
        %sub3A = arith.subf %get3A_761, %get3A_755 : vector<16xf32>
        %sub3A_772 = arith.subf %get3A_763, %get3A_757 : vector<16xf32>
        %sub3A_773 = arith.subf %get3A_765, %get3A_759 : vector<16xf32>
        %sub3A_774 = arith.subf %get3A_767, %get3A_755 : vector<16xf32>
        %sub3A_775 = arith.subf %get3A_769, %get3A_757 : vector<16xf32>
        %sub3A_776 = arith.subf %get3A_771, %get3A_759 : vector<16xf32>
        %mul3A_777 = arith.mulf %sub3A_772, %sub3A_776 : vector<16xf32>
        %mul3A_778 = arith.mulf %sub3A_773, %sub3A_775 : vector<16xf32>
        %sub3A_779 = arith.subf %mul3A_777, %mul3A_778 : vector<16xf32>
        %mul3A_780 = arith.mulf %sub3A_773, %sub3A_774 : vector<16xf32>
        %mul3A_781 = arith.mulf %sub3A, %sub3A_776 : vector<16xf32>
        %sub3A_782 = arith.subf %mul3A_780, %mul3A_781 : vector<16xf32>
        %mul3A_783 = arith.mulf %sub3A, %sub3A_775 : vector<16xf32>
        %mul3A_784 = arith.mulf %sub3A_772, %sub3A_774 : vector<16xf32>
        %sub3A_785 = arith.subf %mul3A_783, %mul3A_784 : vector<16xf32>
        %mul3A_786 = arith.mulf %sub3A_779, %sub3A_779 : vector<16xf32>
        %mul3A_787 = arith.mulf %sub3A_782, %sub3A_782 : vector<16xf32>
        %add3A_788 = arith.addf %mul3A_786, %mul3A_787 : vector<16xf32>
        %mul3A_789 = arith.mulf %sub3A_785, %sub3A_785 : vector<16xf32>
        %add3A_790 = arith.addf %add3A_788, %mul3A_789 : vector<16xf32>
        %bitcast_convert_type3A = tpu.bitcast %add3A_790 : vector<16xf32> -> vector<16xi32>
        %shift_right_logical3A = arith.constant 1 : i32
        %shift_right_logical3A_791 = vector.broadcast %shift_right_logical3A : i32 to vector<16xi32>
        %shift_right_logical3A_792 = arith.shrui %bitcast_convert_type3A, %shift_right_logical3A_791 : vector<16xi32>
        %sub3A_793 = arith.constant 1597463007 : i32
        %sub3A_794 = vector.broadcast %sub3A_793 : i32 to vector<16xi32>
        %sub3A_795 = arith.subi %sub3A_794, %shift_right_logical3A_792 : vector<16xi32>
        %bitcast_convert_type3A_796 = tpu.bitcast %sub3A_795 : vector<16xi32> -> vector<16xf32>
        %mul3A_797 = arith.constant 5.000000e-01 : f32
        %mul3A_798 = vector.broadcast %mul3A_797 : f32 to vector<16xf32>
        %mul3A_799 = arith.mulf %mul3A_798, %add3A_790 : vector<16xf32>
        %mul3A_800 = arith.mulf %mul3A_799, %bitcast_convert_type3A_796 : vector<16xf32>
        %mul3A_801 = arith.mulf %mul3A_800, %bitcast_convert_type3A_796 : vector<16xf32>
        %sub3A_802 = arith.constant 1.500000e+00 : f32
        %sub3A_803 = vector.broadcast %sub3A_802 : f32 to vector<16xf32>
        %sub3A_804 = arith.subf %sub3A_803, %mul3A_801 : vector<16xf32>
        %mul3A_805 = arith.mulf %bitcast_convert_type3A_796, %sub3A_804 : vector<16xf32>
        %mul3A_806 = arith.constant 5.000000e-01 : f32
        %mul3A_807 = vector.broadcast %mul3A_806 : f32 to vector<16xf32>
        %mul3A_808 = arith.mulf %mul3A_807, %add3A_790 : vector<16xf32>
        %mul3A_809 = arith.mulf %mul3A_808, %mul3A_805 : vector<16xf32>
        %mul3A_810 = arith.mulf %mul3A_809, %mul3A_805 : vector<16xf32>
        %sub3A_811 = arith.constant 1.500000e+00 : f32
        %sub3A_812 = vector.broadcast %sub3A_811 : f32 to vector<16xf32>
        %sub3A_813 = arith.subf %sub3A_812, %mul3A_810 : vector<16xf32>
        %mul3A_814 = arith.mulf %mul3A_805, %sub3A_813 : vector<16xf32>
        %mul3A_815 = arith.constant 5.000000e-01 : f32
        %mul3A_816 = vector.broadcast %mul3A_815 : f32 to vector<16xf32>
        %mul3A_817 = arith.mulf %mul3A_816, %add3A_790 : vector<16xf32>
        %mul3A_818 = arith.mulf %mul3A_817, %mul3A_814 : vector<16xf32>
        %mul3A_819 = arith.mulf %mul3A_818, %mul3A_814 : vector<16xf32>
        %sub3A_820 = arith.constant 1.500000e+00 : f32
        %sub3A_821 = vector.broadcast %sub3A_820 : f32 to vector<16xf32>
        %sub3A_822 = arith.subf %sub3A_821, %mul3A_819 : vector<16xf32>
        %mul3A_823 = arith.mulf %mul3A_814, %sub3A_822 : vector<16xf32>
        %mul3A_824 = arith.mulf %add3A_790, %mul3A_823 : vector<16xf32>
        %add3A_825 = arith.constant 9.99999993E-9 : f32
        %add3A_826 = vector.broadcast %add3A_825 : f32 to vector<16xf32>
        %add3A_827 = arith.addf %mul3A_824, %add3A_826 : vector<16xf32>
        %div3A = arith.constant 1.000000e+00 : f32
        %div3A_828 = vector.broadcast %div3A : f32 to vector<16xf32>
        %div3A_829 = arith.divf %div3A_828, %add3A_827 : vector<16xf32>
        %mul3A_830 = arith.mulf %sub3A_779, %div3A_829 : vector<16xf32>
        %mul3A_831 = arith.mulf %sub3A_782, %div3A_829 : vector<16xf32>
        %mul3A_832 = arith.mulf %sub3A_785, %div3A_829 : vector<16xf32>
        %get3A_833 = arith.index_cast %mul3A_753 : i32 to index
        %get3A_834 = tpu.vector_load %arg41[%get3A_833] {strides = array<i32>} : memref<2000xf32, #tpu.memory_space<vmem>>, vector<16xf32>,
        %convert_element_type3A_835 = arith.fptosi %get3A_834 : vector<16xf32> to vector<16xi32>
        %add3A_836 = arith.addi %mul3A_237, %convert_element_type3A_835 : vector<16xi32>
        tpu.vector_store_idx %arg48[%add3A_836], %broadcast_in_dim3A_239 {add = true} : memref<256xf32, #tpu.memory_space<vmem>>[vector<16xi32>], vector<16xf32>,
        tpu.vector_store_idx %arg49[%add3A_836], %mul3A_830 {add = true} : memref<256xf32, #tpu.memory_space<vmem>>[vector<16xi32>], vector<16xf32>,
        tpu.vector_store_idx %arg50[%add3A_836], %mul3A_831 {add = true} : memref<256xf32, #tpu.memory_space<vmem>>[vector<16xi32>], vector<16xf32>,
        tpu.vector_store_idx %arg51[%add3A_836], %mul3A_832 {add = true} : memref<256xf32, #tpu.memory_space<vmem>>[vector<16xi32>], vector<16xf32>,
        %mul3A_837 = arith.mulf %mul3A_830, %mul3A_830 : vector<16xf32>
        tpu.vector_store_idx %arg52[%add3A_836], %mul3A_837 {add = true} : memref<256xf32, #tpu.memory_space<vmem>>[vector<16xi32>], vector<16xf32>,
        %mul3A_838 = arith.mulf %mul3A_831, %mul3A_831 : vector<16xf32>
        tpu.vector_store_idx %arg53[%add3A_836], %mul3A_838 {add = true} : memref<256xf32, #tpu.memory_space<vmem>>[vector<16xi32>], vector<16xf32>,
        %mul3A_839 = arith.mulf %mul3A_832, %mul3A_832 : vector<16xf32>
        tpu.vector_store_idx %arg54[%add3A_836], %mul3A_839 {add = true} : memref<256xf32, #tpu.memory_space<vmem>>[vector<16xi32>], vector<16xf32>,
      }
      %scan3A_750 = arith.constant 125 : i32
    }
    %scan3A_301 = arith.constant 25 : i32
    %get3A = arith.constant 0 : index
    %get3A_302 = tpu.vector_load %arg48[%get3A] {strides = array<i32>} : memref<256xf32, #tpu.memory_space<vmem>>, vector<16xf32>,
    %get3A_303 = arith.constant 16 : index
    %get3A_304 = tpu.vector_load %arg48[%get3A_303] {strides = array<i32>} : memref<256xf32, #tpu.memory_space<vmem>>, vector<16xf32>,
    %add3A_305 = arith.addf %get3A_302, %get3A_304 : vector<16xf32>
    %get3A_306 = arith.constant 32 : index
    %get3A_307 = tpu.vector_load %arg48[%get3A_306] {strides = array<i32>} : memref<256xf32, #tpu.memory_space<vmem>>, vector<16xf32>,
    %add3A_308 = arith.addf %add3A_305, %get3A_307 : vector<16xf32>
    %get3A_309 = arith.constant 48 : index
    %get3A_310 = tpu.vector_load %arg48[%get3A_309] {strides = array<i32>} : memref<256xf32, #tpu.memory_space<vmem>>, vector<16xf32>,
    %add3A_311 = arith.addf %add3A_308, %get3A_310 : vector<16xf32>
    %get3A_312 = arith.constant 64 : index
    %get3A_313 = tpu.vector_load %arg48[%get3A_312] {strides = array<i32>} : memref<256xf32, #tpu.memory_space<vmem>>, vector<16xf32>,
    %add3A_314 = arith.addf %add3A_311, %get3A_313 : vector<16xf32>
    %get3A_315 = arith.constant 80 : index
    %get3A_316 = tpu.vector_load %arg48[%get3A_315] {strides = array<i32>} : memref<256xf32, #tpu.memory_space<vmem>>, vector<16xf32>,
    %add3A_317 = arith.addf %add3A_314, %get3A_316 : vector<16xf32>
    %get3A_318 = arith.constant 96 : index
    %get3A_319 = tpu.vector_load %arg48[%get3A_318] {strides = array<i32>} : memref<256xf32, #tpu.memory_space<vmem>>, vector<16xf32>,
    %add3A_320 = arith.addf %add3A_317, %get3A_319 : vector<16xf32>
    %get3A_321 = arith.constant 112 : index
    %get3A_322 = tpu.vector_load %arg48[%get3A_321] {strides = array<i32>} : memref<256xf32, #tpu.memory_space<vmem>>, vector<16xf32>,
    %add3A_323 = arith.addf %add3A_320, %get3A_322 : vector<16xf32>
    %get3A_324 = arith.constant 128 : index
    %get3A_325 = tpu.vector_load %arg48[%get3A_324] {strides = array<i32>} : memref<256xf32, #tpu.memory_space<vmem>>, vector<16xf32>,
    %add3A_326 = arith.addf %add3A_323, %get3A_325 : vector<16xf32>
    %get3A_327 = arith.constant 144 : index
    %get3A_328 = tpu.vector_load %arg48[%get3A_327] {strides = array<i32>} : memref<256xf32, #tpu.memory_space<vmem>>, vector<16xf32>,
    %add3A_329 = arith.addf %add3A_326, %get3A_328 : vector<16xf32>
    %get3A_330 = arith.constant 160 : index
    %get3A_331 = tpu.vector_load %arg48[%get3A_330] {strides = array<i32>} : memref<256xf32, #tpu.memory_space<vmem>>, vector<16xf32>,
    %add3A_332 = arith.addf %add3A_329, %get3A_331 : vector<16xf32>
    %get3A_333 = arith.constant 176 : index
    %get3A_334 = tpu.vector_load %arg48[%get3A_333] {strides = array<i32>} : memref<256xf32, #tpu.memory_space<vmem>>, vector<16xf32>,
    %add3A_335 = arith.addf %add3A_332, %get3A_334 : vector<16xf32>
    %get3A_336 = arith.constant 192 : index
    %get3A_337 = tpu.vector_load %arg48[%get3A_336] {strides = array<i32>} : memref<256xf32, #tpu.memory_space<vmem>>, vector<16xf32>,
    %add3A_338 = arith.addf %add3A_335, %get3A_337 : vector<16xf32>
    %get3A_339 = arith.constant 208 : index
    %get3A_340 = tpu.vector_load %arg48[%get3A_339] {strides = array<i32>} : memref<256xf32, #tpu.memory_space<vmem>>, vector<16xf32>,
    %add3A_341 = arith.addf %add3A_338, %get3A_340 : vector<16xf32>
    %get3A_342 = arith.constant 224 : index
    %get3A_343 = tpu.vector_load %arg48[%get3A_342] {strides = array<i32>} : memref<256xf32, #tpu.memory_space<vmem>>, vector<16xf32>,
    %add3A_344 = arith.addf %add3A_341, %get3A_343 : vector<16xf32>
    %get3A_345 = arith.constant 240 : index
    %get3A_346 = tpu.vector_load %arg48[%get3A_345] {strides = array<i32>} : memref<256xf32, #tpu.memory_space<vmem>>, vector<16xf32>,
    %add3A_347 = arith.addf %add3A_344, %get3A_346 : vector<16xf32>
    %swap3A_348 = arith.constant 0 : index
    %swap3A_349 = tpu.vector_load %arg55[%swap3A_348] {strides = array<i32>} : memref<128xf32, #tpu.memory_space<vmem>>, vector<16xf32>,
    tpu.vector_store %arg55[%swap3A_348], %add3A_347 {strides = array<i32>} : memref<128xf32, #tpu.memory_space<vmem>>, vector<16xf32>,
    %get3A_350 = arith.constant 0 : index
    %get3A_351 = tpu.vector_load %arg49[%get3A_350] {strides = array<i32>} : memref<256xf32, #tpu.memory_space<vmem>>, vector<16xf32>,
    %get3A_352 = arith.constant 16 : index
    %get3A_353 = tpu.vector_load %arg49[%get3A_352] {strides = array<i32>} : memref<256xf32, #tpu.memory_space<vmem>>, vector<16xf32>,
    %add3A_354 = arith.addf %get3A_351, %get3A_353 : vector<16xf32>
    %get3A_355 = arith.constant 32 : index
    %get3A_356 = tpu.vector_load %arg49[%get3A_355] {strides = array<i32>} : memref<256xf32, #tpu.memory_space<vmem>>, vector<16xf32>,
    %add3A_357 = arith.addf %add3A_354, %get3A_356 : vector<16xf32>
    %get3A_358 = arith.constant 48 : index
    %get3A_359 = tpu.vector_load %arg49[%get3A_358] {strides = array<i32>} : memref<256xf32, #tpu.memory_space<vmem>>, vector<16xf32>,
    %add3A_360 = arith.addf %add3A_357, %get3A_359 : vector<16xf32>
    %get3A_361 = arith.constant 64 : index
    %get3A_362 = tpu.vector_load %arg49[%get3A_361] {strides = array<i32>} : memref<256xf32, #tpu.memory_space<vmem>>, vector<16xf32>,
    %add3A_363 = arith.addf %add3A_360, %get3A_362 : vector<16xf32>
    %get3A_364 = arith.constant 80 : index
    %get3A_365 = tpu.vector_load %arg49[%get3A_364] {strides = array<i32>} : memref<256xf32, #tpu.memory_space<vmem>>, vector<16xf32>,
    %add3A_366 = arith.addf %add3A_363, %get3A_365 : vector<16xf32>
    %get3A_367 = arith.constant 96 : index
    %get3A_368 = tpu.vector_load %arg49[%get3A_367] {strides = array<i32>} : memref<256xf32, #tpu.memory_space<vmem>>, vector<16xf32>,
    %add3A_369 = arith.addf %add3A_366, %get3A_368 : vector<16xf32>
    %get3A_370 = arith.constant 112 : index
    %get3A_371 = tpu.vector_load %arg49[%get3A_370] {strides = array<i32>} : memref<256xf32, #tpu.memory_space<vmem>>, vector<16xf32>,
    %add3A_372 = arith.addf %add3A_369, %get3A_371 : vector<16xf32>
    %get3A_373 = arith.constant 128 : index
    %get3A_374 = tpu.vector_load %arg49[%get3A_373] {strides = array<i32>} : memref<256xf32, #tpu.memory_space<vmem>>, vector<16xf32>,
    %add3A_375 = arith.addf %add3A_372, %get3A_374 : vector<16xf32>
    %get3A_376 = arith.constant 144 : index
    %get3A_377 = tpu.vector_load %arg49[%get3A_376] {strides = array<i32>} : memref<256xf32, #tpu.memory_space<vmem>>, vector<16xf32>,
    %add3A_378 = arith.addf %add3A_375, %get3A_377 : vector<16xf32>
    %get3A_379 = arith.constant 160 : index
    %get3A_380 = tpu.vector_load %arg49[%get3A_379] {strides = array<i32>} : memref<256xf32, #tpu.memory_space<vmem>>, vector<16xf32>,
    %add3A_381 = arith.addf %add3A_378, %get3A_380 : vector<16xf32>
    %get3A_382 = arith.constant 176 : index
    %get3A_383 = tpu.vector_load %arg49[%get3A_382] {strides = array<i32>} : memref<256xf32, #tpu.memory_space<vmem>>, vector<16xf32>,
    %add3A_384 = arith.addf %add3A_381, %get3A_383 : vector<16xf32>
    %get3A_385 = arith.constant 192 : index
    %get3A_386 = tpu.vector_load %arg49[%get3A_385] {strides = array<i32>} : memref<256xf32, #tpu.memory_space<vmem>>, vector<16xf32>,
    %add3A_387 = arith.addf %add3A_384, %get3A_386 : vector<16xf32>
    %get3A_388 = arith.constant 208 : index
    %get3A_389 = tpu.vector_load %arg49[%get3A_388] {strides = array<i32>} : memref<256xf32, #tpu.memory_space<vmem>>, vector<16xf32>,
    %add3A_390 = arith.addf %add3A_387, %get3A_389 : vector<16xf32>
    %get3A_391 = arith.constant 224 : index
    %get3A_392 = tpu.vector_load %arg49[%get3A_391] {strides = array<i32>} : memref<256xf32, #tpu.memory_space<vmem>>, vector<16xf32>,
    %add3A_393 = arith.addf %add3A_390, %get3A_392 : vector<16xf32>
    %get3A_394 = arith.constant 240 : index
    %get3A_395 = tpu.vector_load %arg49[%get3A_394] {strides = array<i32>} : memref<256xf32, #tpu.memory_space<vmem>>, vector<16xf32>,
    %add3A_396 = arith.addf %add3A_393, %get3A_395 : vector<16xf32>
    %swap3A_397 = arith.constant 16 : index
    %swap3A_398 = tpu.vector_load %arg55[%swap3A_397] {strides = array<i32>} : memref<128xf32, #tpu.memory_space<vmem>>, vector<16xf32>,
    tpu.vector_store %arg55[%swap3A_397], %add3A_396 {strides = array<i32>} : memref<128xf32, #tpu.memory_space<vmem>>, vector<16xf32>,
    %get3A_399 = arith.constant 0 : index
    %get3A_400 = tpu.vector_load %arg50[%get3A_399] {strides = array<i32>} : memref<256xf32, #tpu.memory_space<vmem>>, vector<16xf32>,
    %get3A_401 = arith.constant 16 : index
    %get3A_402 = tpu.vector_load %arg50[%get3A_401] {strides = array<i32>} : memref<256xf32, #tpu.memory_space<vmem>>, vector<16xf32>,
    %add3A_403 = arith.addf %get3A_400, %get3A_402 : vector<16xf32>
    %get3A_404 = arith.constant 32 : index
    %get3A_405 = tpu.vector_load %arg50[%get3A_404] {strides = array<i32>} : memref<256xf32, #tpu.memory_space<vmem>>, vector<16xf32>,
    %add3A_406 = arith.addf %add3A_403, %get3A_405 : vector<16xf32>
    %get3A_407 = arith.constant 48 : index
    %get3A_408 = tpu.vector_load %arg50[%get3A_407] {strides = array<i32>} : memref<256xf32, #tpu.memory_space<vmem>>, vector<16xf32>,
    %add3A_409 = arith.addf %add3A_406, %get3A_408 : vector<16xf32>
    %get3A_410 = arith.constant 64 : index
    %get3A_411 = tpu.vector_load %arg50[%get3A_410] {strides = array<i32>} : memref<256xf32, #tpu.memory_space<vmem>>, vector<16xf32>,
    %add3A_412 = arith.addf %add3A_409, %get3A_411 : vector<16xf32>
    %get3A_413 = arith.constant 80 : index
    %get3A_414 = tpu.vector_load %arg50[%get3A_413] {strides = array<i32>} : memref<256xf32, #tpu.memory_space<vmem>>, vector<16xf32>,
    %add3A_415 = arith.addf %add3A_412, %get3A_414 : vector<16xf32>
    %get3A_416 = arith.constant 96 : index
    %get3A_417 = tpu.vector_load %arg50[%get3A_416] {strides = array<i32>} : memref<256xf32, #tpu.memory_space<vmem>>, vector<16xf32>,
    %add3A_418 = arith.addf %add3A_415, %get3A_417 : vector<16xf32>
    %get3A_419 = arith.constant 112 : index
    %get3A_420 = tpu.vector_load %arg50[%get3A_419] {strides = array<i32>} : memref<256xf32, #tpu.memory_space<vmem>>, vector<16xf32>,
    %add3A_421 = arith.addf %add3A_418, %get3A_420 : vector<16xf32>
    %get3A_422 = arith.constant 128 : index
    %get3A_423 = tpu.vector_load %arg50[%get3A_422] {strides = array<i32>} : memref<256xf32, #tpu.memory_space<vmem>>, vector<16xf32>,
    %add3A_424 = arith.addf %add3A_421, %get3A_423 : vector<16xf32>
    %get3A_425 = arith.constant 144 : index
    %get3A_426 = tpu.vector_load %arg50[%get3A_425] {strides = array<i32>} : memref<256xf32, #tpu.memory_space<vmem>>, vector<16xf32>,
    %add3A_427 = arith.addf %add3A_424, %get3A_426 : vector<16xf32>
    %get3A_428 = arith.constant 160 : index
    %get3A_429 = tpu.vector_load %arg50[%get3A_428] {strides = array<i32>} : memref<256xf32, #tpu.memory_space<vmem>>, vector<16xf32>,
    %add3A_430 = arith.addf %add3A_427, %get3A_429 : vector<16xf32>
    %get3A_431 = arith.constant 176 : index
    %get3A_432 = tpu.vector_load %arg50[%get3A_431] {strides = array<i32>} : memref<256xf32, #tpu.memory_space<vmem>>, vector<16xf32>,
    %add3A_433 = arith.addf %add3A_430, %get3A_432 : vector<16xf32>
    %get3A_434 = arith.constant 192 : index
    %get3A_435 = tpu.vector_load %arg50[%get3A_434] {strides = array<i32>} : memref<256xf32, #tpu.memory_space<vmem>>, vector<16xf32>,
    %add3A_436 = arith.addf %add3A_433, %get3A_435 : vector<16xf32>
    %get3A_437 = arith.constant 208 : index
    %get3A_438 = tpu.vector_load %arg50[%get3A_437] {strides = array<i32>} : memref<256xf32, #tpu.memory_space<vmem>>, vector<16xf32>,
    %add3A_439 = arith.addf %add3A_436, %get3A_438 : vector<16xf32>
    %get3A_440 = arith.constant 224 : index
    %get3A_441 = tpu.vector_load %arg50[%get3A_440] {strides = array<i32>} : memref<256xf32, #tpu.memory_space<vmem>>, vector<16xf32>,
    %add3A_442 = arith.addf %add3A_439, %get3A_441 : vector<16xf32>
    %get3A_443 = arith.constant 240 : index
    %get3A_444 = tpu.vector_load %arg50[%get3A_443] {strides = array<i32>} : memref<256xf32, #tpu.memory_space<vmem>>, vector<16xf32>,
    %add3A_445 = arith.addf %add3A_442, %get3A_444 : vector<16xf32>
    %swap3A_446 = arith.constant 32 : index
    %swap3A_447 = tpu.vector_load %arg55[%swap3A_446] {strides = array<i32>} : memref<128xf32, #tpu.memory_space<vmem>>, vector<16xf32>,
    tpu.vector_store %arg55[%swap3A_446], %add3A_445 {strides = array<i32>} : memref<128xf32, #tpu.memory_space<vmem>>, vector<16xf32>,
    %get3A_448 = arith.constant 0 : index
    %get3A_449 = tpu.vector_load %arg51[%get3A_448] {strides = array<i32>} : memref<256xf32, #tpu.memory_space<vmem>>, vector<16xf32>,
    %get3A_450 = arith.constant 16 : index
    %get3A_451 = tpu.vector_load %arg51[%get3A_450] {strides = array<i32>} : memref<256xf32, #tpu.memory_space<vmem>>, vector<16xf32>,
    %add3A_452 = arith.addf %get3A_449, %get3A_451 : vector<16xf32>
    %get3A_453 = arith.constant 32 : index
    %get3A_454 = tpu.vector_load %arg51[%get3A_453] {strides = array<i32>} : memref<256xf32, #tpu.memory_space<vmem>>, vector<16xf32>,
    %add3A_455 = arith.addf %add3A_452, %get3A_454 : vector<16xf32>
    %get3A_456 = arith.constant 48 : index
    %get3A_457 = tpu.vector_load %arg51[%get3A_456] {strides = array<i32>} : memref<256xf32, #tpu.memory_space<vmem>>, vector<16xf32>,
    %add3A_458 = arith.addf %add3A_455, %get3A_457 : vector<16xf32>
    %get3A_459 = arith.constant 64 : index
    %get3A_460 = tpu.vector_load %arg51[%get3A_459] {strides = array<i32>} : memref<256xf32, #tpu.memory_space<vmem>>, vector<16xf32>,
    %add3A_461 = arith.addf %add3A_458, %get3A_460 : vector<16xf32>
    %get3A_462 = arith.constant 80 : index
    %get3A_463 = tpu.vector_load %arg51[%get3A_462] {strides = array<i32>} : memref<256xf32, #tpu.memory_space<vmem>>, vector<16xf32>,
    %add3A_464 = arith.addf %add3A_461, %get3A_463 : vector<16xf32>
    %get3A_465 = arith.constant 96 : index
    %get3A_466 = tpu.vector_load %arg51[%get3A_465] {strides = array<i32>} : memref<256xf32, #tpu.memory_space<vmem>>, vector<16xf32>,
    %add3A_467 = arith.addf %add3A_464, %get3A_466 : vector<16xf32>
    %get3A_468 = arith.constant 112 : index
    %get3A_469 = tpu.vector_load %arg51[%get3A_468] {strides = array<i32>} : memref<256xf32, #tpu.memory_space<vmem>>, vector<16xf32>,
    %add3A_470 = arith.addf %add3A_467, %get3A_469 : vector<16xf32>
    %get3A_471 = arith.constant 128 : index
    %get3A_472 = tpu.vector_load %arg51[%get3A_471] {strides = array<i32>} : memref<256xf32, #tpu.memory_space<vmem>>, vector<16xf32>,
    %add3A_473 = arith.addf %add3A_470, %get3A_472 : vector<16xf32>
    %get3A_474 = arith.constant 144 : index
    %get3A_475 = tpu.vector_load %arg51[%get3A_474] {strides = array<i32>} : memref<256xf32, #tpu.memory_space<vmem>>, vector<16xf32>,
    %add3A_476 = arith.addf %add3A_473, %get3A_475 : vector<16xf32>
    %get3A_477 = arith.constant 160 : index
    %get3A_478 = tpu.vector_load %arg51[%get3A_477] {strides = array<i32>} : memref<256xf32, #tpu.memory_space<vmem>>, vector<16xf32>,
    %add3A_479 = arith.addf %add3A_476, %get3A_478 : vector<16xf32>
    %get3A_480 = arith.constant 176 : index
    %get3A_481 = tpu.vector_load %arg51[%get3A_480] {strides = array<i32>} : memref<256xf32, #tpu.memory_space<vmem>>, vector<16xf32>,
    %add3A_482 = arith.addf %add3A_479, %get3A_481 : vector<16xf32>
    %get3A_483 = arith.constant 192 : index
    %get3A_484 = tpu.vector_load %arg51[%get3A_483] {strides = array<i32>} : memref<256xf32, #tpu.memory_space<vmem>>, vector<16xf32>,
    %add3A_485 = arith.addf %add3A_482, %get3A_484 : vector<16xf32>
    %get3A_486 = arith.constant 208 : index
    %get3A_487 = tpu.vector_load %arg51[%get3A_486] {strides = array<i32>} : memref<256xf32, #tpu.memory_space<vmem>>, vector<16xf32>,
    %add3A_488 = arith.addf %add3A_485, %get3A_487 : vector<16xf32>
    %get3A_489 = arith.constant 224 : index
    %get3A_490 = tpu.vector_load %arg51[%get3A_489] {strides = array<i32>} : memref<256xf32, #tpu.memory_space<vmem>>, vector<16xf32>,
    %add3A_491 = arith.addf %add3A_488, %get3A_490 : vector<16xf32>
    %get3A_492 = arith.constant 240 : index
    %get3A_493 = tpu.vector_load %arg51[%get3A_492] {strides = array<i32>} : memref<256xf32, #tpu.memory_space<vmem>>, vector<16xf32>,
    %add3A_494 = arith.addf %add3A_491, %get3A_493 : vector<16xf32>
    %swap3A_495 = arith.constant 48 : index
    %swap3A_496 = tpu.vector_load %arg55[%swap3A_495] {strides = array<i32>} : memref<128xf32, #tpu.memory_space<vmem>>, vector<16xf32>,
    tpu.vector_store %arg55[%swap3A_495], %add3A_494 {strides = array<i32>} : memref<128xf32, #tpu.memory_space<vmem>>, vector<16xf32>,
    %get3A_497 = arith.constant 0 : index
    %get3A_498 = tpu.vector_load %arg52[%get3A_497] {strides = array<i32>} : memref<256xf32, #tpu.memory_space<vmem>>, vector<16xf32>,
    %get3A_499 = arith.constant 16 : index
    %get3A_500 = tpu.vector_load %arg52[%get3A_499] {strides = array<i32>} : memref<256xf32, #tpu.memory_space<vmem>>, vector<16xf32>,
    %add3A_501 = arith.addf %get3A_498, %get3A_500 : vector<16xf32>
    %get3A_502 = arith.constant 32 : index
    %get3A_503 = tpu.vector_load %arg52[%get3A_502] {strides = array<i32>} : memref<256xf32, #tpu.memory_space<vmem>>, vector<16xf32>,
    %add3A_504 = arith.addf %add3A_501, %get3A_503 : vector<16xf32>
    %get3A_505 = arith.constant 48 : index
    %get3A_506 = tpu.vector_load %arg52[%get3A_505] {strides = array<i32>} : memref<256xf32, #tpu.memory_space<vmem>>, vector<16xf32>,
    %add3A_507 = arith.addf %add3A_504, %get3A_506 : vector<16xf32>
    %get3A_508 = arith.constant 64 : index
    %get3A_509 = tpu.vector_load %arg52[%get3A_508] {strides = array<i32>} : memref<256xf32, #tpu.memory_space<vmem>>, vector<16xf32>,
    %add3A_510 = arith.addf %add3A_507, %get3A_509 : vector<16xf32>
    %get3A_511 = arith.constant 80 : index
    %get3A_512 = tpu.vector_load %arg52[%get3A_511] {strides = array<i32>} : memref<256xf32, #tpu.memory_space<vmem>>, vector<16xf32>,
    %add3A_513 = arith.addf %add3A_510, %get3A_512 : vector<16xf32>
    %get3A_514 = arith.constant 96 : index
    %get3A_515 = tpu.vector_load %arg52[%get3A_514] {strides = array<i32>} : memref<256xf32, #tpu.memory_space<vmem>>, vector<16xf32>,
    %add3A_516 = arith.addf %add3A_513, %get3A_515 : vector<16xf32>
    %get3A_517 = arith.constant 112 : index
    %get3A_518 = tpu.vector_load %arg52[%get3A_517] {strides = array<i32>} : memref<256xf32, #tpu.memory_space<vmem>>, vector<16xf32>,
    %add3A_519 = arith.addf %add3A_516, %get3A_518 : vector<16xf32>
    %get3A_520 = arith.constant 128 : index
    %get3A_521 = tpu.vector_load %arg52[%get3A_520] {strides = array<i32>} : memref<256xf32, #tpu.memory_space<vmem>>, vector<16xf32>,
    %add3A_522 = arith.addf %add3A_519, %get3A_521 : vector<16xf32>
    %get3A_523 = arith.constant 144 : index
    %get3A_524 = tpu.vector_load %arg52[%get3A_523] {strides = array<i32>} : memref<256xf32, #tpu.memory_space<vmem>>, vector<16xf32>,
    %add3A_525 = arith.addf %add3A_522, %get3A_524 : vector<16xf32>
    %get3A_526 = arith.constant 160 : index
    %get3A_527 = tpu.vector_load %arg52[%get3A_526] {strides = array<i32>} : memref<256xf32, #tpu.memory_space<vmem>>, vector<16xf32>,
    %add3A_528 = arith.addf %add3A_525, %get3A_527 : vector<16xf32>
    %get3A_529 = arith.constant 176 : index
    %get3A_530 = tpu.vector_load %arg52[%get3A_529] {strides = array<i32>} : memref<256xf32, #tpu.memory_space<vmem>>, vector<16xf32>,
    %add3A_531 = arith.addf %add3A_528, %get3A_530 : vector<16xf32>
    %get3A_532 = arith.constant 192 : index
    %get3A_533 = tpu.vector_load %arg52[%get3A_532] {strides = array<i32>} : memref<256xf32, #tpu.memory_space<vmem>>, vector<16xf32>,
    %add3A_534 = arith.addf %add3A_531, %get3A_533 : vector<16xf32>
    %get3A_535 = arith.constant 208 : index
    %get3A_536 = tpu.vector_load %arg52[%get3A_535] {strides = array<i32>} : memref<256xf32, #tpu.memory_space<vmem>>, vector<16xf32>,
    %add3A_537 = arith.addf %add3A_534, %get3A_536 : vector<16xf32>
    %get3A_538 = arith.constant 224 : index
    %get3A_539 = tpu.vector_load %arg52[%get3A_538] {strides = array<i32>} : memref<256xf32, #tpu.memory_space<vmem>>, vector<16xf32>,
    %add3A_540 = arith.addf %add3A_537, %get3A_539 : vector<16xf32>
    %get3A_541 = arith.constant 240 : index
    %get3A_542 = tpu.vector_load %arg52[%get3A_541] {strides = array<i32>} : memref<256xf32, #tpu.memory_space<vmem>>, vector<16xf32>,
    %add3A_543 = arith.addf %add3A_540, %get3A_542 : vector<16xf32>
    %swap3A_544 = arith.constant 64 : index
    %swap3A_545 = tpu.vector_load %arg55[%swap3A_544] {strides = array<i32>} : memref<128xf32, #tpu.memory_space<vmem>>, vector<16xf32>,
    tpu.vector_store %arg55[%swap3A_544], %add3A_543 {strides = array<i32>} : memref<128xf32, #tpu.memory_space<vmem>>, vector<16xf32>,
    %get3A_546 = arith.constant 0 : index
    %get3A_547 = tpu.vector_load %arg53[%get3A_546] {strides = array<i32>} : memref<256xf32, #tpu.memory_space<vmem>>, vector<16xf32>,
    %get3A_548 = arith.constant 16 : index
    %get3A_549 = tpu.vector_load %arg53[%get3A_548] {strides = array<i32>} : memref<256xf32, #tpu.memory_space<vmem>>, vector<16xf32>,
    %add3A_550 = arith.addf %get3A_547, %get3A_549 : vector<16xf32>
    %get3A_551 = arith.constant 32 : index
    %get3A_552 = tpu.vector_load %arg53[%get3A_551] {strides = array<i32>} : memref<256xf32, #tpu.memory_space<vmem>>, vector<16xf32>,
    %add3A_553 = arith.addf %add3A_550, %get3A_552 : vector<16xf32>
    %get3A_554 = arith.constant 48 : index
    %get3A_555 = tpu.vector_load %arg53[%get3A_554] {strides = array<i32>} : memref<256xf32, #tpu.memory_space<vmem>>, vector<16xf32>,
    %add3A_556 = arith.addf %add3A_553, %get3A_555 : vector<16xf32>
    %get3A_557 = arith.constant 64 : index
    %get3A_558 = tpu.vector_load %arg53[%get3A_557] {strides = array<i32>} : memref<256xf32, #tpu.memory_space<vmem>>, vector<16xf32>,
    %add3A_559 = arith.addf %add3A_556, %get3A_558 : vector<16xf32>
    %get3A_560 = arith.constant 80 : index
    %get3A_561 = tpu.vector_load %arg53[%get3A_560] {strides = array<i32>} : memref<256xf32, #tpu.memory_space<vmem>>, vector<16xf32>,
    %add3A_562 = arith.addf %add3A_559, %get3A_561 : vector<16xf32>
    %get3A_563 = arith.constant 96 : index
    %get3A_564 = tpu.vector_load %arg53[%get3A_563] {strides = array<i32>} : memref<256xf32, #tpu.memory_space<vmem>>, vector<16xf32>,
    %add3A_565 = arith.addf %add3A_562, %get3A_564 : vector<16xf32>
    %get3A_566 = arith.constant 112 : index
    %get3A_567 = tpu.vector_load %arg53[%get3A_566] {strides = array<i32>} : memref<256xf32, #tpu.memory_space<vmem>>, vector<16xf32>,
    %add3A_568 = arith.addf %add3A_565, %get3A_567 : vector<16xf32>
    %get3A_569 = arith.constant 128 : index
    %get3A_570 = tpu.vector_load %arg53[%get3A_569] {strides = array<i32>} : memref<256xf32, #tpu.memory_space<vmem>>, vector<16xf32>,
    %add3A_571 = arith.addf %add3A_568, %get3A_570 : vector<16xf32>
    %get3A_572 = arith.constant 144 : index
    %get3A_573 = tpu.vector_load %arg53[%get3A_572] {strides = array<i32>} : memref<256xf32, #tpu.memory_space<vmem>>, vector<16xf32>,
    %add3A_574 = arith.addf %add3A_571, %get3A_573 : vector<16xf32>
    %get3A_575 = arith.constant 160 : index
    %get3A_576 = tpu.vector_load %arg53[%get3A_575] {strides = array<i32>} : memref<256xf32, #tpu.memory_space<vmem>>, vector<16xf32>,
    %add3A_577 = arith.addf %add3A_574, %get3A_576 : vector<16xf32>
    %get3A_578 = arith.constant 176 : index
    %get3A_579 = tpu.vector_load %arg53[%get3A_578] {strides = array<i32>} : memref<256xf32, #tpu.memory_space<vmem>>, vector<16xf32>,
    %add3A_580 = arith.addf %add3A_577, %get3A_579 : vector<16xf32>
    %get3A_581 = arith.constant 192 : index
    %get3A_582 = tpu.vector_load %arg53[%get3A_581] {strides = array<i32>} : memref<256xf32, #tpu.memory_space<vmem>>, vector<16xf32>,
    %add3A_583 = arith.addf %add3A_580, %get3A_582 : vector<16xf32>
    %get3A_584 = arith.constant 208 : index
    %get3A_585 = tpu.vector_load %arg53[%get3A_584] {strides = array<i32>} : memref<256xf32, #tpu.memory_space<vmem>>, vector<16xf32>,
    %add3A_586 = arith.addf %add3A_583, %get3A_585 : vector<16xf32>
    %get3A_587 = arith.constant 224 : index
    %get3A_588 = tpu.vector_load %arg53[%get3A_587] {strides = array<i32>} : memref<256xf32, #tpu.memory_space<vmem>>, vector<16xf32>,
    %add3A_589 = arith.addf %add3A_586, %get3A_588 : vector<16xf32>
    %get3A_590 = arith.constant 240 : index
    %get3A_591 = tpu.vector_load %arg53[%get3A_590] {strides = array<i32>} : memref<256xf32, #tpu.memory_space<vmem>>, vector<16xf32>,
    %add3A_592 = arith.addf %add3A_589, %get3A_591 : vector<16xf32>
    %swap3A_593 = arith.constant 80 : index
    %swap3A_594 = tpu.vector_load %arg55[%swap3A_593] {strides = array<i32>} : memref<128xf32, #tpu.memory_space<vmem>>, vector<16xf32>,
    tpu.vector_store %arg55[%swap3A_593], %add3A_592 {strides = array<i32>} : memref<128xf32, #tpu.memory_space<vmem>>, vector<16xf32>,
    %get3A_595 = arith.constant 0 : index
    %get3A_596 = tpu.vector_load %arg54[%get3A_595] {strides = array<i32>} : memref<256xf32, #tpu.memory_space<vmem>>, vector<16xf32>,
    %get3A_597 = arith.constant 16 : index
    %get3A_598 = tpu.vector_load %arg54[%get3A_597] {strides = array<i32>} : memref<256xf32, #tpu.memory_space<vmem>>, vector<16xf32>,
    %add3A_599 = arith.addf %get3A_596, %get3A_598 : vector<16xf32>
    %get3A_600 = arith.constant 32 : index
    %get3A_601 = tpu.vector_load %arg54[%get3A_600] {strides = array<i32>} : memref<256xf32, #tpu.memory_space<vmem>>, vector<16xf32>,
    %add3A_602 = arith.addf %add3A_599, %get3A_601 : vector<16xf32>
    %get3A_603 = arith.constant 48 : index
    %get3A_604 = tpu.vector_load %arg54[%get3A_603] {strides = array<i32>} : memref<256xf32, #tpu.memory_space<vmem>>, vector<16xf32>,
    %add3A_605 = arith.addf %add3A_602, %get3A_604 : vector<16xf32>
    %get3A_606 = arith.constant 64 : index
    %get3A_607 = tpu.vector_load %arg54[%get3A_606] {strides = array<i32>} : memref<256xf32, #tpu.memory_space<vmem>>, vector<16xf32>,
    %add3A_608 = arith.addf %add3A_605, %get3A_607 : vector<16xf32>
    %get3A_609 = arith.constant 80 : index
    %get3A_610 = tpu.vector_load %arg54[%get3A_609] {strides = array<i32>} : memref<256xf32, #tpu.memory_space<vmem>>, vector<16xf32>,
    %add3A_611 = arith.addf %add3A_608, %get3A_610 : vector<16xf32>
    %get3A_612 = arith.constant 96 : index
    %get3A_613 = tpu.vector_load %arg54[%get3A_612] {strides = array<i32>} : memref<256xf32, #tpu.memory_space<vmem>>, vector<16xf32>,
    %add3A_614 = arith.addf %add3A_611, %get3A_613 : vector<16xf32>
    %get3A_615 = arith.constant 112 : index
    %get3A_616 = tpu.vector_load %arg54[%get3A_615] {strides = array<i32>} : memref<256xf32, #tpu.memory_space<vmem>>, vector<16xf32>,
    %add3A_617 = arith.addf %add3A_614, %get3A_616 : vector<16xf32>
    %get3A_618 = arith.constant 128 : index
    %get3A_619 = tpu.vector_load %arg54[%get3A_618] {strides = array<i32>} : memref<256xf32, #tpu.memory_space<vmem>>, vector<16xf32>,
    %add3A_620 = arith.addf %add3A_617, %get3A_619 : vector<16xf32>
    %get3A_621 = arith.constant 144 : index
    %get3A_622 = tpu.vector_load %arg54[%get3A_621] {strides = array<i32>} : memref<256xf32, #tpu.memory_space<vmem>>, vector<16xf32>,
    %add3A_623 = arith.addf %add3A_620, %get3A_622 : vector<16xf32>
    %get3A_624 = arith.constant 160 : index
    %get3A_625 = tpu.vector_load %arg54[%get3A_624] {strides = array<i32>} : memref<256xf32, #tpu.memory_space<vmem>>, vector<16xf32>,
    %add3A_626 = arith.addf %add3A_623, %get3A_625 : vector<16xf32>
    %get3A_627 = arith.constant 176 : index
    %get3A_628 = tpu.vector_load %arg54[%get3A_627] {strides = array<i32>} : memref<256xf32, #tpu.memory_space<vmem>>, vector<16xf32>,
    %add3A_629 = arith.addf %add3A_626, %get3A_628 : vector<16xf32>
    %get3A_630 = arith.constant 192 : index
    %get3A_631 = tpu.vector_load %arg54[%get3A_630] {strides = array<i32>} : memref<256xf32, #tpu.memory_space<vmem>>, vector<16xf32>,
    %add3A_632 = arith.addf %add3A_629, %get3A_631 : vector<16xf32>
    %get3A_633 = arith.constant 208 : index
    %get3A_634 = tpu.vector_load %arg54[%get3A_633] {strides = array<i32>} : memref<256xf32, #tpu.memory_space<vmem>>, vector<16xf32>,
    %add3A_635 = arith.addf %add3A_632, %get3A_634 : vector<16xf32>
    %get3A_636 = arith.constant 224 : index
    %get3A_637 = tpu.vector_load %arg54[%get3A_636] {strides = array<i32>} : memref<256xf32, #tpu.memory_space<vmem>>, vector<16xf32>,
    %add3A_638 = arith.addf %add3A_635, %get3A_637 : vector<16xf32>
    %get3A_639 = arith.constant 240 : index
    %get3A_640 = tpu.vector_load %arg54[%get3A_639] {strides = array<i32>} : memref<256xf32, #tpu.memory_space<vmem>>, vector<16xf32>,
    %add3A_641 = arith.addf %add3A_638, %get3A_640 : vector<16xf32>
    %swap3A_642 = arith.constant 96 : index
    %swap3A_643 = tpu.vector_load %arg55[%swap3A_642] {strides = array<i32>} : memref<128xf32, #tpu.memory_space<vmem>>, vector<16xf32>,
    tpu.vector_store %arg55[%swap3A_642], %add3A_641 {strides = array<i32>} : memref<128xf32, #tpu.memory_space<vmem>>, vector<16xf32>,
    %swap3A_644 = arith.constant 112 : index
    %swap3A_645 = tpu.vector_load %arg55[%swap3A_644] {strides = array<i32>} : memref<128xf32, #tpu.memory_space<vmem>>, vector<16xf32>,
    tpu.vector_store %arg55[%swap3A_644], %broadcast_in_dim3A_12 {strides = array<i32>} : memref<128xf32, #tpu.memory_space<vmem>>, vector<16xf32>,
    %mul3A_646 = arith.constant 8 : i32
    %mul3A_647 = arith.muli %arg1, %mul3A_646 : i32
    %mul3A_648 = arith.constant 16 : i32
    %mul3A_649 = arith.muli %mul3A_647, %mul3A_648 : i32
    "tpu.region"() ({
      %run_scoped3A = tpu.sem_alloc : memref<!tpu.dma_semaphore, #tpu.memory_space<semaphore_mem>>
      %dma_start3A_656 = tpu.memref_slice %arg21[%mul3A_649] : memref<2048xf32, #tpu.memory_space<vmem_shared>> -> memref<128xf32, #tpu.memory_space<vmem_shared>>
      %dma_start3A_657 = tpu.memref_slice %arg21[%mul3A_649] : memref<2048xf32, #tpu.memory_space<vmem_shared>> -> memref<128xf32, #tpu.memory_space<vmem_shared>>
      tpu.enqueue_dma source(%arg55 : memref<128xf32, #tpu.memory_space<vmem>>) target(%dma_start3A_657 : memref<128xf32, #tpu.memory_space<vmem_shared>>) target_semaphore(%run_scoped3A : memref<!tpu.dma_semaphore, #tpu.memory_space<semaphore_mem>>)
      %dma_wait3A_658 = tpu.memref_slice %arg21[%mul3A_649] : memref<2048xf32, #tpu.memory_space<vmem_shared>> -> memref<128xf32, #tpu.memory_space<vmem_shared>>
      %dma_wait3A_659 = tpu.memref_slice %arg21[%mul3A_649] : memref<2048xf32, #tpu.memory_space<vmem_shared>> -> memref<128xf32, #tpu.memory_space<vmem_shared>>
      tpu.wait_dma2 semaphore(%run_scoped3A : memref<!tpu.dma_semaphore, #tpu.memory_space<semaphore_mem>>) src(%arg55 : memref<128xf32, #tpu.memory_space<vmem>>) dst(%dma_wait3A_659 : memref<128xf32, #tpu.memory_space<vmem_shared>>)
      tpu.yield
    }) : () -> ()
    %barrier3A_650 = arith.constant 0 : index
    tpu.barrier barrier_id(%barrier3A_650)
    %eq3A_651 = arith.constant 0 : i32
    %eq3A_652 = arith.cmpi eq, %arg1, %eq3A_651 : i32
    %convert_element_type3A_653 = arith.extui %eq3A_652 : i1 to i32
    %cond3A_654 = arith.constant 0 : i32
    %cond3A_655 = arith.cmpi ne, %convert_element_type3A_653, %cond3A_654 : i32
    scf.if %cond3A_655 {
      "tpu.region"() ({
        %run_scoped3A = tpu.sem_alloc : memref<!tpu.dma_semaphore, #tpu.memory_space<semaphore_mem>>
        tpu.enqueue_dma source(%arg21 : memref<2048xf32, #tpu.memory_space<vmem_shared>>) target(%arg56 : memref<2048xf32, #tpu.memory_space<vmem>>) target_semaphore(%run_scoped3A : memref<!tpu.dma_semaphore, #tpu.memory_space<semaphore_mem>>)
        tpu.wait_dma2 semaphore(%run_scoped3A : memref<!tpu.dma_semaphore, #tpu.memory_space<semaphore_mem>>) src(%arg21 : memref<2048xf32, #tpu.memory_space<vmem_shared>>) dst(%arg56 : memref<2048xf32, #tpu.memory_space<vmem>>)
        tpu.yield
      }) : () -> ()
      %get3A_656 = arith.constant 0 : index
      %get3A_657 = tpu.vector_load %arg56[%get3A_656] {strides = array<i32>} : memref<2048xf32, #tpu.memory_space<vmem>>, vector<16xf32>,
      %get3A_658 = arith.constant 128 : index
      %get3A_659 = tpu.vector_load %arg56[%get3A_658] {strides = array<i32>} : memref<2048xf32, #tpu.memory_space<vmem>>, vector<16xf32>,
      %add3A_660 = arith.addf %get3A_657, %get3A_659 : vector<16xf32>
      %get3A_661 = arith.constant 256 : index
      %get3A_662 = tpu.vector_load %arg56[%get3A_661] {strides = array<i32>} : memref<2048xf32, #tpu.memory_space<vmem>>, vector<16xf32>,
      %add3A_663 = arith.addf %add3A_660, %get3A_662 : vector<16xf32>
      %get3A_664 = arith.constant 384 : index
      %get3A_665 = tpu.vector_load %arg56[%get3A_664] {strides = array<i32>} : memref<2048xf32, #tpu.memory_space<vmem>>, vector<16xf32>,
      %add3A_666 = arith.addf %add3A_663, %get3A_665 : vector<16xf32>
      %get3A_667 = arith.constant 512 : index
      %get3A_668 = tpu.vector_load %arg56[%get3A_667] {strides = array<i32>} : memref<2048xf32, #tpu.memory_space<vmem>>, vector<16xf32>,
      %add3A_669 = arith.addf %add3A_666, %get3A_668 : vector<16xf32>
      %get3A_670 = arith.constant 640 : index
      %get3A_671 = tpu.vector_load %arg56[%get3A_670] {strides = array<i32>} : memref<2048xf32, #tpu.memory_space<vmem>>, vector<16xf32>,
      %add3A_672 = arith.addf %add3A_669, %get3A_671 : vector<16xf32>
      %get3A_673 = arith.constant 768 : index
      %get3A_674 = tpu.vector_load %arg56[%get3A_673] {strides = array<i32>} : memref<2048xf32, #tpu.memory_space<vmem>>, vector<16xf32>,
      %add3A_675 = arith.addf %add3A_672, %get3A_674 : vector<16xf32>
      %get3A_676 = arith.constant 896 : index
      %get3A_677 = tpu.vector_load %arg56[%get3A_676] {strides = array<i32>} : memref<2048xf32, #tpu.memory_space<vmem>>, vector<16xf32>,
      %add3A_678 = arith.addf %add3A_675, %get3A_677 : vector<16xf32>
      %get3A_679 = arith.constant 1024 : index
      %get3A_680 = tpu.vector_load %arg56[%get3A_679] {strides = array<i32>} : memref<2048xf32, #tpu.memory_space<vmem>>, vector<16xf32>,
      %add3A_681 = arith.addf %add3A_678, %get3A_680 : vector<16xf32>
      %get3A_682 = arith.constant 1152 : index
      %get3A_683 = tpu.vector_load %arg56[%get3A_682] {strides = array<i32>} : memref<2048xf32, #tpu.memory_space<vmem>>, vector<16xf32>,
      %add3A_684 = arith.addf %add3A_681, %get3A_683 : vector<16xf32>
      %get3A_685 = arith.constant 1280 : index
      %get3A_686 = tpu.vector_load %arg56[%get3A_685] {strides = array<i32>} : memref<2048xf32, #tpu.memory_space<vmem>>, vector<16xf32>,
      %add3A_687 = arith.addf %add3A_684, %get3A_686 : vector<16xf32>
      %get3A_688 = arith.constant 1408 : index
      %get3A_689 = tpu.vector_load %arg56[%get3A_688] {strides = array<i32>} : memref<2048xf32, #tpu.memory_space<vmem>>, vector<16xf32>,
      %add3A_690 = arith.addf %add3A_687, %get3A_689 : vector<16xf32>
      %get3A_691 = arith.constant 1536 : index
      %get3A_692 = tpu.vector_load %arg56[%get3A_691] {strides = array<i32>} : memref<2048xf32, #tpu.memory_space<vmem>>, vector<16xf32>,
      %add3A_693 = arith.addf %add3A_690, %get3A_692 : vector<16xf32>
      %get3A_694 = arith.constant 1664 : index
      %get3A_695 = tpu.vector_load %arg56[%get3A_694] {strides = array<i32>} : memref<2048xf32, #tpu.memory_space<vmem>>, vector<16xf32>,
      %add3A_696 = arith.addf %add3A_693, %get3A_695 : vector<16xf32>
      %get3A_697 = arith.constant 1792 : index
      %get3A_698 = tpu.vector_load %arg56[%get3A_697] {strides = array<i32>} : memref<2048xf32, #tpu.memory_space<vmem>>, vector<16xf32>,
      %add3A_699 = arith.addf %add3A_696, %get3A_698 : vector<16xf32>
      %get3A_700 = arith.constant 1920 : index
      %get3A_701 = tpu.vector_load %arg56[%get3A_700] {strides = array<i32>} : memref<2048xf32, #tpu.memory_space<vmem>>, vector<16xf32>,
      %add3A_702 = arith.addf %add3A_699, %get3A_701 : vector<16xf32>
      %swap3A_703 = arith.constant 0 : index
      %swap3A_704 = tpu.vector_load %arg55[%swap3A_703] {strides = array<i32>} : memref<128xf32, #tpu.memory_space<vmem>>, vector<16xf32>,
      tpu.vector_store %arg55[%swap3A_703], %add3A_702 {strides = array<i32>} : memref<128xf32, #tpu.memory_space<vmem>>, vector<16xf32>,
      %get3A_705 = arith.constant 16 : index
      %get3A_706 = tpu.vector_load %arg56[%get3A_705] {strides = array<i32>} : memref<2048xf32, #tpu.memory_space<vmem>>, vector<16xf32>,
      %get3A_707 = arith.constant 144 : index
      %get3A_708 = tpu.vector_load %arg56[%get3A_707] {strides = array<i32>} : memref<2048xf32, #tpu.memory_space<vmem>>, vector<16xf32>,
      %add3A_709 = arith.addf %get3A_706, %get3A_708 : vector<16xf32>
      %get3A_710 = arith.constant 272 : index
      %get3A_711 = tpu.vector_load %arg56[%get3A_710] {strides = array<i32>} : memref<2048xf32, #tpu.memory_space<vmem>>, vector<16xf32>,
      %add3A_712 = arith.addf %add3A_709, %get3A_711 : vector<16xf32>
      %get3A_713 = arith.constant 400 : index
      %get3A_714 = tpu.vector_load %arg56[%get3A_713] {strides = array<i32>} : memref<2048xf32, #tpu.memory_space<vmem>>, vector<16xf32>,
      %add3A_715 = arith.addf %add3A_712, %get3A_714 : vector<16xf32>
      %get3A_716 = arith.constant 528 : index
      %get3A_717 = tpu.vector_load %arg56[%get3A_716] {strides = array<i32>} : memref<2048xf32, #tpu.memory_space<vmem>>, vector<16xf32>,
      %add3A_718 = arith.addf %add3A_715, %get3A_717 : vector<16xf32>
      %get3A_719 = arith.constant 656 : index
      %get3A_720 = tpu.vector_load %arg56[%get3A_719] {strides = array<i32>} : memref<2048xf32, #tpu.memory_space<vmem>>, vector<16xf32>,
      %add3A_721 = arith.addf %add3A_718, %get3A_720 : vector<16xf32>
      %get3A_722 = arith.constant 784 : index
      %get3A_723 = tpu.vector_load %arg56[%get3A_722] {strides = array<i32>} : memref<2048xf32, #tpu.memory_space<vmem>>, vector<16xf32>,
      %add3A_724 = arith.addf %add3A_721, %get3A_723 : vector<16xf32>
      %get3A_725 = arith.constant 912 : index
      %get3A_726 = tpu.vector_load %arg56[%get3A_725] {strides = array<i32>} : memref<2048xf32, #tpu.memory_space<vmem>>, vector<16xf32>,
      %add3A_727 = arith.addf %add3A_724, %get3A_726 : vector<16xf32>
      %get3A_728 = arith.constant 1040 : index
      %get3A_729 = tpu.vector_load %arg56[%get3A_728] {strides = array<i32>} : memref<2048xf32, #tpu.memory_space<vmem>>, vector<16xf32>,
      %add3A_730 = arith.addf %add3A_727, %get3A_729 : vector<16xf32>
      %get3A_731 = arith.constant 1168 : index
      %get3A_732 = tpu.vector_load %arg56[%get3A_731] {strides = array<i32>} : memref<2048xf32, #tpu.memory_space<vmem>>, vector<16xf32>,
      %add3A_733 = arith.addf %add3A_730, %get3A_732 : vector<16xf32>
      %get3A_734 = arith.constant 1296 : index
      %get3A_735 = tpu.vector_load %arg56[%get3A_734] {strides = array<i32>} : memref<2048xf32, #tpu.memory_space<vmem>>, vector<16xf32>,
      %add3A_736 = arith.addf %add3A_733, %get3A_735 : vector<16xf32>
      %get3A_737 = arith.constant 1424 : index
      %get3A_738 = tpu.vector_load %arg56[%get3A_737] {strides = array<i32>} : memref<2048xf32, #tpu.memory_space<vmem>>, vector<16xf32>,
      %add3A_739 = arith.addf %add3A_736, %get3A_738 : vector<16xf32>
      %get3A_740 = arith.constant 1552 : index
      %get3A_741 = tpu.vector_load %arg56[%get3A_740] {strides = array<i32>} : memref<2048xf32, #tpu.memory_space<vmem>>, vector<16xf32>,
      %add3A_742 = arith.addf %add3A_739, %get3A_741 : vector<16xf32>
      %get3A_743 = arith.constant 1680 : index
      %get3A_744 = tpu.vector_load %arg56[%get3A_743] {strides = array<i32>} : memref<2048xf32, #tpu.memory_space<vmem>>, vector<16xf32>,
      %add3A_745 = arith.addf %add3A_742, %get3A_744 : vector<16xf32>
      %get3A_746 = arith.constant 1808 : index
      %get3A_747 = tpu.vector_load %arg56[%get3A_746] {strides = array<i32>} : memref<2048xf32, #tpu.memory_space<vmem>>, vector<16xf32>,
      %add3A_748 = arith.addf %add3A_745, %get3A_747 : vector<16xf32>
      %get3A_749 = arith.constant 1936 : index
      %get3A_750 = tpu.vector_load %arg56[%get3A_749] {strides = array<i32>} : memref<2048xf32, #tpu.memory_space<vmem>>, vector<16xf32>,
      %add3A_751 = arith.addf %add3A_748, %get3A_750 : vector<16xf32>
      %swap3A_752 = arith.constant 16 : index
      %swap3A_753 = tpu.vector_load %arg55[%swap3A_752] {strides = array<i32>} : memref<128xf32, #tpu.memory_space<vmem>>, vector<16xf32>,
      tpu.vector_store %arg55[%swap3A_752], %add3A_751 {strides = array<i32>} : memref<128xf32, #tpu.memory_space<vmem>>, vector<16xf32>,
      %get3A_754 = arith.constant 32 : index
      %get3A_755 = tpu.vector_load %arg56[%get3A_754] {strides = array<i32>} : memref<2048xf32, #tpu.memory_space<vmem>>, vector<16xf32>,
      %get3A_756 = arith.constant 160 : index
      %get3A_757 = tpu.vector_load %arg56[%get3A_756] {strides = array<i32>} : memref<2048xf32, #tpu.memory_space<vmem>>, vector<16xf32>,
      %add3A_758 = arith.addf %get3A_755, %get3A_757 : vector<16xf32>
      %get3A_759 = arith.constant 288 : index
      %get3A_760 = tpu.vector_load %arg56[%get3A_759] {strides = array<i32>} : memref<2048xf32, #tpu.memory_space<vmem>>, vector<16xf32>,
      %add3A_761 = arith.addf %add3A_758, %get3A_760 : vector<16xf32>
      %get3A_762 = arith.constant 416 : index
      %get3A_763 = tpu.vector_load %arg56[%get3A_762] {strides = array<i32>} : memref<2048xf32, #tpu.memory_space<vmem>>, vector<16xf32>,
      %add3A_764 = arith.addf %add3A_761, %get3A_763 : vector<16xf32>
      %get3A_765 = arith.constant 544 : index
      %get3A_766 = tpu.vector_load %arg56[%get3A_765] {strides = array<i32>} : memref<2048xf32, #tpu.memory_space<vmem>>, vector<16xf32>,
      %add3A_767 = arith.addf %add3A_764, %get3A_766 : vector<16xf32>
      %get3A_768 = arith.constant 672 : index
      %get3A_769 = tpu.vector_load %arg56[%get3A_768] {strides = array<i32>} : memref<2048xf32, #tpu.memory_space<vmem>>, vector<16xf32>,
      %add3A_770 = arith.addf %add3A_767, %get3A_769 : vector<16xf32>
      %get3A_771 = arith.constant 800 : index
      %get3A_772 = tpu.vector_load %arg56[%get3A_771] {strides = array<i32>} : memref<2048xf32, #tpu.memory_space<vmem>>, vector<16xf32>,
      %add3A_773 = arith.addf %add3A_770, %get3A_772 : vector<16xf32>
      %get3A_774 = arith.constant 928 : index
      %get3A_775 = tpu.vector_load %arg56[%get3A_774] {strides = array<i32>} : memref<2048xf32, #tpu.memory_space<vmem>>, vector<16xf32>,
      %add3A_776 = arith.addf %add3A_773, %get3A_775 : vector<16xf32>
      %get3A_777 = arith.constant 1056 : index
      %get3A_778 = tpu.vector_load %arg56[%get3A_777] {strides = array<i32>} : memref<2048xf32, #tpu.memory_space<vmem>>, vector<16xf32>,
      %add3A_779 = arith.addf %add3A_776, %get3A_778 : vector<16xf32>
      %get3A_780 = arith.constant 1184 : index
      %get3A_781 = tpu.vector_load %arg56[%get3A_780] {strides = array<i32>} : memref<2048xf32, #tpu.memory_space<vmem>>, vector<16xf32>,
      %add3A_782 = arith.addf %add3A_779, %get3A_781 : vector<16xf32>
      %get3A_783 = arith.constant 1312 : index
      %get3A_784 = tpu.vector_load %arg56[%get3A_783] {strides = array<i32>} : memref<2048xf32, #tpu.memory_space<vmem>>, vector<16xf32>,
      %add3A_785 = arith.addf %add3A_782, %get3A_784 : vector<16xf32>
      %get3A_786 = arith.constant 1440 : index
      %get3A_787 = tpu.vector_load %arg56[%get3A_786] {strides = array<i32>} : memref<2048xf32, #tpu.memory_space<vmem>>, vector<16xf32>,
      %add3A_788 = arith.addf %add3A_785, %get3A_787 : vector<16xf32>
      %get3A_789 = arith.constant 1568 : index
      %get3A_790 = tpu.vector_load %arg56[%get3A_789] {strides = array<i32>} : memref<2048xf32, #tpu.memory_space<vmem>>, vector<16xf32>,
      %add3A_791 = arith.addf %add3A_788, %get3A_790 : vector<16xf32>
      %get3A_792 = arith.constant 1696 : index
      %get3A_793 = tpu.vector_load %arg56[%get3A_792] {strides = array<i32>} : memref<2048xf32, #tpu.memory_space<vmem>>, vector<16xf32>,
      %add3A_794 = arith.addf %add3A_791, %get3A_793 : vector<16xf32>
      %get3A_795 = arith.constant 1824 : index
      %get3A_796 = tpu.vector_load %arg56[%get3A_795] {strides = array<i32>} : memref<2048xf32, #tpu.memory_space<vmem>>, vector<16xf32>,
      %add3A_797 = arith.addf %add3A_794, %get3A_796 : vector<16xf32>
      %get3A_798 = arith.constant 1952 : index
      %get3A_799 = tpu.vector_load %arg56[%get3A_798] {strides = array<i32>} : memref<2048xf32, #tpu.memory_space<vmem>>, vector<16xf32>,
      %add3A_800 = arith.addf %add3A_797, %get3A_799 : vector<16xf32>
      %swap3A_801 = arith.constant 32 : index
      %swap3A_802 = tpu.vector_load %arg55[%swap3A_801] {strides = array<i32>} : memref<128xf32, #tpu.memory_space<vmem>>, vector<16xf32>,
      tpu.vector_store %arg55[%swap3A_801], %add3A_800 {strides = array<i32>} : memref<128xf32, #tpu.memory_space<vmem>>, vector<16xf32>,
      %get3A_803 = arith.constant 48 : index
      %get3A_804 = tpu.vector_load %arg56[%get3A_803] {strides = array<i32>} : memref<2048xf32, #tpu.memory_space<vmem>>, vector<16xf32>,
      %get3A_805 = arith.constant 176 : index
      %get3A_806 = tpu.vector_load %arg56[%get3A_805] {strides = array<i32>} : memref<2048xf32, #tpu.memory_space<vmem>>, vector<16xf32>,
      %add3A_807 = arith.addf %get3A_804, %get3A_806 : vector<16xf32>
      %get3A_808 = arith.constant 304 : index
      %get3A_809 = tpu.vector_load %arg56[%get3A_808] {strides = array<i32>} : memref<2048xf32, #tpu.memory_space<vmem>>, vector<16xf32>,
      %add3A_810 = arith.addf %add3A_807, %get3A_809 : vector<16xf32>
      %get3A_811 = arith.constant 432 : index
      %get3A_812 = tpu.vector_load %arg56[%get3A_811] {strides = array<i32>} : memref<2048xf32, #tpu.memory_space<vmem>>, vector<16xf32>,
      %add3A_813 = arith.addf %add3A_810, %get3A_812 : vector<16xf32>
      %get3A_814 = arith.constant 560 : index
      %get3A_815 = tpu.vector_load %arg56[%get3A_814] {strides = array<i32>} : memref<2048xf32, #tpu.memory_space<vmem>>, vector<16xf32>,
      %add3A_816 = arith.addf %add3A_813, %get3A_815 : vector<16xf32>
      %get3A_817 = arith.constant 688 : index
      %get3A_818 = tpu.vector_load %arg56[%get3A_817] {strides = array<i32>} : memref<2048xf32, #tpu.memory_space<vmem>>, vector<16xf32>,
      %add3A_819 = arith.addf %add3A_816, %get3A_818 : vector<16xf32>
      %get3A_820 = arith.constant 816 : index
      %get3A_821 = tpu.vector_load %arg56[%get3A_820] {strides = array<i32>} : memref<2048xf32, #tpu.memory_space<vmem>>, vector<16xf32>,
      %add3A_822 = arith.addf %add3A_819, %get3A_821 : vector<16xf32>
      %get3A_823 = arith.constant 944 : index
      %get3A_824 = tpu.vector_load %arg56[%get3A_823] {strides = array<i32>} : memref<2048xf32, #tpu.memory_space<vmem>>, vector<16xf32>,
      %add3A_825 = arith.addf %add3A_822, %get3A_824 : vector<16xf32>
      %get3A_826 = arith.constant 1072 : index
      %get3A_827 = tpu.vector_load %arg56[%get3A_826] {strides = array<i32>} : memref<2048xf32, #tpu.memory_space<vmem>>, vector<16xf32>,
      %add3A_828 = arith.addf %add3A_825, %get3A_827 : vector<16xf32>
      %get3A_829 = arith.constant 1200 : index
      %get3A_830 = tpu.vector_load %arg56[%get3A_829] {strides = array<i32>} : memref<2048xf32, #tpu.memory_space<vmem>>, vector<16xf32>,
      %add3A_831 = arith.addf %add3A_828, %get3A_830 : vector<16xf32>
      %get3A_832 = arith.constant 1328 : index
      %get3A_833 = tpu.vector_load %arg56[%get3A_832] {strides = array<i32>} : memref<2048xf32, #tpu.memory_space<vmem>>, vector<16xf32>,
      %add3A_834 = arith.addf %add3A_831, %get3A_833 : vector<16xf32>
      %get3A_835 = arith.constant 1456 : index
      %get3A_836 = tpu.vector_load %arg56[%get3A_835] {strides = array<i32>} : memref<2048xf32, #tpu.memory_space<vmem>>, vector<16xf32>,
      %add3A_837 = arith.addf %add3A_834, %get3A_836 : vector<16xf32>
      %get3A_838 = arith.constant 1584 : index
      %get3A_839 = tpu.vector_load %arg56[%get3A_838] {strides = array<i32>} : memref<2048xf32, #tpu.memory_space<vmem>>, vector<16xf32>,
      %add3A_840 = arith.addf %add3A_837, %get3A_839 : vector<16xf32>
      %get3A_841 = arith.constant 1712 : index
      %get3A_842 = tpu.vector_load %arg56[%get3A_841] {strides = array<i32>} : memref<2048xf32, #tpu.memory_space<vmem>>, vector<16xf32>,
      %add3A_843 = arith.addf %add3A_840, %get3A_842 : vector<16xf32>
      %get3A_844 = arith.constant 1840 : index
      %get3A_845 = tpu.vector_load %arg56[%get3A_844] {strides = array<i32>} : memref<2048xf32, #tpu.memory_space<vmem>>, vector<16xf32>,
      %add3A_846 = arith.addf %add3A_843, %get3A_845 : vector<16xf32>
      %get3A_847 = arith.constant 1968 : index
      %get3A_848 = tpu.vector_load %arg56[%get3A_847] {strides = array<i32>} : memref<2048xf32, #tpu.memory_space<vmem>>, vector<16xf32>,
      %add3A_849 = arith.addf %add3A_846, %get3A_848 : vector<16xf32>
      %swap3A_850 = arith.constant 48 : index
      %swap3A_851 = tpu.vector_load %arg55[%swap3A_850] {strides = array<i32>} : memref<128xf32, #tpu.memory_space<vmem>>, vector<16xf32>,
      tpu.vector_store %arg55[%swap3A_850], %add3A_849 {strides = array<i32>} : memref<128xf32, #tpu.memory_space<vmem>>, vector<16xf32>,
      %get3A_852 = arith.constant 64 : index
      %get3A_853 = tpu.vector_load %arg56[%get3A_852] {strides = array<i32>} : memref<2048xf32, #tpu.memory_space<vmem>>, vector<16xf32>,
      %get3A_854 = arith.constant 192 : index
      %get3A_855 = tpu.vector_load %arg56[%get3A_854] {strides = array<i32>} : memref<2048xf32, #tpu.memory_space<vmem>>, vector<16xf32>,
      %add3A_856 = arith.addf %get3A_853, %get3A_855 : vector<16xf32>
      %get3A_857 = arith.constant 320 : index
      %get3A_858 = tpu.vector_load %arg56[%get3A_857] {strides = array<i32>} : memref<2048xf32, #tpu.memory_space<vmem>>, vector<16xf32>,
      %add3A_859 = arith.addf %add3A_856, %get3A_858 : vector<16xf32>
      %get3A_860 = arith.constant 448 : index
      %get3A_861 = tpu.vector_load %arg56[%get3A_860] {strides = array<i32>} : memref<2048xf32, #tpu.memory_space<vmem>>, vector<16xf32>,
      %add3A_862 = arith.addf %add3A_859, %get3A_861 : vector<16xf32>
      %get3A_863 = arith.constant 576 : index
      %get3A_864 = tpu.vector_load %arg56[%get3A_863] {strides = array<i32>} : memref<2048xf32, #tpu.memory_space<vmem>>, vector<16xf32>,
      %add3A_865 = arith.addf %add3A_862, %get3A_864 : vector<16xf32>
      %get3A_866 = arith.constant 704 : index
      %get3A_867 = tpu.vector_load %arg56[%get3A_866] {strides = array<i32>} : memref<2048xf32, #tpu.memory_space<vmem>>, vector<16xf32>,
      %add3A_868 = arith.addf %add3A_865, %get3A_867 : vector<16xf32>
      %get3A_869 = arith.constant 832 : index
      %get3A_870 = tpu.vector_load %arg56[%get3A_869] {strides = array<i32>} : memref<2048xf32, #tpu.memory_space<vmem>>, vector<16xf32>,
      %add3A_871 = arith.addf %add3A_868, %get3A_870 : vector<16xf32>
      %get3A_872 = arith.constant 960 : index
      %get3A_873 = tpu.vector_load %arg56[%get3A_872] {strides = array<i32>} : memref<2048xf32, #tpu.memory_space<vmem>>, vector<16xf32>,
      %add3A_874 = arith.addf %add3A_871, %get3A_873 : vector<16xf32>
      %get3A_875 = arith.constant 1088 : index
      %get3A_876 = tpu.vector_load %arg56[%get3A_875] {strides = array<i32>} : memref<2048xf32, #tpu.memory_space<vmem>>, vector<16xf32>,
      %add3A_877 = arith.addf %add3A_874, %get3A_876 : vector<16xf32>
      %get3A_878 = arith.constant 1216 : index
      %get3A_879 = tpu.vector_load %arg56[%get3A_878] {strides = array<i32>} : memref<2048xf32, #tpu.memory_space<vmem>>, vector<16xf32>,
      %add3A_880 = arith.addf %add3A_877, %get3A_879 : vector<16xf32>
      %get3A_881 = arith.constant 1344 : index
      %get3A_882 = tpu.vector_load %arg56[%get3A_881] {strides = array<i32>} : memref<2048xf32, #tpu.memory_space<vmem>>, vector<16xf32>,
      %add3A_883 = arith.addf %add3A_880, %get3A_882 : vector<16xf32>
      %get3A_884 = arith.constant 1472 : index
      %get3A_885 = tpu.vector_load %arg56[%get3A_884] {strides = array<i32>} : memref<2048xf32, #tpu.memory_space<vmem>>, vector<16xf32>,
      %add3A_886 = arith.addf %add3A_883, %get3A_885 : vector<16xf32>
      %get3A_887 = arith.constant 1600 : index
      %get3A_888 = tpu.vector_load %arg56[%get3A_887] {strides = array<i32>} : memref<2048xf32, #tpu.memory_space<vmem>>, vector<16xf32>,
      %add3A_889 = arith.addf %add3A_886, %get3A_888 : vector<16xf32>
      %get3A_890 = arith.constant 1728 : index
      %get3A_891 = tpu.vector_load %arg56[%get3A_890] {strides = array<i32>} : memref<2048xf32, #tpu.memory_space<vmem>>, vector<16xf32>,
      %add3A_892 = arith.addf %add3A_889, %get3A_891 : vector<16xf32>
      %get3A_893 = arith.constant 1856 : index
      %get3A_894 = tpu.vector_load %arg56[%get3A_893] {strides = array<i32>} : memref<2048xf32, #tpu.memory_space<vmem>>, vector<16xf32>,
      %add3A_895 = arith.addf %add3A_892, %get3A_894 : vector<16xf32>
      %get3A_896 = arith.constant 1984 : index
      %get3A_897 = tpu.vector_load %arg56[%get3A_896] {strides = array<i32>} : memref<2048xf32, #tpu.memory_space<vmem>>, vector<16xf32>,
      %add3A_898 = arith.addf %add3A_895, %get3A_897 : vector<16xf32>
      %swap3A_899 = arith.constant 64 : index
      %swap3A_900 = tpu.vector_load %arg55[%swap3A_899] {strides = array<i32>} : memref<128xf32, #tpu.memory_space<vmem>>, vector<16xf32>,
      tpu.vector_store %arg55[%swap3A_899], %add3A_898 {strides = array<i32>} : memref<128xf32, #tpu.memory_space<vmem>>, vector<16xf32>,
      %get3A_901 = arith.constant 80 : index
      %get3A_902 = tpu.vector_load %arg56[%get3A_901] {strides = array<i32>} : memref<2048xf32, #tpu.memory_space<vmem>>, vector<16xf32>,
      %get3A_903 = arith.constant 208 : index
      %get3A_904 = tpu.vector_load %arg56[%get3A_903] {strides = array<i32>} : memref<2048xf32, #tpu.memory_space<vmem>>, vector<16xf32>,
      %add3A_905 = arith.addf %get3A_902, %get3A_904 : vector<16xf32>
      %get3A_906 = arith.constant 336 : index
      %get3A_907 = tpu.vector_load %arg56[%get3A_906] {strides = array<i32>} : memref<2048xf32, #tpu.memory_space<vmem>>, vector<16xf32>,
      %add3A_908 = arith.addf %add3A_905, %get3A_907 : vector<16xf32>
      %get3A_909 = arith.constant 464 : index
      %get3A_910 = tpu.vector_load %arg56[%get3A_909] {strides = array<i32>} : memref<2048xf32, #tpu.memory_space<vmem>>, vector<16xf32>,
      %add3A_911 = arith.addf %add3A_908, %get3A_910 : vector<16xf32>
      %get3A_912 = arith.constant 592 : index
      %get3A_913 = tpu.vector_load %arg56[%get3A_912] {strides = array<i32>} : memref<2048xf32, #tpu.memory_space<vmem>>, vector<16xf32>,
      %add3A_914 = arith.addf %add3A_911, %get3A_913 : vector<16xf32>
      %get3A_915 = arith.constant 720 : index
      %get3A_916 = tpu.vector_load %arg56[%get3A_915] {strides = array<i32>} : memref<2048xf32, #tpu.memory_space<vmem>>, vector<16xf32>,
      %add3A_917 = arith.addf %add3A_914, %get3A_916 : vector<16xf32>
      %get3A_918 = arith.constant 848 : index
      %get3A_919 = tpu.vector_load %arg56[%get3A_918] {strides = array<i32>} : memref<2048xf32, #tpu.memory_space<vmem>>, vector<16xf32>,
      %add3A_920 = arith.addf %add3A_917, %get3A_919 : vector<16xf32>
      %get3A_921 = arith.constant 976 : index
      %get3A_922 = tpu.vector_load %arg56[%get3A_921] {strides = array<i32>} : memref<2048xf32, #tpu.memory_space<vmem>>, vector<16xf32>,
      %add3A_923 = arith.addf %add3A_920, %get3A_922 : vector<16xf32>
      %get3A_924 = arith.constant 1104 : index
      %get3A_925 = tpu.vector_load %arg56[%get3A_924] {strides = array<i32>} : memref<2048xf32, #tpu.memory_space<vmem>>, vector<16xf32>,
      %add3A_926 = arith.addf %add3A_923, %get3A_925 : vector<16xf32>
      %get3A_927 = arith.constant 1232 : index
      %get3A_928 = tpu.vector_load %arg56[%get3A_927] {strides = array<i32>} : memref<2048xf32, #tpu.memory_space<vmem>>, vector<16xf32>,
      %add3A_929 = arith.addf %add3A_926, %get3A_928 : vector<16xf32>
      %get3A_930 = arith.constant 1360 : index
      %get3A_931 = tpu.vector_load %arg56[%get3A_930] {strides = array<i32>} : memref<2048xf32, #tpu.memory_space<vmem>>, vector<16xf32>,
      %add3A_932 = arith.addf %add3A_929, %get3A_931 : vector<16xf32>
      %get3A_933 = arith.constant 1488 : index
      %get3A_934 = tpu.vector_load %arg56[%get3A_933] {strides = array<i32>} : memref<2048xf32, #tpu.memory_space<vmem>>, vector<16xf32>,
      %add3A_935 = arith.addf %add3A_932, %get3A_934 : vector<16xf32>
      %get3A_936 = arith.constant 1616 : index
      %get3A_937 = tpu.vector_load %arg56[%get3A_936] {strides = array<i32>} : memref<2048xf32, #tpu.memory_space<vmem>>, vector<16xf32>,
      %add3A_938 = arith.addf %add3A_935, %get3A_937 : vector<16xf32>
      %get3A_939 = arith.constant 1744 : index
      %get3A_940 = tpu.vector_load %arg56[%get3A_939] {strides = array<i32>} : memref<2048xf32, #tpu.memory_space<vmem>>, vector<16xf32>,
      %add3A_941 = arith.addf %add3A_938, %get3A_940 : vector<16xf32>
      %get3A_942 = arith.constant 1872 : index
      %get3A_943 = tpu.vector_load %arg56[%get3A_942] {strides = array<i32>} : memref<2048xf32, #tpu.memory_space<vmem>>, vector<16xf32>,
      %add3A_944 = arith.addf %add3A_941, %get3A_943 : vector<16xf32>
      %get3A_945 = arith.constant 2000 : index
      %get3A_946 = tpu.vector_load %arg56[%get3A_945] {strides = array<i32>} : memref<2048xf32, #tpu.memory_space<vmem>>, vector<16xf32>,
      %add3A_947 = arith.addf %add3A_944, %get3A_946 : vector<16xf32>
      %swap3A_948 = arith.constant 80 : index
      %swap3A_949 = tpu.vector_load %arg55[%swap3A_948] {strides = array<i32>} : memref<128xf32, #tpu.memory_space<vmem>>, vector<16xf32>,
      tpu.vector_store %arg55[%swap3A_948], %add3A_947 {strides = array<i32>} : memref<128xf32, #tpu.memory_space<vmem>>, vector<16xf32>,
      %get3A_950 = arith.constant 96 : index
      %get3A_951 = tpu.vector_load %arg56[%get3A_950] {strides = array<i32>} : memref<2048xf32, #tpu.memory_space<vmem>>, vector<16xf32>,
      %get3A_952 = arith.constant 224 : index
      %get3A_953 = tpu.vector_load %arg56[%get3A_952] {strides = array<i32>} : memref<2048xf32, #tpu.memory_space<vmem>>, vector<16xf32>,
      %add3A_954 = arith.addf %get3A_951, %get3A_953 : vector<16xf32>
      %get3A_955 = arith.constant 352 : index
      %get3A_956 = tpu.vector_load %arg56[%get3A_955] {strides = array<i32>} : memref<2048xf32, #tpu.memory_space<vmem>>, vector<16xf32>,
      %add3A_957 = arith.addf %add3A_954, %get3A_956 : vector<16xf32>
      %get3A_958 = arith.constant 480 : index
      %get3A_959 = tpu.vector_load %arg56[%get3A_958] {strides = array<i32>} : memref<2048xf32, #tpu.memory_space<vmem>>, vector<16xf32>,
      %add3A_960 = arith.addf %add3A_957, %get3A_959 : vector<16xf32>
      %get3A_961 = arith.constant 608 : index
      %get3A_962 = tpu.vector_load %arg56[%get3A_961] {strides = array<i32>} : memref<2048xf32, #tpu.memory_space<vmem>>, vector<16xf32>,
      %add3A_963 = arith.addf %add3A_960, %get3A_962 : vector<16xf32>
      %get3A_964 = arith.constant 736 : index
      %get3A_965 = tpu.vector_load %arg56[%get3A_964] {strides = array<i32>} : memref<2048xf32, #tpu.memory_space<vmem>>, vector<16xf32>,
      %add3A_966 = arith.addf %add3A_963, %get3A_965 : vector<16xf32>
      %get3A_967 = arith.constant 864 : index
      %get3A_968 = tpu.vector_load %arg56[%get3A_967] {strides = array<i32>} : memref<2048xf32, #tpu.memory_space<vmem>>, vector<16xf32>,
      %add3A_969 = arith.addf %add3A_966, %get3A_968 : vector<16xf32>
      %get3A_970 = arith.constant 992 : index
      %get3A_971 = tpu.vector_load %arg56[%get3A_970] {strides = array<i32>} : memref<2048xf32, #tpu.memory_space<vmem>>, vector<16xf32>,
      %add3A_972 = arith.addf %add3A_969, %get3A_971 : vector<16xf32>
      %get3A_973 = arith.constant 1120 : index
      %get3A_974 = tpu.vector_load %arg56[%get3A_973] {strides = array<i32>} : memref<2048xf32, #tpu.memory_space<vmem>>, vector<16xf32>,
      %add3A_975 = arith.addf %add3A_972, %get3A_974 : vector<16xf32>
      %get3A_976 = arith.constant 1248 : index
      %get3A_977 = tpu.vector_load %arg56[%get3A_976] {strides = array<i32>} : memref<2048xf32, #tpu.memory_space<vmem>>, vector<16xf32>,
      %add3A_978 = arith.addf %add3A_975, %get3A_977 : vector<16xf32>
      %get3A_979 = arith.constant 1376 : index
      %get3A_980 = tpu.vector_load %arg56[%get3A_979] {strides = array<i32>} : memref<2048xf32, #tpu.memory_space<vmem>>, vector<16xf32>,
      %add3A_981 = arith.addf %add3A_978, %get3A_980 : vector<16xf32>
      %get3A_982 = arith.constant 1504 : index
      %get3A_983 = tpu.vector_load %arg56[%get3A_982] {strides = array<i32>} : memref<2048xf32, #tpu.memory_space<vmem>>, vector<16xf32>,
      %add3A_984 = arith.addf %add3A_981, %get3A_983 : vector<16xf32>
      %get3A_985 = arith.constant 1632 : index
      %get3A_986 = tpu.vector_load %arg56[%get3A_985] {strides = array<i32>} : memref<2048xf32, #tpu.memory_space<vmem>>, vector<16xf32>,
      %add3A_987 = arith.addf %add3A_984, %get3A_986 : vector<16xf32>
      %get3A_988 = arith.constant 1760 : index
      %get3A_989 = tpu.vector_load %arg56[%get3A_988] {strides = array<i32>} : memref<2048xf32, #tpu.memory_space<vmem>>, vector<16xf32>,
      %add3A_990 = arith.addf %add3A_987, %get3A_989 : vector<16xf32>
      %get3A_991 = arith.constant 1888 : index
      %get3A_992 = tpu.vector_load %arg56[%get3A_991] {strides = array<i32>} : memref<2048xf32, #tpu.memory_space<vmem>>, vector<16xf32>,
      %add3A_993 = arith.addf %add3A_990, %get3A_992 : vector<16xf32>
      %get3A_994 = arith.constant 2016 : index
      %get3A_995 = tpu.vector_load %arg56[%get3A_994] {strides = array<i32>} : memref<2048xf32, #tpu.memory_space<vmem>>, vector<16xf32>,
      %add3A_996 = arith.addf %add3A_993, %get3A_995 : vector<16xf32>
      %swap3A_997 = arith.constant 96 : index
      %swap3A_998 = tpu.vector_load %arg55[%swap3A_997] {strides = array<i32>} : memref<128xf32, #tpu.memory_space<vmem>>, vector<16xf32>,
      tpu.vector_store %arg55[%swap3A_997], %add3A_996 {strides = array<i32>} : memref<128xf32, #tpu.memory_space<vmem>>, vector<16xf32>,
      %get3A_999 = arith.constant 112 : index
      %get3A_1000 = tpu.vector_load %arg56[%get3A_999] {strides = array<i32>} : memref<2048xf32, #tpu.memory_space<vmem>>, vector<16xf32>,
      %get3A_1001 = arith.constant 240 : index
      %get3A_1002 = tpu.vector_load %arg56[%get3A_1001] {strides = array<i32>} : memref<2048xf32, #tpu.memory_space<vmem>>, vector<16xf32>,
      %add3A_1003 = arith.addf %get3A_1000, %get3A_1002 : vector<16xf32>
      %get3A_1004 = arith.constant 368 : index
      %get3A_1005 = tpu.vector_load %arg56[%get3A_1004] {strides = array<i32>} : memref<2048xf32, #tpu.memory_space<vmem>>, vector<16xf32>,
      %add3A_1006 = arith.addf %add3A_1003, %get3A_1005 : vector<16xf32>
      %get3A_1007 = arith.constant 496 : index
      %get3A_1008 = tpu.vector_load %arg56[%get3A_1007] {strides = array<i32>} : memref<2048xf32, #tpu.memory_space<vmem>>, vector<16xf32>,
      %add3A_1009 = arith.addf %add3A_1006, %get3A_1008 : vector<16xf32>
      %get3A_1010 = arith.constant 624 : index
      %get3A_1011 = tpu.vector_load %arg56[%get3A_1010] {strides = array<i32>} : memref<2048xf32, #tpu.memory_space<vmem>>, vector<16xf32>,
      %add3A_1012 = arith.addf %add3A_1009, %get3A_1011 : vector<16xf32>
      %get3A_1013 = arith.constant 752 : index
      %get3A_1014 = tpu.vector_load %arg56[%get3A_1013] {strides = array<i32>} : memref<2048xf32, #tpu.memory_space<vmem>>, vector<16xf32>,
      %add3A_1015 = arith.addf %add3A_1012, %get3A_1014 : vector<16xf32>
      %get3A_1016 = arith.constant 880 : index
      %get3A_1017 = tpu.vector_load %arg56[%get3A_1016] {strides = array<i32>} : memref<2048xf32, #tpu.memory_space<vmem>>, vector<16xf32>,
      %add3A_1018 = arith.addf %add3A_1015, %get3A_1017 : vector<16xf32>
      %get3A_1019 = arith.constant 1008 : index
      %get3A_1020 = tpu.vector_load %arg56[%get3A_1019] {strides = array<i32>} : memref<2048xf32, #tpu.memory_space<vmem>>, vector<16xf32>,
      %add3A_1021 = arith.addf %add3A_1018, %get3A_1020 : vector<16xf32>
      %get3A_1022 = arith.constant 1136 : index
      %get3A_1023 = tpu.vector_load %arg56[%get3A_1022] {strides = array<i32>} : memref<2048xf32, #tpu.memory_space<vmem>>, vector<16xf32>,
      %add3A_1024 = arith.addf %add3A_1021, %get3A_1023 : vector<16xf32>
      %get3A_1025 = arith.constant 1264 : index
      %get3A_1026 = tpu.vector_load %arg56[%get3A_1025] {strides = array<i32>} : memref<2048xf32, #tpu.memory_space<vmem>>, vector<16xf32>,
      %add3A_1027 = arith.addf %add3A_1024, %get3A_1026 : vector<16xf32>
      %get3A_1028 = arith.constant 1392 : index
      %get3A_1029 = tpu.vector_load %arg56[%get3A_1028] {strides = array<i32>} : memref<2048xf32, #tpu.memory_space<vmem>>, vector<16xf32>,
      %add3A_1030 = arith.addf %add3A_1027, %get3A_1029 : vector<16xf32>
      %get3A_1031 = arith.constant 1520 : index
      %get3A_1032 = tpu.vector_load %arg56[%get3A_1031] {strides = array<i32>} : memref<2048xf32, #tpu.memory_space<vmem>>, vector<16xf32>,
      %add3A_1033 = arith.addf %add3A_1030, %get3A_1032 : vector<16xf32>
      %get3A_1034 = arith.constant 1648 : index
      %get3A_1035 = tpu.vector_load %arg56[%get3A_1034] {strides = array<i32>} : memref<2048xf32, #tpu.memory_space<vmem>>, vector<16xf32>,
      %add3A_1036 = arith.addf %add3A_1033, %get3A_1035 : vector<16xf32>
      %get3A_1037 = arith.constant 1776 : index
      %get3A_1038 = tpu.vector_load %arg56[%get3A_1037] {strides = array<i32>} : memref<2048xf32, #tpu.memory_space<vmem>>, vector<16xf32>,
      %add3A_1039 = arith.addf %add3A_1036, %get3A_1038 : vector<16xf32>
      %get3A_1040 = arith.constant 1904 : index
      %get3A_1041 = tpu.vector_load %arg56[%get3A_1040] {strides = array<i32>} : memref<2048xf32, #tpu.memory_space<vmem>>, vector<16xf32>,
      %add3A_1042 = arith.addf %add3A_1039, %get3A_1041 : vector<16xf32>
      %get3A_1043 = arith.constant 2032 : index
      %get3A_1044 = tpu.vector_load %arg56[%get3A_1043] {strides = array<i32>} : memref<2048xf32, #tpu.memory_space<vmem>>, vector<16xf32>,
      %add3A_1045 = arith.addf %add3A_1042, %get3A_1044 : vector<16xf32>
      %swap3A_1046 = arith.constant 112 : index
      %swap3A_1047 = tpu.vector_load %arg55[%swap3A_1046] {strides = array<i32>} : memref<128xf32, #tpu.memory_space<vmem>>, vector<16xf32>,
      tpu.vector_store %arg55[%swap3A_1046], %add3A_1045 {strides = array<i32>} : memref<128xf32, #tpu.memory_space<vmem>>, vector<16xf32>,
      %mul3A_1048 = arith.constant 8 : i32
      %mul3A_1049 = arith.muli %arg0, %mul3A_1048 : i32
      %mul3A_1050 = arith.constant 16 : i32
      %mul3A_1051 = arith.muli %mul3A_1049, %mul3A_1050 : i32
      "tpu.region"() ({
        %run_scoped3A = tpu.sem_alloc : memref<!tpu.dma_semaphore, #tpu.memory_space<semaphore_mem>>
        %dma_start3A_1052 = tpu.memref_slice %arg16[%mul3A_1051] : memref<256xf32, #tpu.memory_space<hbm>> -> memref<128xf32, #tpu.memory_space<hbm>>
        %dma_start3A_1053 = tpu.memref_slice %arg16[%mul3A_1051] : memref<256xf32, #tpu.memory_space<hbm>> -> memref<128xf32, #tpu.memory_space<hbm>>
        tpu.enqueue_dma source(%arg55 : memref<128xf32, #tpu.memory_space<vmem>>) target(%dma_start3A_1053 : memref<128xf32, #tpu.memory_space<hbm>>) target_semaphore(%run_scoped3A : memref<!tpu.dma_semaphore, #tpu.memory_space<semaphore_mem>>)
        %dma_wait3A_1054 = tpu.memref_slice %arg16[%mul3A_1051] : memref<256xf32, #tpu.memory_space<hbm>> -> memref<128xf32, #tpu.memory_space<hbm>>
        %dma_wait3A_1055 = tpu.memref_slice %arg16[%mul3A_1051] : memref<256xf32, #tpu.memory_space<hbm>> -> memref<128xf32, #tpu.memory_space<hbm>>
        tpu.wait_dma2 semaphore(%run_scoped3A : memref<!tpu.dma_semaphore, #tpu.memory_space<semaphore_mem>>) src(%arg55 : memref<128xf32, #tpu.memory_space<vmem>>) dst(%dma_wait3A_1055 : memref<128xf32, #tpu.memory_space<hbm>>)
        tpu.yield
      }) : () -> ()
    } else {
    }
    return
  }
}

</mosaic_0001>

<sc_bundles>
// kernel: kernel.3.cloned.1.call-start
scs
__scs_entry_jumppad:
0x0: {  	(pc) =	sbr.rel $0x88, $3  }
0x1: {  	(tag) =	ssettag $0x0;
	lr =	simm.s32 $0x1  }
0x2: {  	[smem:$0x3F9B] =	sst lr;
	_ =	strace $0xD0000000  }
0x3: {  	_ = 	snop  }
0x4: {  	_ = 	snop  }
0x5: {  	_ = 	snop  }
0x6: {  	_ = 	snop  }
0x7: {  	_ = 	snop  }
__scs_overlays_trampoline_lowered:
0x8: {  	[smem:$0x3FAA] =	sst s0  }
0x9: {  	[smem:$0x3FAB] =	sst s1  }
0xa: {  	[smem:$0x3FAC] =	sst s2  }
0xb: {  	[smem:$0x3FAD] =	sst s3  }
0xc: {  	[smem:$0x3FAE] =	sst s4  }
0xd: {  	[smem:$0x3FAF] =	sst s5  }
0xe: {  	[smem:$0x3FB0] =	sst s6  }
0xf: {  	[smem:$0x3FB1] =	sst s7  }
0x10: {  	[smem:$0x3FB2] =	sst s8  }
0x11: {  	[smem:$0x3FB3] =	sst s9;
	s0 =	simm.s32 @!p0 $0x0  }
0x12: {  	s1 =	sld [smem:$0x3F99];
	s0 =	simm.s32 @p0 $0x1  }
0x13: {  	[smem:$0x3FB4] =	sst s0;
	s0 =	simm.s32 @!p1 $0x0  }
0x14: {  	s2 =	sld [smem:$0x3F98];
	s0 =	simm.s32 @p1 $0x1  }
0x15: {  	[smem:$0x3FB5] =	sst s0;
	s0 =	simm.s32 @!p2 $0x0  }
0x16: {  	s3 =	sld [smem:$0x3FDB];
	s0 =	simm.s32 @p2 $0x1  }
0x17: {  	s4 =	simm.s32 $0x1BF5;
	[smem:$0x3FB7] =	sst s0  }
0x18: {  	s0 =	sld [smem:$0x3F9A];
	_ =	swait.ge [sflag:s4], $0x0  }
0x19: {  	s7 =	sld [smem:$0x3F9B]  }
0x1a: {  	s8 =	sadd.s32 $0xFFFFE003, lr  }
0x1b: {  	s9 =	sadd.s32 $0xFFFFFEF7, lr;
	s5 =	simm.s32 $0xFFFFFFFF;
	p2 =	slt.u32 s8, $0xFFFFF086  }
0x1c: {  	p1 =	slt.u32 s9, $0xF7A;
	s5 =	simm.s32 @!p2 $0x0  }
0x1d: {  	s5 =	simm.s32 @p1 $0x1;
	p0 =	seq.s32 s7, s2  }
0x1e: {  	s7 =	smul.u32 @!p0 $0xF7A, s2;
	p2 =	seq.s32 @!p0 s5, $0x0  }
0x1f: {  	s9 =	smul.u32 $0xF7A, s1;
	s8 =	simm.s32 @!p0 $0x1BF5;
	p2 =	por !p2, p0  }
0x20: {  	[sflag:s8] =	ssyncset.s32 @!p0 $0xFFFFF086;
	s6 =	sadd.s32 @!p0 s3, s7;
	s7 =	simm.s32 @!p0 $0x108  }
0x21: {  	s3 =	sadd.s32 s3, s9;
	s6 =	sadd.s32 @!p0 $0x88, s6;
	s7 =	simm.s32 @p2 $0x1082  }
0x22: {  	[simem:s7], [sflag:s8] =	dma.local @!p0 [hbm:s6], $0xF7A  }
0x23: {  	s9 =	sor.u32 $0xD0000000, s2;
	s6 =	simm.s32 $0x108;
	_ =	swait.ge @!p0 [sflag:s8], $0x0  }
0x24: {  	s3 =	sadd.s32 $0x88, s3;
	s6 =	simm.s32 @!p1 $0x1082;
	[sflag:s4] =	ssyncset.s32 $0xFFFFF086  }
0x25: {  	[simem:s6], [sflag:s4] =	dma.local [hbm:s3], $0xF7A  }
0x26: {  	[smem:$0x3F9B] =	sst s1;
	(tag) =	ssettag s2;
	_ =	strace s9  }
0x27: {  	s1 =	sld [smem:$0x3FAB]  }
0x28: {  	s2 =	sld [smem:$0x3FAC]  }
0x29: {  	s4 =	sld [smem:$0x3FAE]  }
0x2a: {  	p0 =	seq.s32 s5, $0x0;
	s5 =	sld [smem:$0x3FAF]  }
0x2b: {  	s6 =	sld [smem:$0x3FB0]  }
0x2c: {  	s7 =	sld [smem:$0x3FB1]  }
0x2d: {  	s3 =	simm.s32 $0x108;
	s8 =	sld [smem:$0x3FB2]  }
0x2e: {  	s3 =	simm.s32 @!p0 $0x1082;
	s9 =	sld [smem:$0x3FB3]  }
0x2f: {  	lr =	sadd.s32 s0, s3;
	s0 =	sld [smem:$0x3FAA]  }
0x30: {  	s3 =	sld [smem:$0x3FAD]  }
0x31: {  	[smem:$0x3FB6] =	sst s10  }
0x32: {  	s10 =	sld [smem:$0x3FB4];
	_ =	sdelay $0x3  }
0x33: {  	p0 =	seq.s32 s10, $0x1;
	s10 =	sld [smem:$0x3FB6];
	_ =	sdelay $0x3  }
0x34: {  	[smem:$0x3FB6] =	sst s10  }
0x35: {  	s10 =	sld [smem:$0x3FB5];
	_ =	sdelay $0x3  }
0x36: {  	p1 =	seq.s32 s10, $0x1;
	s10 =	sld [smem:$0x3FB6];
	_ =	sdelay $0x3  }
0x37: {  	[smem:$0x3FB6] =	sst s10  }
0x38: {  	s10 =	sld [smem:$0x3FB7]  }
0x39: {  	_ = 	snop;
	(pc) =	sbr.ind lr, $3  }
0x3a: {  	_ = 	snop  }
0x3b: {  	_ = 	snop  }
0x3c: {  	p2 =	seq.s32 s10, $0x1;
	s10 =	sld [smem:$0x3FB6]  }
0x3d: {  	_ =	shalt  }
0x3e: {  	_ =	shalt  }
0x3f: {  	_ =	shalt  }
0x40: {  	_ =	shalt  }
0x41: {  	_ =	shalt  }
0x42: {  	_ =	shalt  }
0x43: {  	_ =	shalt  }
0x44: {  	_ =	shalt  }
0x45: {  	_ =	shalt  }
0x46: {  	_ =	shalt  }
0x47: {  	_ =	shalt  }
0x48: {  	_ =	shalt  }
0x49: {  	_ =	shalt  }
0x4a: {  	_ =	shalt  }
0x4b: {  	_ =	shalt  }
0x4c: {  	_ =	shalt  }
0x4d: {  	_ =	shalt  }
0x4e: {  	_ =	shalt  }
0x4f: {  	_ =	shalt  }
0x50: {  	_ =	shalt  }
0x51: {  	_ =	shalt  }
0x52: {  	_ =	shalt  }
0x53: {  	_ =	shalt  }
0x54: {  	_ =	shalt  }
0x55: {  	_ =	shalt  }
0x56: {  	_ =	shalt  }
0x57: {  	_ =	shalt  }
0x58: {  	_ =	shalt  }
0x59: {  	_ =	shalt  }
0x5a: {  	_ =	shalt  }
0x5b: {  	_ =	shalt  }
0x5c: {  	_ =	shalt  }
0x5d: {  	_ =	shalt  }
0x5e: {  	_ =	shalt  }
0x5f: {  	_ =	shalt  }
0x60: {  	_ =	shalt  }
0x61: {  	_ =	shalt  }
0x62: {  	_ =	shalt  }
0x63: {  	_ =	shalt  }
0x64: {  	_ =	shalt  }
0x65: {  	_ =	shalt  }
0x66: {  	_ =	shalt  }
0x67: {  	_ =	shalt  }
0x68: {  	_ =	shalt  }
0x69: {  	_ =	shalt  }
0x6a: {  	_ =	shalt  }
0x6b: {  	_ =	shalt  }
0x6c: {  	_ =	shalt  }
0x6d: {  	_ =	shalt  }
0x6e: {  	_ =	shalt  }
0x6f: {  	_ =	shalt  }
0x70: {  	_ =	shalt  }
0x71: {  	_ =	shalt  }
0x72: {  	_ =	shalt  }
0x73: {  	_ =	shalt  }
0x74: {  	_ =	shalt  }
0x75: {  	_ =	shalt  }
0x76: {  	_ =	shalt  }
0x77: {  	_ =	shalt  }
0x78: {  	_ =	shalt  }
0x79: {  	_ =	shalt  }
0x7a: {  	_ =	shalt  }
0x7b: {  	_ =	shalt  }
0x7c: {  	_ =	shalt  }
0x7d: {  	_ =	shalt  }
0x7e: {  	_ =	shalt  }
0x7f: {  	_ =	shalt  }
0x80: {  	_ =	shalt  }
0x81: {  	_ =	shalt  }
0x82: {  	_ =	shalt  }
0x83: {  	_ =	shalt  }
0x84: {  	_ =	shalt  }
0x85: {  	_ =	shalt  }
0x86: {  	_ =	shalt  }
0x87: {  	_ =	shalt  }
.Lfunc_end0:
.L_simem_size_0:
called_computation_lowered:
.L_overlay_start_0:
0x88: {  	s2 =	sld [smem:$0x3FD9]  }
0x89: {  	s3 =	sld [smem:$0x3FFE];
	_ =	sdelay $0x1  }
0x8a: {  	s1 =	srdreg.scid  }
0x8b: {  	s0 =	sand.u32 $0x1, s1  }
0x8c: {  	s16 =	sshll.u32 s0, $0xA;
	s2 =	sadd.s32 s3, s2  }
0x8d: {  	s2 =	sadd.s32 s2, s16  }
0x8e: {  	[smem:$0x3FC2] =	sst s2  }
0x8f: {  	_ = 	snop  }
0x90: {  	(tm) =	ssettm $0x1  }
0x91: {  	s17 =	sld [smem:$0x3FFB];
	_ =	sdelay $0x3  }
0x92: {  	_ =	strace s17  }
0x93: {  	s2 =	sld [smem:$0x3FFC];
	_ =	sdelay $0x3  }
0x94: {  	_ =	strace s2  }
0x95: {  	s2 =	sld [smem:$0x3FFD];
	_ =	sdelay $0x3  }
0x96: {  	_ =	strace s2  }
0x97: {  	_ =	strace $0x8FFFFFFF  }
0x98: {  	s18 =	sld [smem:$0x3FDB];
	_ =	sdelay $0x1  }
0x99: {  	s19 =	simm.s32 $_scs_section_size  }
0x9a: {  	s4 =	simm.s32 $_size__tile_overlayer_lowered;
	s5 =	simm.s32 $_tile_overlayer_lowered  }
0x9b: {  	s22 =	simm.s32 $0x1BFF;
	s21 =	sshll.u32 s5, $0x1;
	s2 =	sadd.s32 s19, s18  }
0x9c: {  	s6 =	simm.s32 $0x0;
	s20 =	sshll.u32 s4, $0x1;
	s4 =	sadd.s32 s21, s2  }
0x9d: {  	[timem:s6], [sflag:s22] =	dma.local [hbm:s4], s20  }
0x9e: {  	_ =	swait.ge [sflag:s22], s20  }
0x9f: {  	s3 =	ssub.s32 $0x0, s20;
	[sflag:s22] =	ssyncset.done $0x0  }
0xa0: {  	[sflag:s22] =	ssyncadd.s32 s3;
	_ =	sdelay $0x1  }
0xa1: {  	s23 =	simm.s32 $0x1B8B  }
0xa2: {  	_ =	swait.ge [sflag:s23], $0x1  }
0xa3: {  	[sflag:s23] =	ssyncset.done $0x0  }
0xa4: {  	s25 =	simm.s32 $0x1B8E;
	s24 =	sld [smem:$0x3FFE];
	[sflag:s23] =	ssyncadd.s32 $0xFFFFFFFF  }
0xa5: {  	s26 =	simm.s32 $execute0_lowered;
	[smem:$0x3FD2] =	sst s25  }
0xa6: {  	s4 =	sshll.u32 s26, $0x1;
	_ =	strace $0x80000046;
	[dreg:$0x1] =	wrdreg $0xFFFFFFFF  }
0xa7: {  	s28 =	simm.s32 $_size_execute0_lowered;
	s2 =	sadd.s32 s2, s4;
	[dreg:$0x0] =	wrdreg $0x0  }
0xa8: {  	s4 =	sshll.u32 s28, $0x1;
	[dreg:$0x2] =	wrdreg s2  }
0xa9: {  	[dreg:$0x3] =	wrdreg s4  }
0xaa: {  	[dreg:$0x4] =	wrdreg $0xC0  }
0xab: {  	_ =	task [dreg:s6], $0x5FFFF  }
0xac: {  	[dreg:$0x1] =	wrdreg $0xFFFFFFFF  }
0xad: {  	[dreg:$0x0] =	wrdreg $0x60  }
0xae: {  	[dreg:$0x2] =	wrdreg s24  }
0xaf: {  	[dreg:$0x3] =	wrdreg $0x0  }
0xb0: {  	[dreg:$0x4] =	wrdreg $0x18700  }
0xb1: {  	[dreg:$0x5] =	wrdreg $0x30E00  }
0xb2: {  	[dreg:$0x6] =	wrdreg $0x49500  }
0xb3: {  	[dreg:$0x7] =	wrdreg $0x61C00  }
0xb4: {  	[dreg:$0x8] =	wrdreg $0x9  }
0xb5: {  	_ =	task.clear_ibuf [dreg:s6], $0x9FFFF;
	_ =	strace $0x90000046  }
0xb6: {  	s29 =	simm.s32 $0x9;
	_ =	strace $0x80000048  }
0xb7: {  	_ =	swait.ge [sflag:s29], $0x1  }
0xb8: {  	[sflag:s29] =	ssyncadd.s32 $0xFFFFFFFF  }
0xb9: {  	_ =	strace $0x90000048  }
0xba: {  	_ =	sfence  }
0xbb: {  	s30 =	sld [smem:$0x0];
	_ =	sdelay $0x2  }
0xbc: {  	s31 =	sshll.u32 s1, $0xD;
	s1 =	sshrl.u32 s1, $0x2  }
0xbd: {  	s3 =	sand.u32 $0x4000, s31;
	s1 =	sadd.s32 s1, s30  }
0xbe: {  	s0 =	sor.u32 s3, s0;
	s1 =	sshll.u32 s1, $0x11  }
0xbf: {  	s0 =	sor.u32 s1, s0  }
0xc0: {  	s0 =	sadd.s32 $0x8F2B, s0  }
0xc1: {  	[sflag:s0] =	ssyncadd.remote.s32 $0x1  }
0xc2: {  	_ =	sfence.sel $0xFFFF  }
0xc3: {  	[dreg:$0x0] =	wrdreg $0xFFFFFFFF;
	(pc) =	sbr.abs _section_cstart, $3  }
0xc4: {  	[dreg:$0x1] =	wrdreg $0xFFFFFFFF  }
0xc5: {  	_ =	task.clear_ibuf [dreg:s6], $0x2FFFF;
	_ =	strace $0x9FFFFFFF  }
0xc6: {  	(tm) =	ssettm $0x7FFFFFFF  }
0xc7: {  	_ =	shalt  }
tec
execute0_lowered:
.L_overlay_start_1:
0x0: {  	(tag) =	ssettag $0x1  }
0x1: {  	s14 =	rddreg [dreg:$0x0]  }
0x2: {  	s2 =	rddreg [dreg:$0x1]  }
0x3: {  	s3 =	rddreg [dreg:$0x2]  }
0x4: {  	s4 =	rddreg [dreg:$0x3]  }
0x5: {  	s5 =	rddreg [dreg:$0x4]  }
0x6: {  	s16 =	rddreg [dreg:$0x5];
	s0 =	simm.s32 $0x0  }
0x7: {  	s26 =	srdreg.scid;
	s18 =	stileid.u32;
	s28 =	simm.s32 $0x13540  }
0x8: {  	s31 =	simm.s32 $0x13640;
	[smem:$0x7FF] =	sst s0;
	s8 =	sadd.s32 $0x68000, s14  }
0x9: {  	s9 =	sadd.s32 $0x37200, s14;
	s10 =	sadd.s32 $0x6400, s14;
	s7 =	smul.u32 $0x186A0, s18  }
0xa: {  	s11 =	sadd.s32 $0xFAA00, s14;
	s12 =	sadd.s32 $0xC9C00, s14;
	s13 =	sadd.s32 $0x98E00, s14  }
0xb: {  	s17 =	sand.u32 $0x1, s26;
	p1 =	seq.s32 s18, $0x0;
	s15 =	sshrl.u32 s7, $0x3  }
0xc: {  	_ =	strace $0x80000047;
	[dreg:$0x7] =	wrdreg s17;
	s19 =	sadd.s32 s8, s15  }
0xd: {  	s0 =	sshll.u32 s17, $0x4;
	s30 =	sadd.s32 s9, s15;
	[dreg:$0x8] =	wrdreg s19  }
0xe: {  	s1 =	ssub.s32 $0x2, s17;
	s20 =	sadd.s32 s10, s15;
	[dreg:$0x9] =	wrdreg s30  }
0xf: {  	p0 =	seq.s32 s17, $0x1;
	s21 =	sadd.s32 s11, s15;
	[dreg:$0xa] =	wrdreg s20  }
0x10: {  	s29 =	sor.u32 s18, s17;
	s22 =	sadd.s32 s12, s15;
	[dreg:$0xb] =	wrdreg s21  }
0x11: {  	s0 =	sadd.s32 s0, s14;
	s23 =	sadd.s32 s13, s15;
	[dreg:$0xc] =	wrdreg s22  }
0x12: {  	s24 =	sadd.s32 $0xFA, s15;
	s0 =	sadd.s32 $0x13E400, s0;
	[dreg:$0xd] =	wrdreg s23  }
0x13: {  	p3 =	sne.s32 s17, $0x0;
	s15 =	sadd.s32 s8, s24;
	[dreg:$0x17] =	wrdreg s0  }
0x14: {  	s6 =	sshrl.u32 s1, $0x1;
	s25 =	sadd.s32 s9, s24;
	[dreg:$0xe] =	wrdreg s15  }
0x15: {  	p1 =	por !p1, !p0;
	s26 =	sadd.s32 s10, s24;
	[dreg:$0xf] =	wrdreg s25  }
0x16: {  	p2 =	sne.s32 s29, $0x0;
	s29 =	sadd.s32 s11, s24;
	[dreg:$0x10] =	wrdreg s26  }
0x17: {  	s1 =	ssub.s32 s1, s6;
	s30 =	sadd.s32 s12, s24;
	[dreg:$0x11] =	wrdreg s29  }
0x18: {  	p1 =	por !p1, !p1;
	s6 =	sadd.s32 s13, s24;
	[dreg:$0x12] =	wrdreg s30  }
0x19: {  	s19 =	sadd.s32 $0x1770, s7;
	s20 =	sshll.u32 s18, $0x7;
	[dreg:$0x13] =	wrdreg s6  }
0x1a: {  	s21 =	smax.u32 s1, $0x1;
	s0 =	simm.s32 @!p3 $0x0;
	[dreg:$0x15] =	wrdreg s19  }
0x1b: {  	s22 =	sadd.s32 $0x134E00, s14;
	s23 =	sadd.s32 $0x13B200, s14;
	[dreg:$0x18] =	wrdreg s21  }
0x1c: {  	s24 =	sadd.s32 $0x131C00, s14;
	s1 =	simm.s32 $0x13840;
	[dreg:$0x19] =	wrdreg s22  }
0x1d: {  	s15 =	sadd.s32 $0xFA0, s7;
	s6 =	sadd.s32 s20, s16;
	[dreg:$0x1a] =	wrdreg s23  }
0x1e: {  	s0 =	simm.s32 @p3 $0x1;
	p3 =	sne.s32 s18, $0x0;
	[dreg:$0x1b] =	wrdreg s24  }
0x1f: {  	s25 =	sadd.s32 $0x12EA00, s14;
	s26 =	sadd.s32 $0x138000, s14;
	[dreg:$0x14] =	wrdreg s15  }
0x20: {  	s29 =	sadd.s32 $0x12B800, s14;
	s30 =	sadd.s32 $0x3200, s14;
	[dreg:$0x16] =	wrdreg s6  }
0x21: {  	s20 =	simm.s32 $0x7D0;
	s24 =	simm.s32 $0x2;
	[smem:$0x7FC] =	sst s0  }
0x22: {  	s7 =	simm.s32 $0x8240;
	s16 =	simm.s32 $0x8A40;
	[dreg:$0x1c] =	wrdreg s25  }
.Ltmp0:
0x23: {  	s23 =	simm.s32 $0x3;
	[dreg:$0x1d] =	wrdreg s26;
	(pc) =	sbr.rel .LBB2_1-.Ltmp0, $4  }
0x24: {  	s21 =	simm.s32 $0x13240;
	s19 =	simm.s32 $0x13340;
	[dreg:$0x1e] =	wrdreg s29  }
0x25: {  	s22 =	simm.s32 $0x0;
	s0 =	simm.s32 @!p3 $0x0;
	[dreg:$0x1f] =	wrdreg s30  }
0x26: {  	v1 =	vlaneseq.u32;
	s25 =	simm.s32 $0x7A40;
	s26 =	simm.s32 $0x13440;
	s0 =	simm.s32 @p3 $0x1  }
0x27: {  	v0 =	vimm.f32 $0.0e+00;
	v2 =	vimm.f32 $1.000000000e+00;
	v1 =	vmul.u32 $0x10, v1;
	s6 =	simm.s32 $0x13740;
	s15 =	simm.s32 $0x4;
	[smem:$0x7FD] =	sst s0  }
.LBB2_9:
0x28: {  	s22 =	sadd.s32 $0x1, s22;
	s0 =	rddreg [dreg:$0x18]  }
0x29: {  	p3 =	sne.s32 s22, s0  }
.Ltmp1:
0x2a: {  	_ = 	snop;
	(pc) =	sbr.rel @!p3 .LBB2_10-.Ltmp1, $1  }
0x2b: {  	_ =	sdelay $0x3  }
.LBB2_1:
0x2c: {  	s0 =	stileid.u32  }
0x2d: {  	[smem:$0x7FB] =	sst s22;
	s0 =	sshll.u32 @!p2 s0, $0x6  }
0x2e: {  	s17 =	sshrl.u32 @!p2 s2, $0x3;
	s14 =	rddreg [dreg:$0x19];
	s0 =	sor.u32 @!p2 $0x1C05, s0  }
0x2f: {  	[spmem:s17], [sflag:s0] =	dma.local @!p2 [hbm:s14], $0x30E0  }
0x30: {  	s17 =	simm.s32 @!p2 $0x5  }
0x31: {  	_ =	swait.ge @!p2 [sflag:s17], $0x30E0  }
0x32: {  	[sflag:s17] =	ssyncset.done @!p2 $0x0  }
0x33: {  	s18 =	sshrl.u32 @!p2 s3, $0x3;
	s14 =	rddreg [dreg:$0x1d];
	[sflag:s17] =	ssyncadd.s32 @!p2 $0xFFFFCF20  }
0x34: {  	[spmem:s18], [sflag:s0] =	dma.local @!p2 [hbm:s14], $0x30E0  }
0x35: {  	_ =	swait.ge @!p2 [sflag:s17], $0x30E0  }
0x36: {  	[sflag:s17] =	ssyncset.done @!p2 $0x0  }
0x37: {  	s18 =	sshrl.u32 @!p2 s4, $0x3;
	s14 =	rddreg [dreg:$0x1a];
	[sflag:s17] =	ssyncadd.s32 @!p2 $0xFFFFCF20  }
0x38: {  	[spmem:s18], [sflag:s0] =	dma.local @!p2 [hbm:s14], $0x30E0  }
0x39: {  	_ =	swait.ge @!p2 [sflag:s17], $0x30E0  }
0x3a: {  	[sflag:s17] =	ssyncset.done @!p2 $0x0  }
0x3b: {  	[sflag:s17] =	ssyncadd.s32 @!p2 $0xFFFFCF20  }
0x3c: {  	s18 =	sshrl.u32 @!p2 s5, $0x3;
	s14 =	rddreg [dreg:$0x0]  }
0x3d: {  	[spmem:s18], [sflag:s0] =	dma.local @!p2 [hbm:s14], $0x30E0  }
0x3e: {  	_ =	swait.ge @!p2 [sflag:s17], $0x30E0  }
0x3f: {  	s0 =	sshrl.u32 @p1 s2, $0x3;
	[sflag:s17] =	ssyncset.done @!p2 $0x0  }
0x40: {  	s14 =	rddreg [dreg:$0x1b];
	[sflag:s17] =	ssyncadd.s32 @!p2 $0xFFFFCF20;
	s17 =	simm.s32 @p1 $0x1C05  }
0x41: {  	[spmem:s0], [sflag:s17] =	dma.local @p1 [hbm:s14], $0x30E0  }
0x42: {  	s0 =	simm.s32 @p1 $0x5  }
0x43: {  	_ =	swait.ge @p1 [sflag:s0], $0x30E0  }
0x44: {  	[sflag:s0] =	ssyncset.done @p1 $0x0  }
0x45: {  	s18 =	sshrl.u32 @p1 s3, $0x3;
	s14 =	rddreg [dreg:$0x1c];
	[sflag:s0] =	ssyncadd.s32 @p1 $0xFFFFCF20  }
0x46: {  	[spmem:s18], [sflag:s17] =	dma.local @p1 [hbm:s14], $0x30E0  }
0x47: {  	_ =	swait.ge @p1 [sflag:s0], $0x30E0  }
0x48: {  	[sflag:s0] =	ssyncset.done @p1 $0x0  }
0x49: {  	s18 =	sshrl.u32 @p1 s4, $0x3;
	s14 =	rddreg [dreg:$0x1e];
	[sflag:s0] =	ssyncadd.s32 @p1 $0xFFFFCF20  }
0x4a: {  	[spmem:s18], [sflag:s17] =	dma.local @p1 [hbm:s14], $0x30E0  }
0x4b: {  	_ =	swait.ge @p1 [sflag:s0], $0x30E0  }
0x4c: {  	[sflag:s0] =	ssyncset.done @p1 $0x0  }
0x4d: {  	s18 =	sshrl.u32 @p1 s5, $0x3;
	s14 =	rddreg [dreg:$0x1f];
	[sflag:s0] =	ssyncadd.s32 @p1 $0xFFFFCF20  }
0x4e: {  	[spmem:s18], [sflag:s17] =	dma.local @p1 [hbm:s14], $0x30E0  }
0x4f: {  	_ =	swait.ge @p1 [sflag:s0], $0x30E0  }
0x50: {  	[sflag:s0] =	ssyncset.done @p1 $0x0  }
0x51: {  	[sflag:s0] =	ssyncadd.s32 @p1 $0xFFFFCF20  }
0x52: {  	[bflag:$0x0] =	sbarrier.arrive $0xFFFF  }
0x53: {  	[tilespmem:$0x13240] =	vst v0  }
0x54: {  	[tilespmem:$0x13250] =	vst v0  }
0x55: {  	[tilespmem:$0x13260] =	vst v0  }
0x56: {  	[tilespmem:$0x13270] =	vst v0  }
0x57: {  	[tilespmem:$0x13280] =	vst v0  }
0x58: {  	[tilespmem:$0x13290] =	vst v0  }
0x59: {  	[tilespmem:$0x132A0] =	vst v0  }
0x5a: {  	[tilespmem:$0x132B0] =	vst v0  }
0x5b: {  	[tilespmem:$0x132C0] =	vst v0  }
0x5c: {  	[tilespmem:$0x132D0] =	vst v0  }
0x5d: {  	[tilespmem:$0x132E0] =	vst v0  }
0x5e: {  	[tilespmem:$0x132F0] =	vst v0  }
0x5f: {  	[tilespmem:$0x13300] =	vst v0  }
0x60: {  	[tilespmem:$0x13310] =	vst v0  }
0x61: {  	[tilespmem:$0x13320] =	vst v0  }
0x62: {  	[tilespmem:$0x13330] =	vst v0  }
0x63: {  	[tilespmem:$0x13340] =	vst v0  }
0x64: {  	[tilespmem:$0x13350] =	vst v0  }
0x65: {  	[tilespmem:$0x13360] =	vst v0  }
0x66: {  	[tilespmem:$0x13370] =	vst v0  }
0x67: {  	[tilespmem:$0x13380] =	vst v0  }
0x68: {  	[tilespmem:$0x13390] =	vst v0  }
0x69: {  	[tilespmem:$0x133A0] =	vst v0  }
0x6a: {  	[tilespmem:$0x133B0] =	vst v0  }
0x6b: {  	[tilespmem:$0x133C0] =	vst v0  }
0x6c: {  	[tilespmem:$0x133D0] =	vst v0  }
0x6d: {  	[tilespmem:$0x133E0] =	vst v0  }
0x6e: {  	[tilespmem:$0x133F0] =	vst v0  }
0x6f: {  	[tilespmem:$0x13400] =	vst v0  }
0x70: {  	[tilespmem:$0x13410] =	vst v0  }
0x71: {  	[tilespmem:$0x13420] =	vst v0  }
0x72: {  	[tilespmem:$0x13430] =	vst v0  }
0x73: {  	[tilespmem:$0x13440] =	vst v0  }
0x74: {  	[tilespmem:$0x13450] =	vst v0  }
0x75: {  	[tilespmem:$0x13460] =	vst v0  }
0x76: {  	[tilespmem:$0x13470] =	vst v0  }
0x77: {  	[tilespmem:$0x13480] =	vst v0  }
0x78: {  	[tilespmem:$0x13490] =	vst v0  }
0x79: {  	[tilespmem:$0x134A0] =	vst v0  }
0x7a: {  	[tilespmem:$0x134B0] =	vst v0  }
0x7b: {  	[tilespmem:$0x134C0] =	vst v0  }
0x7c: {  	[tilespmem:$0x134D0] =	vst v0  }
0x7d: {  	[tilespmem:$0x134E0] =	vst v0  }
0x7e: {  	[tilespmem:$0x134F0] =	vst v0  }
0x7f: {  	[tilespmem:$0x13500] =	vst v0  }
0x80: {  	[tilespmem:$0x13510] =	vst v0  }
0x81: {  	[tilespmem:$0x13520] =	vst v0  }
0x82: {  	[tilespmem:$0x13530] =	vst v0  }
0x83: {  	[tilespmem:$0x13540] =	vst v0  }
0x84: {  	[tilespmem:$0x13550] =	vst v0  }
0x85: {  	[tilespmem:$0x13560] =	vst v0  }
0x86: {  	[tilespmem:$0x13570] =	vst v0  }
0x87: {  	[tilespmem:$0x13580] =	vst v0  }
0x88: {  	[tilespmem:$0x13590] =	vst v0  }
0x89: {  	[tilespmem:$0x135A0] =	vst v0  }
0x8a: {  	[tilespmem:$0x135B0] =	vst v0  }
0x8b: {  	[tilespmem:$0x135C0] =	vst v0  }
0x8c: {  	[tilespmem:$0x135D0] =	vst v0  }
0x8d: {  	[tilespmem:$0x135E0] =	vst v0  }
0x8e: {  	[tilespmem:$0x135F0] =	vst v0  }
0x8f: {  	[tilespmem:$0x13600] =	vst v0  }
0x90: {  	[tilespmem:$0x13610] =	vst v0  }
0x91: {  	[tilespmem:$0x13620] =	vst v0  }
0x92: {  	[tilespmem:$0x13630] =	vst v0  }
0x93: {  	[tilespmem:$0x13640] =	vst v0  }
0x94: {  	[tilespmem:$0x13650] =	vst v0  }
0x95: {  	[tilespmem:$0x13660] =	vst v0  }
0x96: {  	[tilespmem:$0x13670] =	vst v0  }
0x97: {  	[tilespmem:$0x13680] =	vst v0  }
0x98: {  	[tilespmem:$0x13690] =	vst v0  }
0x99: {  	[tilespmem:$0x136A0] =	vst v0  }
0x9a: {  	[tilespmem:$0x136B0] =	vst v0  }
0x9b: {  	[tilespmem:$0x136C0] =	vst v0  }
0x9c: {  	[tilespmem:$0x136D0] =	vst v0  }
0x9d: {  	[tilespmem:$0x136E0] =	vst v0  }
0x9e: {  	[tilespmem:$0x136F0] =	vst v0  }
0x9f: {  	[tilespmem:$0x13700] =	vst v0  }
0xa0: {  	[tilespmem:$0x13710] =	vst v0  }
0xa1: {  	[tilespmem:$0x13720] =	vst v0  }
0xa2: {  	[tilespmem:$0x13730] =	vst v0  }
0xa3: {  	[tilespmem:$0x13740] =	vst v0  }
0xa4: {  	[tilespmem:$0x13750] =	vst v0  }
0xa5: {  	[tilespmem:$0x13760] =	vst v0  }
0xa6: {  	[tilespmem:$0x13770] =	vst v0  }
0xa7: {  	[tilespmem:$0x13780] =	vst v0  }
0xa8: {  	[tilespmem:$0x13790] =	vst v0  }
0xa9: {  	[tilespmem:$0x137A0] =	vst v0  }
0xaa: {  	[tilespmem:$0x137B0] =	vst v0  }
0xab: {  	[tilespmem:$0x137C0] =	vst v0  }
0xac: {  	[tilespmem:$0x137D0] =	vst v0  }
0xad: {  	[tilespmem:$0x137E0] =	vst v0  }
0xae: {  	[tilespmem:$0x137F0] =	vst v0  }
0xaf: {  	[tilespmem:$0x13800] =	vst v0  }
0xb0: {  	[tilespmem:$0x13810] =	vst v0  }
0xb1: {  	[tilespmem:$0x13820] =	vst v0  }
0xb2: {  	[tilespmem:$0x13830] =	vst v0  }
0xb3: {  	[tilespmem:$0x13840] =	vst v0  }
0xb4: {  	[tilespmem:$0x13850] =	vst v0  }
0xb5: {  	[tilespmem:$0x13860] =	vst v0  }
0xb6: {  	[tilespmem:$0x13870] =	vst v0  }
0xb7: {  	[tilespmem:$0x13880] =	vst v0  }
0xb8: {  	[tilespmem:$0x13890] =	vst v0  }
0xb9: {  	[tilespmem:$0x138A0] =	vst v0  }
0xba: {  	[tilespmem:$0x138B0] =	vst v0  }
0xbb: {  	[tilespmem:$0x138C0] =	vst v0  }
0xbc: {  	[tilespmem:$0x138D0] =	vst v0  }
0xbd: {  	[tilespmem:$0x138E0] =	vst v0  }
0xbe: {  	[tilespmem:$0x138F0] =	vst v0;
	s22 =	sld [smem:$0x7FC]  }
0xbf: {  	[tilespmem:$0x13900] =	vst v0  }
0xc0: {  	[tilespmem:$0x13910] =	vst v0  }
0xc1: {  	[tilespmem:$0x13920] =	vst v0;
	p3 =	seq.s32 s22, $0x1  }
0xc2: {  	[tilespmem:$0x13930] =	vst v0;
	s14 =	rddreg [dreg:$0x8];
	s0 =	simm.s32 @!p3 $0x0;
	s17 =	simm.s32 @!p3 $0x6240  }
0xc3: {  	[tilespmem:s17], [sflag:$0x1] =	stream.linear.gather @!p3 [hbm4b:s14+s0], $0x7D0, $0x38;
	[tilespmem:$0x141C0] =	vst v63  }
0xc4: {  	s17 =	simm.s32 @!p3 $0x6A40;
	s14 =	rddreg [dreg:$0x9]  }
0xc5: {  	[tilespmem:s17], [sflag:$0x1] =	stream.linear.gather @!p3 [hbm4b:s14+s0], $0x7D0, $0x38;
	[tilespmem:$0x141C0] =	vst v63  }
0xc6: {  	s17 =	simm.s32 @!p3 $0x7240;
	s14 =	rddreg [dreg:$0xa]  }
0xc7: {  	[tilespmem:s17], [sflag:$0x1] =	stream.linear.gather @!p3 [hbm4b:s14+s0], $0x7D0, $0x38;
	[tilespmem:$0x141C0] =	vst v63  }
0xc8: {  	s18 =	simm.s32 @p0 $0x6240;
	s17 =	simm.s32 @p0 $0x0;
	s14 =	rddreg [dreg:$0xb]  }
0xc9: {  	[tilespmem:s18], [sflag:$0x1] =	stream.linear.gather @p0 [hbm4b:s14+s17], $0x7D0, $0x38;
	[tilespmem:$0x141C0] =	vst v63  }
0xca: {  	s18 =	simm.s32 @p0 $0x6A40;
	s14 =	rddreg [dreg:$0xc]  }
0xcb: {  	[tilespmem:s18], [sflag:$0x1] =	stream.linear.gather @p0 [hbm4b:s14+s17], $0x7D0, $0x38;
	[tilespmem:$0x141C0] =	vst v63  }
0xcc: {  	s29 =	simm.s32 $0x1;
	s18 =	simm.s32 @p0 $0x7240;
	s14 =	rddreg [dreg:$0xd]  }
0xcd: {  	[tilespmem:s18], [sflag:$0x1] =	stream.linear.gather @p0 [hbm4b:s14+s17], $0x7D0, $0x38;
	[tilespmem:$0x141C0] =	vst v63  }
0xce: {  	_ =	swait.ge [sflag:s29], $0x7D0  }
0xcf: {  	[sflag:s29] =	ssyncset.done $0x0  }
0xd0: {  	[sflag:s29] =	ssyncadd.s32 $0xFFFFF830  }
0xd1: {  	_ =	swait.ge [sflag:s29], $0x7D0  }
0xd2: {  	[sflag:s29] =	ssyncset.done $0x0  }
0xd3: {  	[sflag:s29] =	ssyncadd.s32 $0xFFFFF830  }
0xd4: {  	_ =	swait.ge [sflag:s29], $0x7D0  }
0xd5: {  	[sflag:s29] =	ssyncset.done $0x0  }
0xd6: {  	s30 =	simm.s32 $0x9240;
	s14 =	simm.s32 $0x6240;
	[sflag:s29] =	ssyncadd.s32 $0xFFFFF830  }
0xd7: {  	[tilespmem:s30], [sflag:$0x3] =	stream.indirect.gather [spmem:s2], $0x1, s14, s20, $0xb8;
	[tilespmem:$0x141C0] =	vst v63  }
0xd8: {  	s22 =	simm.s32 $0x9A40  }
0xd9: {  	[tilespmem:s22], [sflag:$0x3] =	stream.indirect.gather [spmem:s3], $0x1, s14, s20, $0xb8;
	[tilespmem:$0x141C0] =	vst v63  }
0xda: {  	s29 =	simm.s32 $0xA240  }
0xdb: {  	[tilespmem:s29], [sflag:$0x3] =	stream.indirect.gather [spmem:s4], $0x1, s14, s20, $0xb8;
	[tilespmem:$0x141C0] =	vst v63  }
0xdc: {  	s30 =	simm.s32 $0xAA40  }
0xdd: {  	[tilespmem:s30], [sflag:$0x3] =	stream.indirect.gather [spmem:s5], $0x1, s14, s20, $0xb8;
	[tilespmem:$0x141C0] =	vst v63  }
0xde: {  	s22 =	simm.s32 $0xB240;
	s14 =	simm.s32 $0x6A40  }
0xdf: {  	[tilespmem:s22], [sflag:$0x3] =	stream.indirect.gather [spmem:s2], $0x1, s14, s20, $0xb8;
	[tilespmem:$0x141C0] =	vst v63  }
0xe0: {  	s29 =	simm.s32 $0xBA40  }
0xe1: {  	[tilespmem:s29], [sflag:$0x3] =	stream.indirect.gather [spmem:s3], $0x1, s14, s20, $0xb8;
	[tilespmem:$0x141C0] =	vst v63  }
0xe2: {  	s30 =	simm.s32 $0xC240  }
0xe3: {  	[tilespmem:s30], [sflag:$0x3] =	stream.indirect.gather [spmem:s4], $0x1, s14, s20, $0xb8;
	[tilespmem:$0x141C0] =	vst v63  }
0xe4: {  	s22 =	simm.s32 $0xCA40;
	s14 =	simm.s32 $0x7240  }
0xe5: {  	[tilespmem:s22], [sflag:$0x3] =	stream.indirect.gather [spmem:s2], $0x1, s14, s20, $0xb8;
	[tilespmem:$0x141C0] =	vst v63  }
0xe6: {  	s29 =	simm.s32 $0xD240  }
0xe7: {  	[tilespmem:s29], [sflag:$0x3] =	stream.indirect.gather [spmem:s3], $0x1, s14, s20, $0xb8;
	[tilespmem:$0x141C0] =	vst v63  }
0xe8: {  	s30 =	simm.s32 $0xDA40  }
0xe9: {  	[tilespmem:s30], [sflag:$0x3] =	stream.indirect.gather [spmem:s4], $0x1, s14, s20, $0xb8;
	[tilespmem:$0x141C0] =	vst v63  }
0xea: {  	s18 =	simm.s32 @!p3 $0x7A40;
	s14 =	rddreg [dreg:$0xe]  }
0xeb: {  	[tilespmem:s18], [sflag:$0x2] =	stream.linear.gather @!p3 [hbm4b:s14+s0], $0x7D0, $0x38;
	[tilespmem:$0x141C0] =	vst v63  }
0xec: {  	s18 =	simm.s32 @!p3 $0x8240;
	s14 =	rddreg [dreg:$0xf]  }
0xed: {  	[tilespmem:s18], [sflag:$0x2] =	stream.linear.gather @!p3 [hbm4b:s14+s0], $0x7D0, $0x38;
	[tilespmem:$0x141C0] =	vst v63  }
0xee: {  	s18 =	simm.s32 @!p3 $0x8A40;
	s14 =	rddreg [dreg:$0x10]  }
0xef: {  	[tilespmem:s18], [sflag:$0x2] =	stream.linear.gather @!p3 [hbm4b:s14+s0], $0x7D0, $0x38;
	[tilespmem:$0x141C0] =	vst v63  }
0xf0: {  	s0 =	simm.s32 @p0 $0x7A40;
	s14 =	rddreg [dreg:$0x11]  }
0xf1: {  	[tilespmem:s0], [sflag:$0x2] =	stream.linear.gather @p0 [hbm4b:s14+s17], $0x7D0, $0x38;
	[tilespmem:$0x141C0] =	vst v63  }
0xf2: {  	s0 =	simm.s32 @p0 $0x8240;
	s14 =	rddreg [dreg:$0x12]  }
0xf3: {  	[tilespmem:s0], [sflag:$0x2] =	stream.linear.gather @p0 [hbm4b:s14+s17], $0x7D0, $0x38;
	[tilespmem:$0x141C0] =	vst v63  }
0xf4: {  	s0 =	simm.s32 @p0 $0x8A40;
	s14 =	rddreg [dreg:$0x13]  }
0xf5: {  	[tilespmem:s0], [sflag:$0x2] =	stream.linear.gather @p0 [hbm4b:s14+s17], $0x7D0, $0x38;
	[tilespmem:$0x141C0] =	vst v63  }
0xf6: {  	s0 =	simm.s32 $0x0  }
.LBB2_2:
0xf7: {  	_ =	swait.ge [sflag:s24], $0x7D0  }
0xf8: {  	[sflag:s24] =	ssyncset.done $0x0  }
0xf9: {  	[sflag:s24] =	ssyncadd.s32 $0xFFFFF830  }
0xfa: {  	_ =	swait.ge [sflag:s24], $0x7D0  }
0xfb: {  	[sflag:s24] =	ssyncset.done $0x0  }
0xfc: {  	[sflag:s24] =	ssyncadd.s32 $0xFFFFF830  }
0xfd: {  	_ =	swait.ge [sflag:s24], $0x7D0  }
0xfe: {  	[sflag:s24] =	ssyncset.done $0x0  }
0xff: {  	s14 =	simm.s32 $0xE240;
	[sflag:s24] =	ssyncadd.s32 $0xFFFFF830  }
0x100: {  	[tilespmem:s14], [sflag:$0x4] =	stream.indirect.gather [spmem:s2], $0x1, s25, s20, $0xb8;
	[tilespmem:$0x141C0] =	vst v63  }
0x101: {  	s17 =	simm.s32 $0xEA40  }
0x102: {  	[tilespmem:s17], [sflag:$0x4] =	stream.indirect.gather [spmem:s3], $0x1, s25, s20, $0xb8;
	[tilespmem:$0x141C0] =	vst v63  }
0x103: {  	s18 =	simm.s32 $0xF240  }
0x104: {  	[tilespmem:s18], [sflag:$0x4] =	stream.indirect.gather [spmem:s4], $0x1, s25, s20, $0xb8;
	[tilespmem:$0x141C0] =	vst v63  }
0x105: {  	s22 =	simm.s32 $0xFA40  }
0x106: {  	[tilespmem:s22], [sflag:$0x4] =	stream.indirect.gather [spmem:s5], $0x1, s25, s20, $0xb8;
	[tilespmem:$0x141C0] =	vst v63  }
0x107: {  	s29 =	simm.s32 $0x10240  }
0x108: {  	[tilespmem:s29], [sflag:$0x4] =	stream.indirect.gather [spmem:s2], $0x1, s7, s20, $0xb8;
	[tilespmem:$0x141C0] =	vst v63  }
0x109: {  	s30 =	simm.s32 $0x10A40  }
0x10a: {  	[tilespmem:s30], [sflag:$0x4] =	stream.indirect.gather [spmem:s3], $0x1, s7, s20, $0xb8;
	[tilespmem:$0x141C0] =	vst v63  }
0x10b: {  	s17 =	simm.s32 $0x11240  }
0x10c: {  	[tilespmem:s17], [sflag:$0x4] =	stream.indirect.gather [spmem:s4], $0x1, s7, s20, $0xb8;
	[tilespmem:$0x141C0] =	vst v63  }
0x10d: {  	s18 =	simm.s32 $0x11A40  }
0x10e: {  	[tilespmem:s18], [sflag:$0x4] =	stream.indirect.gather [spmem:s2], $0x1, s16, s20, $0xb8;
	[tilespmem:$0x141C0] =	vst v63  }
0x10f: {  	s22 =	simm.s32 $0x12240  }
0x110: {  	[tilespmem:s22], [sflag:$0x4] =	stream.indirect.gather [spmem:s3], $0x1, s16, s20, $0xb8;
	[tilespmem:$0x141C0] =	vst v63  }
0x111: {  	s29 =	simm.s32 $0x12A40  }
0x112: {  	[tilespmem:s29], [sflag:$0x4] =	stream.indirect.gather [spmem:s4], $0x1, s16, s20, $0xb8;
	[tilespmem:$0x141C0] =	vst v63  }
0x113: {  	_ =	swait.ge [sflag:s23], $0x7D0  }
0x114: {  	[sflag:s23] =	ssyncset.done $0x0  }
0x115: {  	[sflag:s23] =	ssyncadd.s32 $0xFFFFF830  }
0x116: {  	_ =	swait.ge [sflag:s23], $0x7D0  }
0x117: {  	[sflag:s23] =	ssyncset.done $0x0  }
0x118: {  	[sflag:s23] =	ssyncadd.s32 $0xFFFFF830  }
0x119: {  	_ =	swait.ge [sflag:s23], $0x7D0  }
0x11a: {  	[sflag:s23] =	ssyncset.done $0x0  }
0x11b: {  	[sflag:s23] =	ssyncadd.s32 $0xFFFFF830  }
0x11c: {  	_ =	swait.ge [sflag:s23], $0x7D0  }
0x11d: {  	[sflag:s23] =	ssyncset.done $0x0  }
0x11e: {  	[sflag:s23] =	ssyncadd.s32 $0xFFFFF830  }
0x11f: {  	_ =	swait.ge [sflag:s23], $0x7D0  }
0x120: {  	[sflag:s23] =	ssyncset.done $0x0  }
0x121: {  	[sflag:s23] =	ssyncadd.s32 $0xFFFFF830  }
0x122: {  	_ =	swait.ge [sflag:s23], $0x7D0  }
0x123: {  	[sflag:s23] =	ssyncset.done $0x0  }
0x124: {  	[sflag:s23] =	ssyncadd.s32 $0xFFFFF830  }
0x125: {  	_ =	swait.ge [sflag:s23], $0x7D0  }
0x126: {  	[sflag:s23] =	ssyncset.done $0x0  }
0x127: {  	[sflag:s23] =	ssyncadd.s32 $0xFFFFF830  }
0x128: {  	_ =	swait.ge [sflag:s23], $0x7D0  }
0x129: {  	[sflag:s23] =	ssyncset.done $0x0  }
0x12a: {  	[sflag:s23] =	ssyncadd.s32 $0xFFFFF830  }
0x12b: {  	_ =	swait.ge [sflag:s23], $0x7D0  }
0x12c: {  	[sflag:s23] =	ssyncset.done $0x0  }
0x12d: {  	[sflag:s23] =	ssyncadd.s32 $0xFFFFF830  }
0x12e: {  	p3 =	seq.s32 s0, $0x18;
	_ =	swait.ge [sflag:s23], $0x7D0  }
0x12f: {  	s17 =	smul.u32 @!p3 $0xFA0, s0;
	s14 =	rddreg [dreg:$0x7]  }
0x130: {  	p4 =	sne.s32 @!p3 s14, $0x0;
	s14 =	rddreg [dreg:$0x14]  }
0x131: {  	[sflag:s23] =	ssyncset.done $0x0;
	s18 =	sadd.s32 @!p3 s17, s14;
	p5 =	por p4, p3  }
0x132: {  	[sflag:s23] =	ssyncadd.s32 $0xFFFFF830;
	s22 =	sshrl.u32 @!p5 s18, $0x3  }
0x133: {  	s29 =	simm.s32 @!p5 $0x0;
	s30 =	simm.s32 @!p5 $0x6240;
	s14 =	sadd.s32 @!p5 s8, s22  }
0x134: {  	[tilespmem:s30], [sflag:$0x1] =	stream.linear.gather @!p5 [hbm4b:s14+s29], $0x7D0, $0x38;
	[tilespmem:$0x141C0] =	vst v63  }
0x135: {  	s14 =	sadd.s32 @!p5 s9, s22;
	s30 =	simm.s32 @!p5 $0x6A40  }
0x136: {  	[tilespmem:s30], [sflag:$0x1] =	stream.linear.gather @!p5 [hbm4b:s14+s29], $0x7D0, $0x38;
	[tilespmem:$0x141C0] =	vst v63  }
0x137: {  	p6 =	por !p0, p3;
	s14 =	sadd.s32 @!p5 s10, s22;
	s22 =	simm.s32 @!p5 $0x7240  }
0x138: {  	[tilespmem:s22], [sflag:$0x1] =	stream.linear.gather @!p5 [hbm4b:s14+s29], $0x7D0, $0x38;
	[tilespmem:$0x141C0] =	vst v63  }
0x139: {  	s14 =	sshrl.u32 @!p6 s18, $0x3  }
0x13a: {  	s22 =	simm.s32 @!p6 $0x0;
	s29 =	simm.s32 @!p6 $0x6240;
	s18 =	sadd.s32 @!p6 s11, s14  }
0x13b: {  	[tilespmem:s29], [sflag:$0x1] =	stream.linear.gather @!p6 [hbm4b:s18+s22], $0x7D0, $0x38;
	[tilespmem:$0x141C0] =	vst v63  }
0x13c: {  	s18 =	sadd.s32 @!p6 s12, s14;
	s29 =	simm.s32 @!p6 $0x6A40  }
0x13d: {  	[tilespmem:s29], [sflag:$0x1] =	stream.linear.gather @!p6 [hbm4b:s18+s22], $0x7D0, $0x38;
	[tilespmem:$0x141C0] =	vst v63  }
0x13e: {  	s30 =	simm.s32 $0x0;
	s14 =	sadd.s32 @!p6 s13, s14;
	s18 =	simm.s32 @!p6 $0x7240  }
0x13f: {  	[tilespmem:s18], [sflag:$0x1] =	stream.linear.gather @!p6 [hbm4b:s14+s22], $0x7D0, $0x38;
	[tilespmem:$0x141C0] =	vst v63  }
0x140: {  	v3 =	vld [tilespmem:s30+$0x9240]  }
0x141: {  	v4 =	vld [tilespmem:s30+$0xDA40]  }
0x142: {  	v5 =	vld [tilespmem:s30+$0xBA40]  }
0x143: {  	v6 =	vld [tilespmem:s30+$0xB240]  }
0x144: {  	v7 =	vld [tilespmem:s30+$0xD240]  }
0x145: {  	v8 =	vld [tilespmem:s30+$0xC240]  }
0x146: {  	v9 =	vld [tilespmem:s30+$0xA240]  }
0x147: {  	v10 =	vld [tilespmem:s30+$0x9A40]  }
0x148: {  	v11 =	vld [tilespmem:s30+$0xCA40];
	_ =	sdelay $0x2  }
0x149: {  	v8 =	vsub.f32 v8, v9;
	v4 =	vsub.f32 v4, v9  }
0x14a: {  	v6 =	vsub.f32 v6, v3;
	v5 =	vsub.f32 v5, v10  }
0x14b: {  	v3 =	vsub.f32 v11, v3;
	v7 =	vsub.f32 v7, v10  }
0x14c: {  	v9 =	vmul.f32 v4, v5;
	v61 =	vmul.f32 v4, v6  }
0x14d: {  	v4 =	vmul.f32 v7, v8;
	v8 =	vmul.f32 v3, v8  }
0x14e: {  	v6 =	vmul.f32 v7, v6  }
0x14f: {  	v3 =	vmul.f32 v3, v5;
	v4 =	vsub.f32 v9, v4;
	v5 =	vsub.f32 v8, v61;
	_ =	sdelay $0x1  }
0x150: {  	v3 =	vsub.f32 v6, v3;
	v6 =	vmul.f32 v4, v4;
	v7 =	vmul.f32 v5, v5;
	_ =	sdelay $0x1  }
0x151: {  	v6 =	vadd.f32 v7, v6;
	v7 =	vmul.f32 v3, v3;
	_ =	sdelay $0x1  }
0x152: {  	v6 =	vadd.f32 v6, v7;
	_ =	sdelay $0x1  }
0x153: {  	v7 =	vshrl.u32 v6, $0x1;
	v8 =	vmul.f32 $5.000000000e-01, v6  }
0x154: {  	v7 =	vsub.s32 $0x5F3759DF, v7  }
0x155: {  	v62 =	vmul.f32 v7, v8;
	_ =	sdelay $0x1  }
0x156: {  	v9 =	vmul.f32 v7, v62;
	_ =	sdelay $0x1  }
0x157: {  	v9 =	vsub.f32 $1.500000000e+00, v9;
	_ =	sdelay $0x1  }
0x158: {  	v7 =	vmul.f32 v7, v9;
	_ =	sdelay $0x1  }
0x159: {  	v9 =	vmul.f32 v7, v8;
	_ =	sdelay $0x1  }
0x15a: {  	v9 =	vmul.f32 v9, v7;
	_ =	sdelay $0x1  }
0x15b: {  	v9 =	vsub.f32 $1.500000000e+00, v9;
	_ =	sdelay $0x1  }
0x15c: {  	v7 =	vmul.f32 v9, v7;
	_ =	sdelay $0x1  }
0x15d: {  	v8 =	vmul.f32 v7, v8;
	_ =	sdelay $0x1  }
0x15e: {  	v8 =	vmul.f32 v8, v7;
	_ =	sdelay $0x1  }
0x15f: {  	v8 =	vsub.f32 $1.500000000e+00, v8;
	_ =	sdelay $0x1  }
0x160: {  	v7 =	vmul.f32 v8, v7;
	_ =	sdelay $0x1  }
0x161: {  	v6 =	vmul.f32 v7, v6;
	_ =	sdelay $0x1  }
0x162: {  	v63 =	vld [tilespmem:s30+$0xAA40];
	v6 =	vadd.f32 $9.999999930e-09, v6;
	_ =	sdelay $0x1  }
0x163: {  	(erf) = vrcp.f32 v6;
	_ =	sdelay $0x2  }
0x164: {  	v7 =	vtrunc.f32 v63  }
0x165: {  	v7 =	vcvt.f32.s32 v7;
	_ =	sdelay $0x1  }
0x166: {  	s18 =	simm.s32 $0x40;
	v6 =	vadd.s32 v1, v7  }
.LBB2_3:
0x167: {  	_ =	sdelay $0x1  }
0x168: {  	p4 =	sne.s32 s18, $0x1F00;
	s14 =	smov.u32 s18;
	s18 =	sadd.s32 $0x40, s18;
	v7 =	vpop (erf)  }
0x169: {  	v4 =	vmul.f32 v7, v4;
	v5 =	vmul.f32 v7, v5  }
0x16a: {  	v3 =	vmul.f32 v7, v3;
	[tilespmem:v6+s21+$0x0] =	vst.idx.add.f32.msk $0xffff, v2  }
0x16b: {  	[tilespmem:v6+s19+$0x0] =	vst.idx.add.f32.msk $0xffff, v4  }
0x16c: {  	v4 =	vmul.f32 v4, v4;
	[tilespmem:v6+s26+$0x0] =	vst.idx.add.f32.msk $0xffff, v5  }
0x16d: {  	v5 =	vmul.f32 v5, v5;
	[tilespmem:v6+s28+$0x0] =	vst.idx.add.f32.msk $0xffff, v3  }
0x16e: {  	v3 =	vmul.f32 v3, v3;
	[tilespmem:v6+s31+$0x0] =	vst.idx.add.f32.msk $0xffff, v4  }
0x16f: {  	[tilespmem:v6+s6+$0x0] =	vst.idx.add.f32.msk $0xffff, v5  }
0x170: {  	s22 =	sshra.s32 s14, $0x2;
	[tilespmem:v6+s1+$0x0] =	vst.idx.add.f32.msk $0xffff, v3  }
0x171: {  	v3 =	vld [tilespmem:s22+$0x9240]  }
0x172: {  	v4 =	vld [tilespmem:s22+$0xDA40]  }
0x173: {  	v5 =	vld [tilespmem:s22+$0xBA40]  }
0x174: {  	v6 =	vld [tilespmem:s22+$0xB240]  }
0x175: {  	v7 =	vld [tilespmem:s22+$0xD240]  }
0x176: {  	v8 =	vld [tilespmem:s22+$0xC240]  }
0x177: {  	v9 =	vld [tilespmem:s22+$0xA240]  }
0x178: {  	v10 =	vld [tilespmem:s22+$0x9A40]  }
0x179: {  	v11 =	vld [tilespmem:s22+$0xCA40];
	_ =	sdelay $0x2  }
0x17a: {  	v8 =	vsub.f32 v8, v9;
	v4 =	vsub.f32 v4, v9  }
0x17b: {  	v6 =	vsub.f32 v6, v3;
	v5 =	vsub.f32 v5, v10  }
0x17c: {  	v7 =	vsub.f32 v7, v10;
	v3 =	vsub.f32 v11, v3  }
0x17d: {  	v10 =	vmul.f32 v4, v6;
	v9 =	vmul.f32 v4, v5  }
0x17e: {  	v4 =	vmul.f32 v7, v8;
	v8 =	vmul.f32 v3, v8  }
0x17f: {  	v6 =	vmul.f32 v7, v6;
	v3 =	vmul.f32 v3, v5  }
0x180: {  	v4 =	vsub.f32 v9, v4;
	v5 =	vsub.f32 v8, v10  }
0x181: {  	v3 =	vsub.f32 v6, v3  }
0x182: {  	v6 =	vmul.f32 v4, v4;
	v7 =	vmul.f32 v5, v5;
	_ =	sdelay $0x1  }
0x183: {  	v6 =	vadd.f32 v7, v6;
	v7 =	vmul.f32 v3, v3;
	_ =	sdelay $0x1  }
0x184: {  	v6 =	vadd.f32 v6, v7;
	_ =	sdelay $0x1  }
0x185: {  	v7 =	vshrl.u32 v6, $0x1;
	v8 =	vmul.f32 $5.000000000e-01, v6  }
0x186: {  	v7 =	vsub.s32 $0x5F3759DF, v7  }
0x187: {  	v9 =	vmul.f32 v7, v8;
	_ =	sdelay $0x1  }
0x188: {  	v9 =	vmul.f32 v7, v9;
	_ =	sdelay $0x1  }
0x189: {  	v9 =	vsub.f32 $1.500000000e+00, v9;
	_ =	sdelay $0x1  }
0x18a: {  	v7 =	vmul.f32 v7, v9;
	_ =	sdelay $0x1  }
0x18b: {  	v9 =	vmul.f32 v7, v8;
	_ =	sdelay $0x1  }
0x18c: {  	v9 =	vmul.f32 v9, v7;
	_ =	sdelay $0x1  }
0x18d: {  	v9 =	vsub.f32 $1.500000000e+00, v9;
	_ =	sdelay $0x1  }
0x18e: {  	v7 =	vmul.f32 v9, v7;
	_ =	sdelay $0x1  }
0x18f: {  	v8 =	vmul.f32 v7, v8;
	_ =	sdelay $0x1  }
0x190: {  	v8 =	vmul.f32 v8, v7;
	_ =	sdelay $0x1  }
0x191: {  	v8 =	vsub.f32 $1.500000000e+00, v8;
	_ =	sdelay $0x1  }
0x192: {  	v7 =	vmul.f32 v8, v7;
	_ =	sdelay $0x1  }
0x193: {  	v6 =	vmul.f32 v7, v6;
	_ =	sdelay $0x1  }
0x194: {  	v6 =	vadd.f32 $9.999999930e-09, v6;
	v7 =	vld [tilespmem:s22+$0xAA40];
	_ =	sdelay $0x1  }
0x195: {  	(erf) = vrcp.f32 v6;
	_ =	sdelay $0x1  }
.Ltmp2:
0x196: {  	(pc) =	sbr.rel @p4 .LBB2_3-.Ltmp2, $3  }
0x197: {  	v6 =	vtrunc.f32 v7  }
0x198: {  	v6 =	vcvt.f32.s32 v6;
	_ =	sdelay $0x1  }
0x199: {  	v6 =	vadd.s32 v1, v6  }
0x19a: {  	_ =	sdelay $0x1  }
0x19b: {  	v7 =	vpop (erf)  }
0x19c: {  	v4 =	vmul.f32 v7, v4  }
0x19d: {  	[tilespmem:v6+s21+$0x0] =	vst.idx.add.f32.msk $0xffff, v2;
	v5 =	vmul.f32 v7, v5  }
0x19e: {  	v3 =	vmul.f32 v7, v3;
	[tilespmem:v6+s19+$0x0] =	vst.idx.add.f32.msk $0xffff, v4  }
0x19f: {  	v4 =	vmul.f32 v4, v4;
	[tilespmem:v6+s26+$0x0] =	vst.idx.add.f32.msk $0xffff, v5  }
0x1a0: {  	v5 =	vmul.f32 v5, v5;
	[tilespmem:v6+s28+$0x0] =	vst.idx.add.f32.msk $0xffff, v3  }
0x1a1: {  	v3 =	vmul.f32 v3, v3;
	[tilespmem:v6+s31+$0x0] =	vst.idx.add.f32.msk $0xffff, v4  }
0x1a2: {  	[tilespmem:v6+s6+$0x0] =	vst.idx.add.f32.msk $0xffff, v5  }
0x1a3: {  	s14 =	simm.s32 @!p3 $0x1;
	[tilespmem:v6+s1+$0x0] =	vst.idx.add.f32.msk $0xffff, v3  }
0x1a4: {  	_ =	swait.ge @!p3 [sflag:s14], $0x7D0  }
0x1a5: {  	[sflag:s14] =	ssyncset.done @!p3 $0x0  }
0x1a6: {  	[sflag:s14] =	ssyncadd.s32 @!p3 $0xFFFFF830  }
0x1a7: {  	_ =	swait.ge @!p3 [sflag:s14], $0x7D0  }
0x1a8: {  	[sflag:s14] =	ssyncset.done @!p3 $0x0  }
0x1a9: {  	[sflag:s14] =	ssyncadd.s32 @!p3 $0xFFFFF830  }
0x1aa: {  	_ =	swait.ge @!p3 [sflag:s14], $0x7D0  }
0x1ab: {  	s18 =	simm.s32 @!p3 $0x6240;
	[sflag:s14] =	ssyncset.done @!p3 $0x0  }
0x1ac: {  	s22 =	simm.s32 @!p3 $0x9240;
	[sflag:s14] =	ssyncadd.s32 @!p3 $0xFFFFF830;
	s14 =	simm.s32 @!p3 $0x7D0  }
0x1ad: {  	[tilespmem:s22], [sflag:$0x3] =	stream.indirect.gather @!p3 [spmem:s2], $0x1, s18, s14, $0xb8;
	[tilespmem:$0x141C0] =	vst v63  }
0x1ae: {  	s22 =	simm.s32 @!p3 $0x9A40  }
0x1af: {  	[tilespmem:s22], [sflag:$0x3] =	stream.indirect.gather @!p3 [spmem:s3], $0x1, s18, s14, $0xb8;
	[tilespmem:$0x141C0] =	vst v63  }
0x1b0: {  	s22 =	simm.s32 @!p3 $0xA240  }
0x1b1: {  	[tilespmem:s22], [sflag:$0x3] =	stream.indirect.gather @!p3 [spmem:s4], $0x1, s18, s14, $0xb8;
	[tilespmem:$0x141C0] =	vst v63  }
0x1b2: {  	s22 =	simm.s32 @!p3 $0xAA40  }
0x1b3: {  	[tilespmem:s22], [sflag:$0x3] =	stream.indirect.gather @!p3 [spmem:s5], $0x1, s18, s14, $0xb8;
	[tilespmem:$0x141C0] =	vst v63  }
0x1b4: {  	s18 =	simm.s32 @!p3 $0x6A40;
	s22 =	simm.s32 @!p3 $0xB240  }
0x1b5: {  	[tilespmem:s22], [sflag:$0x3] =	stream.indirect.gather @!p3 [spmem:s2], $0x1, s18, s14, $0xb8;
	[tilespmem:$0x141C0] =	vst v63  }
0x1b6: {  	s22 =	simm.s32 @!p3 $0xBA40  }
0x1b7: {  	[tilespmem:s22], [sflag:$0x3] =	stream.indirect.gather @!p3 [spmem:s3], $0x1, s18, s14, $0xb8;
	[tilespmem:$0x141C0] =	vst v63  }
0x1b8: {  	s22 =	simm.s32 @!p3 $0xC240  }
0x1b9: {  	[tilespmem:s22], [sflag:$0x3] =	stream.indirect.gather @!p3 [spmem:s4], $0x1, s18, s14, $0xb8;
	[tilespmem:$0x141C0] =	vst v63  }
0x1ba: {  	s18 =	simm.s32 @!p3 $0x7240;
	s22 =	simm.s32 @!p3 $0xCA40  }
0x1bb: {  	[tilespmem:s22], [sflag:$0x3] =	stream.indirect.gather @!p3 [spmem:s2], $0x1, s18, s14, $0xb8;
	[tilespmem:$0x141C0] =	vst v63  }
0x1bc: {  	s22 =	simm.s32 @!p3 $0xD240  }
0x1bd: {  	[tilespmem:s22], [sflag:$0x3] =	stream.indirect.gather @!p3 [spmem:s3], $0x1, s18, s14, $0xb8;
	[tilespmem:$0x141C0] =	vst v63  }
0x1be: {  	s22 =	simm.s32 @!p3 $0xDA40  }
0x1bf: {  	[tilespmem:s22], [sflag:$0x3] =	stream.indirect.gather @!p3 [spmem:s4], $0x1, s18, s14, $0xb8;
	[tilespmem:$0x141C0] =	vst v63  }
0x1c0: {  	_ =	swait.ge [sflag:s15], $0x7D0  }
0x1c1: {  	[sflag:s15] =	ssyncset.done $0x0  }
0x1c2: {  	[sflag:s15] =	ssyncadd.s32 $0xFFFFF830  }
0x1c3: {  	_ =	swait.ge [sflag:s15], $0x7D0  }
0x1c4: {  	[sflag:s15] =	ssyncset.done $0x0  }
0x1c5: {  	[sflag:s15] =	ssyncadd.s32 $0xFFFFF830  }
0x1c6: {  	_ =	swait.ge [sflag:s15], $0x7D0  }
0x1c7: {  	[sflag:s15] =	ssyncset.done $0x0  }
0x1c8: {  	[sflag:s15] =	ssyncadd.s32 $0xFFFFF830  }
0x1c9: {  	_ =	swait.ge [sflag:s15], $0x7D0  }
0x1ca: {  	[sflag:s15] =	ssyncset.done $0x0  }
0x1cb: {  	[sflag:s15] =	ssyncadd.s32 $0xFFFFF830  }
0x1cc: {  	_ =	swait.ge [sflag:s15], $0x7D0  }
0x1cd: {  	[sflag:s15] =	ssyncset.done $0x0  }
0x1ce: {  	[sflag:s15] =	ssyncadd.s32 $0xFFFFF830  }
0x1cf: {  	_ =	swait.ge [sflag:s15], $0x7D0  }
0x1d0: {  	[sflag:s15] =	ssyncset.done $0x0  }
0x1d1: {  	[sflag:s15] =	ssyncadd.s32 $0xFFFFF830  }
0x1d2: {  	_ =	swait.ge [sflag:s15], $0x7D0  }
0x1d3: {  	[sflag:s15] =	ssyncset.done $0x0  }
0x1d4: {  	[sflag:s15] =	ssyncadd.s32 $0xFFFFF830  }
0x1d5: {  	_ =	swait.ge [sflag:s15], $0x7D0  }
0x1d6: {  	[sflag:s15] =	ssyncset.done $0x0  }
0x1d7: {  	[sflag:s15] =	ssyncadd.s32 $0xFFFFF830  }
0x1d8: {  	_ =	swait.ge [sflag:s15], $0x7D0  }
0x1d9: {  	[sflag:s15] =	ssyncset.done $0x0  }
0x1da: {  	[sflag:s15] =	ssyncadd.s32 $0xFFFFF830  }
0x1db: {  	_ =	swait.ge [sflag:s15], $0x7D0  }
0x1dc: {  	s14 =	rddreg [dreg:$0x15]  }
0x1dd: {  	s14 =	sadd.s32 @!p3 s17, s14  }
0x1de: {  	s29 =	simm.s32 @!p5 $0x7A40;
	[sflag:s15] =	ssyncset.done $0x0;
	s17 =	sshrl.u32 @!p5 s14, $0x3  }
0x1df: {  	s22 =	simm.s32 @!p5 $0x0;
	[sflag:s15] =	ssyncadd.s32 $0xFFFFF830;
	s18 =	sadd.s32 @!p5 s8, s17  }
0x1e0: {  	[tilespmem:s29], [sflag:$0x2] =	stream.linear.gather @!p5 [hbm4b:s18+s22], $0x7D0, $0x38;
	[tilespmem:$0x141C0] =	vst v63  }
0x1e1: {  	s18 =	sadd.s32 @!p5 s9, s17;
	s29 =	simm.s32 @!p5 $0x8240  }
0x1e2: {  	[tilespmem:s29], [sflag:$0x2] =	stream.linear.gather @!p5 [hbm4b:s18+s22], $0x7D0, $0x38;
	[tilespmem:$0x141C0] =	vst v63  }
0x1e3: {  	s14 =	sshrl.u32 @!p6 s14, $0x3;
	s17 =	sadd.s32 @!p5 s10, s17;
	s18 =	simm.s32 @!p5 $0x8A40  }
0x1e4: {  	[tilespmem:s18], [sflag:$0x2] =	stream.linear.gather @!p5 [hbm4b:s17+s22], $0x7D0, $0x38;
	[tilespmem:$0x141C0] =	vst v63  }
0x1e5: {  	s17 =	sadd.s32 @!p6 s11, s14;
	s18 =	simm.s32 @!p6 $0x0;
	s22 =	simm.s32 @!p6 $0x7A40  }
0x1e6: {  	[tilespmem:s22], [sflag:$0x2] =	stream.linear.gather @!p6 [hbm4b:s17+s18], $0x7D0, $0x38;
	[tilespmem:$0x141C0] =	vst v63  }
0x1e7: {  	s17 =	sadd.s32 @!p6 s12, s14;
	s22 =	simm.s32 @!p6 $0x8240  }
0x1e8: {  	[tilespmem:s22], [sflag:$0x2] =	stream.linear.gather @!p6 [hbm4b:s17+s18], $0x7D0, $0x38;
	[tilespmem:$0x141C0] =	vst v63  }
0x1e9: {  	s30 =	simm.s32 $0x0;
	s14 =	sadd.s32 @!p6 s13, s14;
	s17 =	simm.s32 @!p6 $0x8A40  }
0x1ea: {  	[tilespmem:s17], [sflag:$0x2] =	stream.linear.gather @!p6 [hbm4b:s14+s18], $0x7D0, $0x38;
	[tilespmem:$0x141C0] =	vst v63  }
0x1eb: {  	v3 =	vld [tilespmem:s30+$0xE240]  }
0x1ec: {  	v4 =	vld [tilespmem:s30+$0x12A40]  }
0x1ed: {  	v5 =	vld [tilespmem:s30+$0x10A40]  }
0x1ee: {  	v6 =	vld [tilespmem:s30+$0x10240]  }
0x1ef: {  	v7 =	vld [tilespmem:s30+$0x12240]  }
0x1f0: {  	v8 =	vld [tilespmem:s30+$0x11240]  }
0x1f1: {  	v9 =	vld [tilespmem:s30+$0xF240]  }
0x1f2: {  	v10 =	vld [tilespmem:s30+$0xEA40]  }
0x1f3: {  	v11 =	vld [tilespmem:s30+$0x11A40];
	_ =	sdelay $0x2  }
0x1f4: {  	v8 =	vsub.f32 v8, v9;
	v4 =	vsub.f32 v4, v9  }
0x1f5: {  	v6 =	vsub.f32 v6, v3;
	v5 =	vsub.f32 v5, v10  }
0x1f6: {  	v3 =	vsub.f32 v11, v3;
	v7 =	vsub.f32 v7, v10  }
0x1f7: {  	v9 =	vmul.f32 v4, v5;
	v61 =	vmul.f32 v4, v6  }
0x1f8: {  	v4 =	vmul.f32 v7, v8;
	v8 =	vmul.f32 v3, v8  }
0x1f9: {  	v6 =	vmul.f32 v7, v6  }
0x1fa: {  	v3 =	vmul.f32 v3, v5;
	v4 =	vsub.f32 v9, v4;
	v5 =	vsub.f32 v8, v61;
	_ =	sdelay $0x1  }
0x1fb: {  	v3 =	vsub.f32 v6, v3;
	v6 =	vmul.f32 v4, v4;
	v7 =	vmul.f32 v5, v5;
	_ =	sdelay $0x1  }
0x1fc: {  	v6 =	vadd.f32 v7, v6;
	v7 =	vmul.f32 v3, v3;
	_ =	sdelay $0x1  }
0x1fd: {  	v6 =	vadd.f32 v6, v7;
	_ =	sdelay $0x1  }
0x1fe: {  	v7 =	vshrl.u32 v6, $0x1;
	v8 =	vmul.f32 $5.000000000e-01, v6  }
0x1ff: {  	v7 =	vsub.s32 $0x5F3759DF, v7  }
0x200: {  	v62 =	vmul.f32 v7, v8;
	_ =	sdelay $0x1  }
0x201: {  	v9 =	vmul.f32 v7, v62;
	_ =	sdelay $0x1  }
0x202: {  	v9 =	vsub.f32 $1.500000000e+00, v9;
	_ =	sdelay $0x1  }
0x203: {  	v7 =	vmul.f32 v7, v9;
	_ =	sdelay $0x1  }
0x204: {  	v9 =	vmul.f32 v7, v8;
	_ =	sdelay $0x1  }
0x205: {  	v9 =	vmul.f32 v9, v7;
	_ =	sdelay $0x1  }
0x206: {  	v9 =	vsub.f32 $1.500000000e+00, v9;
	_ =	sdelay $0x1  }
0x207: {  	v7 =	vmul.f32 v9, v7;
	_ =	sdelay $0x1  }
0x208: {  	v8 =	vmul.f32 v7, v8;
	_ =	sdelay $0x1  }
0x209: {  	v8 =	vmul.f32 v8, v7;
	_ =	sdelay $0x1  }
0x20a: {  	v8 =	vsub.f32 $1.500000000e+00, v8;
	_ =	sdelay $0x1  }
0x20b: {  	v7 =	vmul.f32 v8, v7;
	_ =	sdelay $0x1  }
0x20c: {  	v6 =	vmul.f32 v7, v6;
	_ =	sdelay $0x1  }
0x20d: {  	v63 =	vld [tilespmem:s30+$0xFA40];
	v6 =	vadd.f32 $9.999999930e-09, v6;
	_ =	sdelay $0x1  }
0x20e: {  	(erf) = vrcp.f32 v6;
	_ =	sdelay $0x2  }
0x20f: {  	v7 =	vtrunc.f32 v63  }
0x210: {  	v7 =	vcvt.f32.s32 v7;
	_ =	sdelay $0x1  }
0x211: {  	s17 =	simm.s32 $0x40;
	v6 =	vadd.s32 v1, v7  }
.LBB2_5:
0x212: {  	_ =	sdelay $0x1  }
0x213: {  	p3 =	sne.s32 s17, $0x1F00;
	s14 =	smov.u32 s17;
	s17 =	sadd.s32 $0x40, s17;
	v7 =	vpop (erf)  }
0x214: {  	v4 =	vmul.f32 v7, v4;
	v5 =	vmul.f32 v7, v5  }
0x215: {  	v3 =	vmul.f32 v7, v3;
	[tilespmem:v6+s21+$0x0] =	vst.idx.add.f32.msk $0xffff, v2  }
0x216: {  	[tilespmem:v6+s19+$0x0] =	vst.idx.add.f32.msk $0xffff, v4  }
0x217: {  	v4 =	vmul.f32 v4, v4;
	[tilespmem:v6+s26+$0x0] =	vst.idx.add.f32.msk $0xffff, v5  }
0x218: {  	v5 =	vmul.f32 v5, v5;
	[tilespmem:v6+s28+$0x0] =	vst.idx.add.f32.msk $0xffff, v3  }
0x219: {  	v3 =	vmul.f32 v3, v3;
	[tilespmem:v6+s31+$0x0] =	vst.idx.add.f32.msk $0xffff, v4  }
0x21a: {  	[tilespmem:v6+s6+$0x0] =	vst.idx.add.f32.msk $0xffff, v5  }
0x21b: {  	s18 =	sshra.s32 s14, $0x2;
	[tilespmem:v6+s1+$0x0] =	vst.idx.add.f32.msk $0xffff, v3  }
0x21c: {  	v3 =	vld [tilespmem:s18+$0xE240]  }
0x21d: {  	v4 =	vld [tilespmem:s18+$0x12A40]  }
0x21e: {  	v5 =	vld [tilespmem:s18+$0x10A40]  }
0x21f: {  	v6 =	vld [tilespmem:s18+$0x10240]  }
0x220: {  	v7 =	vld [tilespmem:s18+$0x12240]  }
0x221: {  	v8 =	vld [tilespmem:s18+$0x11240]  }
0x222: {  	v9 =	vld [tilespmem:s18+$0xF240]  }
0x223: {  	v10 =	vld [tilespmem:s18+$0xEA40]  }
0x224: {  	v11 =	vld [tilespmem:s18+$0x11A40];
	_ =	sdelay $0x2  }
0x225: {  	v8 =	vsub.f32 v8, v9;
	v4 =	vsub.f32 v4, v9  }
0x226: {  	v6 =	vsub.f32 v6, v3;
	v5 =	vsub.f32 v5, v10  }
0x227: {  	v7 =	vsub.f32 v7, v10;
	v3 =	vsub.f32 v11, v3  }
0x228: {  	v10 =	vmul.f32 v4, v6;
	v9 =	vmul.f32 v4, v5  }
0x229: {  	v4 =	vmul.f32 v7, v8;
	v8 =	vmul.f32 v3, v8  }
0x22a: {  	v6 =	vmul.f32 v7, v6;
	v3 =	vmul.f32 v3, v5  }
0x22b: {  	v4 =	vsub.f32 v9, v4;
	v5 =	vsub.f32 v8, v10  }
0x22c: {  	v3 =	vsub.f32 v6, v3  }
0x22d: {  	v6 =	vmul.f32 v4, v4;
	v7 =	vmul.f32 v5, v5;
	_ =	sdelay $0x1  }
0x22e: {  	v6 =	vadd.f32 v7, v6;
	v7 =	vmul.f32 v3, v3;
	_ =	sdelay $0x1  }
0x22f: {  	v6 =	vadd.f32 v6, v7;
	_ =	sdelay $0x1  }
0x230: {  	v7 =	vshrl.u32 v6, $0x1;
	v8 =	vmul.f32 $5.000000000e-01, v6  }
0x231: {  	v7 =	vsub.s32 $0x5F3759DF, v7  }
0x232: {  	v9 =	vmul.f32 v7, v8;
	_ =	sdelay $0x1  }
0x233: {  	v9 =	vmul.f32 v7, v9;
	_ =	sdelay $0x1  }
0x234: {  	v9 =	vsub.f32 $1.500000000e+00, v9;
	_ =	sdelay $0x1  }
0x235: {  	v7 =	vmul.f32 v7, v9;
	_ =	sdelay $0x1  }
0x236: {  	v9 =	vmul.f32 v7, v8;
	_ =	sdelay $0x1  }
0x237: {  	v9 =	vmul.f32 v9, v7;
	_ =	sdelay $0x1  }
0x238: {  	v9 =	vsub.f32 $1.500000000e+00, v9;
	_ =	sdelay $0x1  }
0x239: {  	v7 =	vmul.f32 v9, v7;
	_ =	sdelay $0x1  }
0x23a: {  	v8 =	vmul.f32 v7, v8;
	_ =	sdelay $0x1  }
0x23b: {  	v8 =	vmul.f32 v8, v7;
	_ =	sdelay $0x1  }
0x23c: {  	v8 =	vsub.f32 $1.500000000e+00, v8;
	_ =	sdelay $0x1  }
0x23d: {  	v7 =	vmul.f32 v8, v7;
	_ =	sdelay $0x1  }
0x23e: {  	v6 =	vmul.f32 v7, v6;
	_ =	sdelay $0x1  }
0x23f: {  	v6 =	vadd.f32 $9.999999930e-09, v6;
	v7 =	vld [tilespmem:s18+$0xFA40];
	_ =	sdelay $0x1  }
0x240: {  	(erf) = vrcp.f32 v6;
	_ =	sdelay $0x1  }
.Ltmp3:
0x241: {  	(pc) =	sbr.rel @p3 .LBB2_5-.Ltmp3, $3  }
0x242: {  	v6 =	vtrunc.f32 v7  }
0x243: {  	v6 =	vcvt.f32.s32 v6;
	_ =	sdelay $0x1  }
0x244: {  	v6 =	vadd.s32 v1, v6  }
0x245: {  	_ =	sdelay $0x1  }
0x246: {  	v7 =	vpop (erf)  }
0x247: {  	v4 =	vmul.f32 v7, v4  }
0x248: {  	[tilespmem:v6+s21+$0x0] =	vst.idx.add.f32.msk $0xffff, v2;
	s0 =	sadd.s32 $0x1, s0;
	v5 =	vmul.f32 v7, v5  }
0x249: {  	p3 =	sne.s32 s0, $0x19;
	v3 =	vmul.f32 v7, v3;
	[tilespmem:v6+s19+$0x0] =	vst.idx.add.f32.msk $0xffff, v4  }
.Ltmp4:
0x24a: {  	v4 =	vmul.f32 v4, v4;
	[tilespmem:v6+s26+$0x0] =	vst.idx.add.f32.msk $0xffff, v5;
	(pc) =	sbr.rel @p3 .LBB2_2-.Ltmp4, $4  }
0x24b: {  	v5 =	vmul.f32 v5, v5;
	[tilespmem:v6+s28+$0x0] =	vst.idx.add.f32.msk $0xffff, v3  }
0x24c: {  	v3 =	vmul.f32 v3, v3;
	[tilespmem:v6+s31+$0x0] =	vst.idx.add.f32.msk $0xffff, v4  }
0x24d: {  	[tilespmem:v6+s6+$0x0] =	vst.idx.add.f32.msk $0xffff, v5  }
0x24e: {  	[tilespmem:v6+s1+$0x0] =	vst.idx.add.f32.msk $0xffff, v3  }
0x24f: {  	v3 =	vld [tilespmem:$0x13240]  }
0x250: {  	v4 =	vld [tilespmem:$0x13250]  }
0x251: {  	v5 =	vld [tilespmem:$0x13260]  }
0x252: {  	v6 =	vld [tilespmem:$0x13270]  }
0x253: {  	v7 =	vld [tilespmem:$0x13280]  }
0x254: {  	v8 =	vld [tilespmem:$0x13290]  }
0x255: {  	v9 =	vld [tilespmem:$0x132A0]  }
0x256: {  	v10 =	vld [tilespmem:$0x132B0]  }
0x257: {  	v11 =	vld [tilespmem:$0x132C0]  }
0x258: {  	v12 =	vld [tilespmem:$0x132D0]  }
0x259: {  	v13 =	vld [tilespmem:$0x132E0]  }
0x25a: {  	v14 =	vld [tilespmem:$0x132F0]  }
0x25b: {  	v15 =	vld [tilespmem:$0x13300]  }
0x25c: {  	v16 =	vld [tilespmem:$0x13310]  }
0x25d: {  	v17 =	vld [tilespmem:$0x13320]  }
0x25e: {  	v18 =	vld [tilespmem:$0x13330]  }
0x25f: {  	v19 =	vld [tilespmem:$0x13340]  }
0x260: {  	v20 =	vld [tilespmem:$0x13350]  }
0x261: {  	v21 =	vld [tilespmem:$0x13360]  }
0x262: {  	v22 =	vld [tilespmem:$0x13370]  }
0x263: {  	v23 =	vld [tilespmem:$0x13380]  }
0x264: {  	v24 =	vld [tilespmem:$0x13390]  }
0x265: {  	v25 =	vld [tilespmem:$0x133A0]  }
0x266: {  	v26 =	vld [tilespmem:$0x133B0]  }
0x267: {  	v27 =	vld [tilespmem:$0x133C0]  }
0x268: {  	v28 =	vld [tilespmem:$0x133D0]  }
0x269: {  	v29 =	vld [tilespmem:$0x133E0]  }
0x26a: {  	v30 =	vld [tilespmem:$0x133F0]  }
0x26b: {  	v31 =	vld [tilespmem:$0x13400]  }
0x26c: {  	v32 =	vld [tilespmem:$0x13410]  }
0x26d: {  	v33 =	vld [tilespmem:$0x13420]  }
0x26e: {  	v34 =	vld [tilespmem:$0x13430]  }
0x26f: {  	v35 =	vld [tilespmem:$0x13440]  }
0x270: {  	v36 =	vld [tilespmem:$0x13450]  }
0x271: {  	v37 =	vld [tilespmem:$0x13460]  }
0x272: {  	v38 =	vld [tilespmem:$0x13470]  }
0x273: {  	v39 =	vld [tilespmem:$0x13480]  }
0x274: {  	v40 =	vld [tilespmem:$0x13490]  }
0x275: {  	v41 =	vld [tilespmem:$0x134A0]  }
0x276: {  	v42 =	vld [tilespmem:$0x134B0]  }
0x277: {  	v43 =	vld [tilespmem:$0x134C0]  }
0x278: {  	v44 =	vld [tilespmem:$0x134D0]  }
0x279: {  	v45 =	vld [tilespmem:$0x134E0]  }
0x27a: {  	v46 =	vld [tilespmem:$0x134F0]  }
0x27b: {  	v47 =	vld [tilespmem:$0x13500]  }
0x27c: {  	v48 =	vld [tilespmem:$0x13510]  }
0x27d: {  	v49 =	vld [tilespmem:$0x13520]  }
0x27e: {  	v50 =	vld [tilespmem:$0x13530]  }
0x27f: {  	v51 =	vld [tilespmem:$0x13540]  }
0x280: {  	v52 =	vld [tilespmem:$0x13550]  }
0x281: {  	v53 =	vld [tilespmem:$0x13560]  }
0x282: {  	v54 =	vld [tilespmem:$0x13570]  }
0x283: {  	v55 =	vld [tilespmem:$0x13580]  }
0x284: {  	v56 =	vld [tilespmem:$0x13590]  }
0x285: {  	v57 =	vld [tilespmem:$0x135A0]  }
0x286: {  	v58 =	vld [tilespmem:$0x135B0]  }
0x287: {  	v59 =	vld [tilespmem:$0x135C0]  }
0x288: {  	v63 =	vld [tilespmem:$0x13640];
	v3 =	vadd.f32 v4, v3  }
0x289: {  	v60 =	vadd.f32 v20, v19;
	v19 =	vld [tilespmem:$0x135D0];
	v61 =	vadd.f32 v36, v35  }
0x28a: {  	v20 =	vld [tilespmem:$0x135E0]  }
0x28b: {  	v35 =	vld [tilespmem:$0x13600];
	v3 =	vadd.f32 v5, v3;
	v62 =	vadd.f32 v37, v61  }
0x28c: {  	v36 =	vld [tilespmem:$0x13650];
	v4 =	vadd.f32 v21, v60  }
0x28d: {  	v21 =	vld [tilespmem:$0x135F0];
	v3 =	vadd.f32 v6, v3;
	v6 =	vadd.f32 v38, v62  }
0x28e: {  	v5 =	vld [tilespmem:$0x13610]  }
0x28f: {  	v37 =	vld [tilespmem:$0x13660];
	v6 =	vadd.f32 v39, v6  }
0x290: {  	v60 =	vld [tilespmem:$0x13880];
	v22 =	vadd.f32 v22, v4  }
0x291: {  	v61 =	vld [tilespmem:$0x13790];
	v7 =	vadd.f32 v7, v3;
	v6 =	vadd.f32 v40, v6  }
0x292: {  	v4 =	vld [tilespmem:$0x13620];
	v22 =	vadd.f32 v23, v22  }
0x293: {  	v38 =	vld [tilespmem:$0x13670];
	v7 =	vadd.f32 v8, v7;
	v6 =	vadd.f32 v41, v6  }
0x294: {  	v62 =	vld [tilespmem:$0x13890];
	v22 =	vadd.f32 v24, v22  }
0x295: {  	v3 =	vld [tilespmem:$0x13630];
	v7 =	vadd.f32 v9, v7;
	v6 =	vadd.f32 v42, v6  }
0x296: {  	v39 =	vld [tilespmem:$0x13680];
	v22 =	vadd.f32 v25, v22  }
0x297: {  	v40 =	vld [tilespmem:$0x13690];
	v7 =	vadd.f32 v10, v7;
	v6 =	vadd.f32 v43, v6  }
0x298: {  	v8 =	vadd.f32 v36, v63;
	v63 =	vld [tilespmem:$0x137A0];
	v22 =	vadd.f32 v26, v22  }
0x299: {  	v36 =	vld [tilespmem:$0x137B0];
	v7 =	vadd.f32 v11, v7;
	v6 =	vadd.f32 v44, v6  }
0x29a: {  	v41 =	vld [tilespmem:$0x136A0];
	v8 =	vadd.f32 v37, v8;
	v22 =	vadd.f32 v27, v22  }
0x29b: {  	v42 =	vld [tilespmem:$0x136B0];
	v7 =	vadd.f32 v12, v7;
	v6 =	vadd.f32 v45, v6  }
0x29c: {  	v8 =	vadd.f32 v38, v8;
	v38 =	vld [tilespmem:$0x138B0];
	v22 =	vadd.f32 v28, v22  }
0x29d: {  	v27 =	vld [tilespmem:$0x136D0];
	v7 =	vadd.f32 v13, v7;
	v6 =	vadd.f32 v46, v6  }
0x29e: {  	v43 =	vld [tilespmem:$0x13740];
	v8 =	vadd.f32 v39, v8;
	v22 =	vadd.f32 v29, v22  }
0x29f: {  	v39 =	vld [tilespmem:$0x137C0];
	v7 =	vadd.f32 v14, v7;
	v6 =	vadd.f32 v47, v6  }
0x2a0: {  	v44 =	vld [tilespmem:$0x13750];
	v22 =	vadd.f32 v30, v22  }
0x2a1: {  	v45 =	vld [tilespmem:$0x13840];
	v7 =	vadd.f32 v15, v7;
	v6 =	vadd.f32 v48, v6  }
0x2a2: {  	v46 =	vld [tilespmem:$0x13850];
	v22 =	vadd.f32 v31, v22  }
0x2a3: {  	v47 =	vld [tilespmem:$0x13760];
	v7 =	vadd.f32 v16, v7;
	v6 =	vadd.f32 v49, v6  }
0x2a4: {  	v22 =	vadd.f32 v32, v22;
	v48 =	vadd.f32 v52, v51;
	v49 =	vld [tilespmem:$0x13860]  }
0x2a5: {  	v16 =	vadd.f32 v44, v43;
	v6 =	vadd.f32 v50, v6;
	v50 =	vld [tilespmem:$0x13770]  }
0x2a6: {  	v51 =	vld [tilespmem:$0x13870];
	v22 =	vadd.f32 v33, v22;
	v33 =	vadd.f32 v53, v48  }
0x2a7: {  	v8 =	vadd.f32 v40, v8;
	v52 =	vadd.f32 v46, v45;
	v53 =	vld [tilespmem:$0x13780]  }
0x2a8: {  	v12 =	vld [tilespmem:$0x136C0];
	v16 =	vadd.f32 v47, v16;
	v54 =	vadd.f32 v54, v33  }
0x2a9: {  	v28 =	vld [tilespmem:$0x136F0];
	v8 =	vadd.f32 v41, v8;
	v9 =	vadd.f32 v49, v52  }
0x2aa: {  	v13 =	vld [tilespmem:$0x136E0];
	v32 =	vadd.f32 v55, v54;
	v16 =	vadd.f32 v50, v16  }
0x2ab: {  	v29 =	vld [tilespmem:$0x13710];
	v22 =	vadd.f32 v34, v22;
	v9 =	vadd.f32 v51, v9  }
0x2ac: {  	v34 =	vld [tilespmem:$0x138A0];
	v33 =	vadd.f32 v56, v32;
	v16 =	vadd.f32 v53, v16  }
0x2ad: {  	v41 =	vld [tilespmem:$0x138C0];
	v8 =	vadd.f32 v42, v8;
	v9 =	vadd.f32 v60, v9  }
0x2ae: {  	v14 =	vld [tilespmem:$0x13700];
	v37 =	vadd.f32 v57, v33;
	v16 =	vadd.f32 v61, v16  }
0x2af: {  	v30 =	vld [tilespmem:$0x13730];
	v8 =	vadd.f32 v12, v8;
	v9 =	vadd.f32 v62, v9  }
0x2b0: {  	v42 =	vld [tilespmem:$0x137D0];
	v40 =	vadd.f32 v58, v37;
	v10 =	vadd.f32 v63, v16  }
0x2b1: {  	v15 =	vld [tilespmem:$0x13720];
	v8 =	vadd.f32 v27, v8;
	v9 =	vadd.f32 v34, v9  }
0x2b2: {  	v43 =	vld [tilespmem:$0x138D0];
	v23 =	vadd.f32 v59, v40;
	v10 =	vadd.f32 v36, v10  }
0x2b3: {  	v44 =	vld [tilespmem:$0x137E0];
	v7 =	vadd.f32 v17, v7;
	v9 =	vadd.f32 v38, v9  }
0x2b4: {  	v45 =	vld [tilespmem:$0x138E0];
	v19 =	vadd.f32 v19, v23;
	v10 =	vadd.f32 v39, v10  }
0x2b5: {  	v46 =	vld [tilespmem:$0x137F0];
	v8 =	vadd.f32 v13, v8;
	v9 =	vadd.f32 v41, v9  }
0x2b6: {  	v47 =	vld [tilespmem:$0x138F0];
	v19 =	vadd.f32 v20, v19;
	v10 =	vadd.f32 v42, v10  }
0x2b7: {  	v48 =	vld [tilespmem:$0x13800];
	v7 =	vadd.f32 v18, v7;
	v9 =	vadd.f32 v43, v9  }
0x2b8: {  	v50 =	vld [tilespmem:$0x13900];
	v49 =	vadd.f32 v21, v19;
	v10 =	vadd.f32 v44, v10  }
0x2b9: {  	v8 =	vadd.f32 v28, v8;
	v51 =	vld [tilespmem:$0x13810];
	v9 =	vadd.f32 v45, v9  }
0x2ba: {  	v52 =	vld [tilespmem:$0x13910];
	v18 =	vadd.f32 v35, v49;
	v10 =	vadd.f32 v46, v10  }
0x2bb: {  	v8 =	vadd.f32 v14, v8;
	v53 =	vld [tilespmem:$0x13820];
	v9 =	vadd.f32 v47, v9  }
0x2bc: {  	v54 =	vld [tilespmem:$0x13920];
	v5 =	vadd.f32 v5, v18;
	v10 =	vadd.f32 v48, v10  }
0x2bd: {  	v55 =	vld [tilespmem:$0x13830];
	v8 =	vadd.f32 v29, v8;
	v9 =	vadd.f32 v50, v9  }
0x2be: {  	[tilespmem:$0x139B0] =	vst v0;
	v57 =	vld [tilespmem:$0x13930];
	v4 =	vadd.f32 v4, v5;
	v56 =	vadd.f32 v51, v10  }
0x2bf: {  	[tilespmem:$0x13940] =	vst v7;
	v58 =	vadd.f32 v15, v8;
	v59 =	vadd.f32 v52, v9  }
0x2c0: {  	[tilespmem:$0x13950] =	vst v22;
	v3 =	vadd.f32 v3, v4;
	v60 =	vadd.f32 v53, v56  }
0x2c1: {  	[tilespmem:$0x13960] =	vst v6;
	v61 =	vadd.f32 v30, v58;
	v62 =	vadd.f32 v54, v59  }
0x2c2: {  	[tilespmem:$0x13970] =	vst v3;
	v3 =	vadd.f32 v55, v60  }
0x2c3: {  	[tilespmem:$0x13980] =	vst v61;
	v63 =	vadd.f32 v57, v62  }
0x2c4: {  	[tilespmem:$0x13990] =	vst v3  }
0x2c5: {  	s0 =	rddreg [dreg:$0x16];
	s14 =	simm.s32 $0x13940;
	s29 =	simm.s32 $0x5;
	[tilespmem:$0x139A0] =	vst v63  }
0x2c6: {  	[spmem:s0] =	stream.linear.scatter [tilespmem:s14], [sflag:$0x5], $0x80, $0x38;
	[tilespmem:$0x141C0] =	vst v63  }
0x2c7: {  	_ =	swait.ge [sflag:s29], $0x80  }
0x2c8: {  	[sflag:s29] =	ssyncset.done $0x0  }
0x2c9: {  	[sflag:s29] =	ssyncadd.s32 $0xFFFFFF80  }
0x2ca: {  	[bflag:$0x0] =	sbarrier.arrive $0xFFFF  }
0x2cb: {  	s30 =	sld [smem:$0x7FD];
	_ =	sdelay $0x2  }
0x2cc: {  	p3 =	seq.s32 s30, $0x1  }
.Ltmp5:
0x2cd: {  	_ = 	snop;
	(pc) =	sbr.rel @p3 .LBB2_9-.Ltmp5, $2  }
0x2ce: {  	_ = 	snop  }
0x2cf: {  	s22 =	sld [smem:$0x7FB];
	_ =	sdelay $0x2  }
0x2d0: {  	s0 =	rddreg [dreg:$0x5];
	s14 =	simm.s32 $0x139C0;
	s18 =	simm.s32 $0x5  }
0x2d1: {  	[tilespmem:s14], [sflag:$0x5] =	stream.linear.gather [spmem:s0], $0x800, $0x38;
	[tilespmem:$0x141C0] =	vst v63  }
0x2d2: {  	_ =	swait.ge [sflag:s18], $0x800  }
0x2d3: {  	[sflag:s18] =	ssyncset.done $0x0  }
0x2d4: {  	[sflag:s18] =	ssyncadd.s32 $0xFFFFF800  }
0x2d5: {  	v3 =	vld [tilespmem:$0x139C0]  }
0x2d6: {  	v4 =	vld [tilespmem:$0x13A40]  }
0x2d7: {  	v5 =	vld [tilespmem:$0x13AC0]  }
0x2d8: {  	v6 =	vld [tilespmem:$0x13B40]  }
0x2d9: {  	v12 =	vld [tilespmem:$0x13BC0]  }
0x2da: {  	v13 =	vld [tilespmem:$0x13C40]  }
0x2db: {  	v14 =	vld [tilespmem:$0x13CC0]  }
0x2dc: {  	v17 =	vld [tilespmem:$0x13D40]  }
0x2dd: {  	v20 =	vld [tilespmem:$0x13DC0]  }
0x2de: {  	v32 =	vld [tilespmem:$0x13E40]  }
0x2df: {  	v7 =	vld [tilespmem:$0x13EC0]  }
0x2e0: {  	v10 =	vld [tilespmem:$0x13F40]  }
0x2e1: {  	v11 =	vld [tilespmem:$0x13FC0]  }
0x2e2: {  	v15 =	vld [tilespmem:$0x14040]  }
0x2e3: {  	v16 =	vld [tilespmem:$0x140C0]  }
0x2e4: {  	v18 =	vld [tilespmem:$0x14140]  }
0x2e5: {  	v8 =	vld [tilespmem:$0x139D0]  }
0x2e6: {  	v22 =	vld [tilespmem:$0x13AD0]  }
0x2e7: {  	v23 =	vld [tilespmem:$0x13B50]  }
0x2e8: {  	v24 =	vld [tilespmem:$0x13BD0]  }
0x2e9: {  	v25 =	vld [tilespmem:$0x13C50]  }
0x2ea: {  	v26 =	vld [tilespmem:$0x13CD0]  }
0x2eb: {  	v27 =	vld [tilespmem:$0x13D50]  }
0x2ec: {  	v28 =	vld [tilespmem:$0x13DD0]  }
0x2ed: {  	v29 =	vld [tilespmem:$0x13E50]  }
0x2ee: {  	v30 =	vld [tilespmem:$0x13ED0]  }
0x2ef: {  	v31 =	vld [tilespmem:$0x13F50]  }
0x2f0: {  	v34 =	vld [tilespmem:$0x13FD0]  }
0x2f1: {  	v19 =	vld [tilespmem:$0x14050]  }
0x2f2: {  	v21 =	vld [tilespmem:$0x140D0]  }
0x2f3: {  	v33 =	vld [tilespmem:$0x14150]  }
0x2f4: {  	v36 =	vld [tilespmem:$0x13A60]  }
0x2f5: {  	v37 =	vld [tilespmem:$0x13AE0]  }
0x2f6: {  	v38 =	vld [tilespmem:$0x13B60]  }
0x2f7: {  	v39 =	vld [tilespmem:$0x13BE0]  }
0x2f8: {  	v40 =	vld [tilespmem:$0x13C60]  }
0x2f9: {  	v41 =	vld [tilespmem:$0x13CE0]  }
0x2fa: {  	v42 =	vld [tilespmem:$0x13D60]  }
0x2fb: {  	v43 =	vld [tilespmem:$0x13DE0]  }
0x2fc: {  	v44 =	vld [tilespmem:$0x13E60]  }
0x2fd: {  	v45 =	vld [tilespmem:$0x13EE0]  }
0x2fe: {  	v46 =	vld [tilespmem:$0x13F60]  }
0x2ff: {  	v47 =	vld [tilespmem:$0x13FE0]  }
0x300: {  	v48 =	vld [tilespmem:$0x14060]  }
0x301: {  	v49 =	vld [tilespmem:$0x140E0]  }
0x302: {  	v50 =	vld [tilespmem:$0x14160]  }
0x303: {  	v51 =	vld [tilespmem:$0x139F0]  }
0x304: {  	v52 =	vld [tilespmem:$0x13A70]  }
0x305: {  	v53 =	vld [tilespmem:$0x13AF0]  }
0x306: {  	v54 =	vld [tilespmem:$0x13B70]  }
0x307: {  	v55 =	vld [tilespmem:$0x13BF0]  }
0x308: {  	v56 =	vld [tilespmem:$0x13C70]  }
0x309: {  	v57 =	vld [tilespmem:$0x13CF0]  }
0x30a: {  	v58 =	vld [tilespmem:$0x13D70]  }
0x30b: {  	v59 =	vld [tilespmem:$0x13DF0]  }
0x30c: {  	v60 =	vld [tilespmem:$0x13E70]  }
0x30d: {  	v61 =	vld [tilespmem:$0x13EF0]  }
0x30e: {  	v62 =	vld [tilespmem:$0x13F70]  }
0x30f: {  	v63 =	vld [tilespmem:$0x13FF0]  }
0x310: {  	v9 =	vld [tilespmem:$0x140F0]  }
0x311: {  	v35 =	vld [tilespmem:$0x13C80]  }
0x312: {  	[tilespmem:$0x1FF60] =	vst v10;
	v10 =	vld [tilespmem:$0x13A50]  }
0x313: {  	[tilespmem:$0x1FF70] =	vst v11;
	v11 =	vld [tilespmem:$0x139E0]  }
0x314: {  	[tilespmem:$0x1FF50] =	vst v7;
	v7 =	vld [tilespmem:$0x14070]  }
0x315: {  	[tilespmem:$0x1FFC0] =	vst v18;
	v18 =	vld [tilespmem:$0x14170]  }
0x316: {  	[tilespmem:$0x1FFA0] =	vst v16;
	v16 =	vld [tilespmem:$0x13A00]  }
0x317: {  	[tilespmem:$0x1FF80] =	vst v15;
	v15 =	vld [tilespmem:$0x13A80]  }
0x318: {  	[tilespmem:$0x1FF90] =	vst v19;
	v19 =	vld [tilespmem:$0x13B00]  }
0x319: {  	[tilespmem:$0x1FFB0] =	vst v21;
	v21 =	vld [tilespmem:$0x13B80];
	v3 =	vadd.f32 v4, v3  }
0x31a: {  	[tilespmem:$0x1FFD0] =	vst v33;
	v33 =	vld [tilespmem:$0x13C00]  }
0x31b: {  	[tilespmem:$0x1FFE0] =	vst v35;
	v35 =	vld [tilespmem:$0x13D00];
	v3 =	vadd.f32 v5, v3  }
0x31c: {  	v4 =	vld [tilespmem:$0x13D80]  }
0x31d: {  	v3 =	vadd.f32 v6, v3;
	v6 =	vld [tilespmem:$0x14000]  }
0x31e: {  	v8 =	vadd.f32 v10, v8;
	v10 =	vld [tilespmem:$0x13E00]  }
0x31f: {  	v5 =	vadd.f32 v36, v11;
	v11 =	vld [tilespmem:$0x13E80]  }
0x320: {  	v36 =	vld [tilespmem:$0x13E20]  }
0x321: {  	v3 =	vadd.f32 v12, v3;
	v12 =	vld [tilespmem:$0x14100]  }
0x322: {  	[tilespmem:$0x1FFF0] =	vst v35;
	v35 =	vadd.f32 v22, v8;
	v22 =	vld [tilespmem:$0x13F00]  }
0x323: {  	v5 =	vadd.f32 v37, v5;
	v8 =	vld [tilespmem:$0x13F80]  }
0x324: {  	v51 =	vadd.f32 v52, v51;
	v13 =	vadd.f32 v13, v3;
	v3 =	vld [tilespmem:$0x14180]  }
0x325: {  	v15 =	vadd.f32 v15, v16;
	v37 =	vadd.f32 v38, v5;
	v5 =	vld [tilespmem:$0x14080]  }
0x326: {  	v23 =	vadd.f32 v23, v35;
	v35 =	vadd.f32 v53, v51;
	v53 =	vld [tilespmem:$0x13A10]  }
0x327: {  	v15 =	vadd.f32 v19, v15;
	v38 =	vld [tilespmem:$0x14090]  }
0x328: {  	v51 =	vadd.f32 v54, v35;
	v35 =	vld [tilespmem:$0x13E90]  }
0x329: {  	v15 =	vadd.f32 v21, v15;
	v52 =	vadd.f32 v39, v37;
	v37 =	vld [tilespmem:$0x13F90]  }
0x32a: {  	v13 =	vadd.f32 v14, v13;
	v39 =	vld [tilespmem:$0x14190]  }
0x32b: {  	v15 =	vadd.f32 v33, v15;
	v33 =	vld [tilespmem:$0x13DB0]  }
0x32c: {  	v13 =	vadd.f32 v17, v13;
	v17 =	vld [tilespmem:$0x13B90]  }
0x32d: {  	v23 =	vadd.f32 v24, v23;
	v24 =	vadd.f32 v55, v51;
	v55 =	vld [tilespmem:$0x13A90]  }
0x32e: {  	v51 =	vld [tilespmem:$0x13B20]  }
0x32f: {  	v54 =	vadd.f32 v40, v52;
	v52 =	vld [tilespmem:$0x13B30]  }
0x330: {  	v23 =	vadd.f32 v25, v23;
	v40 =	vld [tilespmem:$0x13E30]  }
0x331: {  	v13 =	vadd.f32 v20, v13;
	v20 =	vld [tilespmem:$0x13C90]  }
0x332: {  	v23 =	vadd.f32 v26, v23;
	v26 =	vld [tilespmem:$0x13B10]  }
0x333: {  	v24 =	vadd.f32 v56, v24;
	v14 =	vadd.f32 v41, v54;
	v56 =	vld [tilespmem:$0x1FF50]  }
0x334: {  	v54 =	vld [tilespmem:$0x13BA0]  }
0x335: {  	v41 =	vld [tilespmem:$0x13EA0];
	v24 =	vadd.f32 v57, v24;
	v14 =	vadd.f32 v42, v14  }
0x336: {  	v13 =	vadd.f32 v32, v13;
	v32 =	vld [tilespmem:$0x13D90];
	v23 =	vadd.f32 v27, v23  }
0x337: {  	v27 =	vld [tilespmem:$0x13C10];
	v24 =	vadd.f32 v58, v24;
	v14 =	vadd.f32 v43, v14  }
0x338: {  	v57 =	vld [tilespmem:$0x1FF60];
	v23 =	vadd.f32 v28, v23  }
0x339: {  	v28 =	vld [tilespmem:$0x13D10];
	v24 =	vadd.f32 v59, v24;
	v14 =	vadd.f32 v44, v14  }
0x33a: {  	v58 =	vld [tilespmem:$0x1FF70];
	v13 =	vadd.f32 v56, v13;
	v23 =	vadd.f32 v29, v23  }
0x33b: {  	v56 =	vld [tilespmem:$0x13BB0];
	v24 =	vadd.f32 v60, v24;
	v14 =	vadd.f32 v45, v14  }
0x33c: {  	v59 =	vld [tilespmem:$0x1FF80];
	v23 =	vadd.f32 v30, v23  }
0x33d: {  	v60 =	vld [tilespmem:$0x1FF90];
	v24 =	vadd.f32 v61, v24;
	v14 =	vadd.f32 v46, v14  }
0x33e: {  	v45 =	vld [tilespmem:$0x1FFB0];
	v23 =	vadd.f32 v31, v23  }
0x33f: {  	v46 =	vld [tilespmem:$0x13A30];
	v24 =	vadd.f32 v62, v24;
	v14 =	vadd.f32 v47, v14  }
0x340: {  	v13 =	vadd.f32 v57, v13;
	v23 =	vadd.f32 v34, v23;
	v62 =	vld [tilespmem:$0x1FFA0]  }
0x341: {  	v24 =	vadd.f32 v63, v24;
	v14 =	vadd.f32 v48, v14;
	v48 =	vld [tilespmem:$0x13AB0]  }
0x342: {  	v13 =	vadd.f32 v58, v13;
	v61 =	vld [tilespmem:$0x13A20];
	v23 =	vadd.f32 v60, v23  }
0x343: {  	v53 =	vadd.f32 v55, v53;
	v63 =	vld [tilespmem:$0x13AA0];
	v7 =	vadd.f32 v7, v24  }
0x344: {  	v57 =	vld [tilespmem:$0x13C20];
	v13 =	vadd.f32 v59, v13;
	v23 =	vadd.f32 v45, v23  }
0x345: {  	v47 =	vld [tilespmem:$0x1FFC0];
	v14 =	vadd.f32 v49, v14;
	v7 =	vadd.f32 v9, v7  }
0x346: {  	v58 =	vld [tilespmem:$0x13C30];
	v13 =	vadd.f32 v62, v13;
	v24 =	vadd.f32 v48, v46  }
0x347: {  	v49 =	vld [tilespmem:$0x1FFD0];
	v7 =	vadd.f32 v18, v7;
	v18 =	vadd.f32 v26, v53  }
0x348: {  	v59 =	vld [tilespmem:$0x13CA0];
	v14 =	vadd.f32 v50, v14;
	v55 =	vadd.f32 v63, v61  }
0x349: {  	v62 =	vld [tilespmem:$0x1FFE0];
	v16 =	vadd.f32 v52, v24;
	v17 =	vadd.f32 v17, v18  }
0x34a: {  	v60 =	vld [tilespmem:$0x13CB0];
	v13 =	vadd.f32 v47, v13;
	v9 =	vadd.f32 v51, v55  }
0x34b: {  	v16 =	vadd.f32 v56, v16;
	v17 =	vadd.f32 v27, v17;
	v27 =	vld [tilespmem:$0x1FFF0]  }
0x34c: {  	v63 =	vld [tilespmem:$0x13D30];
	v23 =	vadd.f32 v49, v23;
	v9 =	vadd.f32 v54, v9  }
0x34d: {  	v61 =	vld [tilespmem:$0x13D20];
	v16 =	vadd.f32 v58, v16;
	v17 =	vadd.f32 v20, v17  }
0x34e: {  	v29 =	vld [tilespmem:$0x13E10];
	v15 =	vadd.f32 v62, v15;
	v9 =	vadd.f32 v57, v9  }
0x34f: {  	v26 =	vld [tilespmem:$0x13DA0];
	v16 =	vadd.f32 v60, v16;
	v17 =	vadd.f32 v28, v17  }
0x350: {  	v42 =	vld [tilespmem:$0x13EB0];
	v9 =	vadd.f32 v59, v9;
	v15 =	vadd.f32 v27, v15  }
0x351: {  	v43 =	vld [tilespmem:$0x13F20];
	v16 =	vadd.f32 v63, v16;
	v17 =	vadd.f32 v32, v17  }
0x352: {  	v30 =	vld [tilespmem:$0x13F10];
	v9 =	vadd.f32 v61, v9;
	v4 =	vadd.f32 v4, v15  }
0x353: {  	v44 =	vld [tilespmem:$0x13F30];
	v16 =	vadd.f32 v33, v16;
	v17 =	vadd.f32 v29, v17  }
0x354: {  	v31 =	vld [tilespmem:$0x14010];
	v9 =	vadd.f32 v26, v9;
	v4 =	vadd.f32 v10, v4  }
0x355: {  	v34 =	vld [tilespmem:$0x14110];
	v15 =	vadd.f32 v40, v16;
	v17 =	vadd.f32 v35, v17  }
0x356: {  	v46 =	vld [tilespmem:$0x13FB0];
	v9 =	vadd.f32 v36, v9;
	v4 =	vadd.f32 v11, v4  }
0x357: {  	v45 =	vld [tilespmem:$0x13FA0];
	v10 =	vadd.f32 v42, v15;
	v17 =	vadd.f32 v30, v17  }
0x358: {  	v49 =	vld [tilespmem:$0x14030];
	v9 =	vadd.f32 v41, v9;
	v4 =	vadd.f32 v22, v4  }
0x359: {  	v47 =	vld [tilespmem:$0x14020];
	v10 =	vadd.f32 v44, v10;
	v17 =	vadd.f32 v37, v17  }
0x35a: {  	v52 =	vld [tilespmem:$0x140B0];
	v48 =	vadd.f32 v43, v9;
	v4 =	vadd.f32 v8, v4  }
0x35b: {  	v50 =	vld [tilespmem:$0x140A0];
	v10 =	vadd.f32 v46, v10;
	v53 =	vadd.f32 v31, v17  }
0x35c: {  	v56 =	vld [tilespmem:$0x14130];
	v51 =	vadd.f32 v45, v48;
	v4 =	vadd.f32 v6, v4  }
0x35d: {  	v54 =	vld [tilespmem:$0x14120];
	v9 =	vadd.f32 v49, v10;
	v57 =	vadd.f32 v38, v53  }
0x35e: {  	v59 =	vld [tilespmem:$0x141B0];
	v55 =	vadd.f32 v47, v51;
	v4 =	vadd.f32 v5, v4  }
0x35f: {  	[tilespmem:$0x13960] =	vst v14;
	v58 =	vld [tilespmem:$0x141A0];
	v8 =	vadd.f32 v52, v9;
	v60 =	vadd.f32 v34, v57  }
0x360: {  	[tilespmem:$0x13940] =	vst v13;
	v5 =	vadd.f32 v50, v55;
	v4 =	vadd.f32 v12, v4  }
0x361: {  	[tilespmem:$0x13970] =	vst v7;
	v6 =	vadd.f32 v56, v8;
	v62 =	vadd.f32 v39, v60  }
0x362: {  	[tilespmem:$0x13950] =	vst v23;
	v61 =	vadd.f32 v54, v5;
	v3 =	vadd.f32 v3, v4  }
0x363: {  	v63 =	vadd.f32 v59, v6;
	[tilespmem:$0x13990] =	vst v62  }
0x364: {  	[tilespmem:$0x13980] =	vst v3;
	v3 =	vadd.f32 v58, v61  }
0x365: {  	s29 =	simm.s32 $0x0;
	[tilespmem:$0x139B0] =	vst v63  }
.Ltmp6:
0x366: {  	s17 =	simm.s32 $0x13940;
	s30 =	rddreg [dreg:$0x17];
	[tilespmem:$0x139A0] =	vst v3;
	(pc) =	sbr.rel .LBB2_9-.Ltmp6, $4  }
0x367: {  	[hbm4b:s30+s29] =	stream.linear.scatter [tilespmem:s17], [sflag:$0x5], $0x80, $0x38;
	[tilespmem:$0x141C0] =	vst v63  }
0x368: {  	_ =	swait.ge [sflag:s18], $0x80  }
0x369: {  	[sflag:s18] =	ssyncset.done $0x0  }
0x36a: {  	[sflag:s18] =	ssyncadd.s32 $0xFFFFFF80  }
.LBB2_10:
0x36b: {  	_ =	sfence.sel $0x180000  }
0x36c: {  	[bflag:$0x0] =	sbarrier.arrive $0xFFFF  }
0x36d: {  	_ =	strace $0x90000047  }
0x36e: {  	[bflag:$0x2] =	sbarrier.arrive $0xFFFF  }
0x36f: {  	s1 =	sld [smem:$0x7FD];
	_ =	sdelay $0x2  }
0x370: {  	s0 =	rddreg [dreg:$0x6];
	p0 =	seq.s32 s1, $0x1  }
0x371: {  	s0 =	sadd.s32 @!p0 $0x100000, s0  }
0x372: {  	[sflag:s0] =	ssyncadd.tile.s32 @!p0 $0x1;
	_ =	shalt  }
.Lfunc_end2:
_tile_overlayer_lowered:
.L_overlay_start_2:
0x373: {  	(tag) =	ssettag $0x2  }
0x374: {  	s0 =	rddreg [dreg:$0x0];
	s2 =	stileid.u32  }
0x375: {  	s1 =	rddreg [dreg:$0x1];
	p0 =	sne.s32 s2, $0x0  }
0x376: {  	s3 =	rddreg [dreg:$0x2];
	[bflag:$0x3] =	sbarrier.arrive $0xFFFF;
	s2 =	simm.s32 @!p0 $0x1C05  }
0x377: {  	[timem:s3], [sflag:s2] =	dma.local @!p0 [hbm:s0], s1  }
0x378: {  	s0 =	simm.s32 @!p0 $0x5  }
0x379: {  	_ =	swait.ge @!p0 [sflag:s0], s1  }
0x37a: {  	s1 =	ssub.s32 @!p0 $0x0, s1;
	[sflag:s0] =	ssyncset.done @!p0 $0x0  }
0x37b: {  	[sflag:s0] =	ssyncadd.s32 @!p0 s1  }
0x37c: {  	[bflag:$0x3] =	sbarrier.arrive $0xFFFF  }
0x37d: {  	_ =	shalt  }

</sc_bundles>
